<compile_context>
chip_gen: v7x
topology: tpu7x:2x2x1
jax: 0.10.2.dev20260603
libtpu: 0.0.44.dev20260713+nightly
codegen_flags: <defaults>
</compile_context>

<pallas_src>
import functools

import jax
import jax.numpy as jnp
from jax import lax
from jax.experimental import pallas as pl
from jax.experimental.pallas import tpu as pltpu
from jax.experimental.pallas import tpu_sc as plsc

N = 10000
E = 320000
D_IN = 128
HID = 128
D_OUT = 128
NUM_RELS = 8
NUM_BASES = 4

_NC = 2
_NS = 16
_NW = _NC * _NS
_ET = E // _NW
_CH = 125
_NCHUNK = _ET // _CH

_SPLIT = 9600
_NA = _SPLIT + 128
_NB = (N - _SPLIT) + 512

_BLK = 400
_NBLK = N // _BLK


def _prep_body(coeff0_ref, basis0_ref, coeff1_ref, basis1_ref, et_ref, src_ref,
               dst_ref, w0_ref, w1_ref, gidx_ref, dsta_ref, dstb_ref,
               gidxb_ref):
    w0_ref[...] = jnp.dot(coeff0_ref[...], basis0_ref[...],
                          preferred_element_type=jnp.float32)
    w1_ref[...] = jnp.dot(coeff1_ref[...], basis1_ref[...],
                          preferred_element_type=jnp.float32)
    gidx = et_ref[...] * N + src_ref[...]
    gidx_ref[...] = gidx
    d = dst_ref[...]
    high = d >= _SPLIT
    dsta_ref[...] = jnp.where(high, _SPLIT + jnp.bitwise_and(d, 127), d)
    dstb_ref[...] = jnp.where(high, d - _SPLIT,
                              (N - _SPLIT) + jnp.bitwise_and(d, 511))
    gidxb_ref[...] = jnp.where(high, gidx, 0)


def _prep(coeff0, basis0_2d, coeff1, basis1_2d, et2d, src2d, dst2d):
    return pl.pallas_call(
        _prep_body,
        out_shape=(
            jax.ShapeDtypeStruct((NUM_RELS, HID * HID), jnp.float32),
            jax.ShapeDtypeStruct((NUM_RELS, HID * HID), jnp.float32),
            jax.ShapeDtypeStruct((E // 128, 128), jnp.int32),
            jax.ShapeDtypeStruct((E // 128, 128), jnp.int32),
            jax.ShapeDtypeStruct((E // 128, 128), jnp.int32),
            jax.ShapeDtypeStruct((E // 128, 128), jnp.int32),
        ),
    )(coeff0, basis0_2d, coeff1, basis1_2d, et2d, src2d, dst2d)


def _proj_first_body(x_ref, win_ref, bin_ref, w_ref, wself_ref, bias_ref,
                     hproj_ref, selfp_ref):
    h = jnp.maximum(
        jnp.dot(x_ref[...], win_ref[...], preferred_element_type=jnp.float32)
        + bin_ref[...], 0.0)
    selfp_ref[...] = jnp.dot(h, wself_ref[...],
                             preferred_element_type=jnp.float32) + bias_ref[...]
    for r in range(NUM_RELS):
        hproj_ref[r] = jnp.dot(h, w_ref[r], preferred_element_type=jnp.float32)


def _combine(agga_ref, aggb_ref, selfp_prev_ref):
    i = pl.program_id(0)
    low = agga_ref[0] + agga_ref[1]
    high = aggb_ref[0] + aggb_ref[1]
    comb = jnp.where(i < _NBLK - 1, low, high)
    return jnp.maximum(comb + selfp_prev_ref[...], 0.0)


def _proj_mid_body(agga_ref, aggb_ref, selfp_prev_ref, w_ref, wself_ref,
                   bias_ref, hproj_ref, selfp_ref):
    h = _combine(agga_ref, aggb_ref, selfp_prev_ref)
    selfp_ref[...] = jnp.dot(h, wself_ref[...],
                             preferred_element_type=jnp.float32) + bias_ref[...]
    for r in range(NUM_RELS):
        hproj_ref[r] = jnp.dot(h, w_ref[r], preferred_element_type=jnp.float32)


def _out_body(agga_ref, aggb_ref, selfp_prev_ref, wout_ref, bout_ref, out_ref):
    h = _combine(agga_ref, aggb_ref, selfp_prev_ref)
    out_ref[...] = jnp.maximum(
        jnp.dot(h, wout_ref[...], preferred_element_type=jnp.float32)
        + bout_ref[...], 0.0)


def _proj_first(x, W_in, b_in, W, Wself, bias):
    return pl.pallas_call(
        _proj_first_body,
        grid=(_NBLK,),
        in_specs=[
            pl.BlockSpec((_BLK, D_IN), lambda i: (i, 0)),
            pl.BlockSpec((D_IN, HID), lambda i: (0, 0)),
            pl.BlockSpec((1, HID), lambda i: (0, 0)),
            pl.BlockSpec((NUM_RELS, HID, HID), lambda i: (0, 0, 0)),
            pl.BlockSpec((HID, HID), lambda i: (0, 0)),
            pl.BlockSpec((1, HID), lambda i: (0, 0)),
        ],
        out_specs=[
            pl.BlockSpec((NUM_RELS, _BLK, HID), lambda i: (0, i, 0)),
            pl.BlockSpec((_BLK, HID), lambda i: (i, 0)),
        ],
        out_shape=(
            jax.ShapeDtypeStruct((NUM_RELS, N, HID), jnp.float32),
            jax.ShapeDtypeStruct((N, HID), jnp.float32),
        ),
    )(x, W_in, b_in, W, Wself, bias)


_agga_spec = pl.BlockSpec((_NC, _BLK, HID),
                          lambda i: (0, jnp.minimum(i, _NBLK - 2), 0))
_aggb_spec = pl.BlockSpec((_NC, N - _SPLIT, HID), lambda i: (0, 0, 0))


def _proj_mid(aggpa, aggpb, selfp_prev, W, Wself, bias):
    return pl.pallas_call(
        _proj_mid_body,
        grid=(_NBLK,),
        in_specs=[
            _agga_spec,
            _aggb_spec,
            pl.BlockSpec((_BLK, HID), lambda i: (i, 0)),
            pl.BlockSpec((NUM_RELS, HID, HID), lambda i: (0, 0, 0)),
            pl.BlockSpec((HID, HID), lambda i: (0, 0)),
            pl.BlockSpec((1, HID), lambda i: (0, 0)),
        ],
        out_specs=[
            pl.BlockSpec((NUM_RELS, _BLK, HID), lambda i: (0, i, 0)),
            pl.BlockSpec((_BLK, HID), lambda i: (i, 0)),
        ],
        out_shape=(
            jax.ShapeDtypeStruct((NUM_RELS, N, HID), jnp.float32),
            jax.ShapeDtypeStruct((N, HID), jnp.float32),
        ),
    )(aggpa, aggpb, selfp_prev, W, Wself, bias)


def _out_proj(aggpa, aggpb, selfp_prev, W_out, b_out):
    return pl.pallas_call(
        _out_body,
        grid=(_NBLK,),
        in_specs=[
            _agga_spec,
            _aggb_spec,
            pl.BlockSpec((_BLK, HID), lambda i: (i, 0)),
            pl.BlockSpec((HID, D_OUT), lambda i: (0, 0)),
            pl.BlockSpec((1, D_OUT), lambda i: (0, 0)),
        ],
        out_specs=pl.BlockSpec((_BLK, D_OUT), lambda i: (i, 0)),
        out_shape=jax.ShapeDtypeStruct((N, D_OUT), jnp.float32),
    )(aggpa, aggpb, selfp_prev, W_out, b_out)


_sc_mesh = plsc.VectorSubcoreMesh(core_axis_name="c", subcore_axis_name="s")


def _make_sc_agg(nacc):
    q = (nacc // (_NS * 8)) * 8
    last = nacc - (_NS - 1) * q

    def _zero_span(zeros_hbm, acc_sh, base, nrows):
        nfull, rem = divmod(nrows, 128)
        for k in range(nfull):
            pltpu.sync_copy(zeros_hbm, acc_sh.at[pl.ds(base + k * 128, 128)])
        if rem:
            pltpu.sync_copy(zeros_hbm.at[pl.ds(0, rem)],
                            acc_sh.at[pl.ds(base + nfull * 128, rem)])

    @functools.partial(
        pl.kernel,
        out_type=jax.ShapeDtypeStruct((_NC, nacc, HID), jnp.float32),
        mesh=_sc_mesh,
        scratch_types=[
            pltpu.VMEM((_NCHUNK, _CH), jnp.int32),
            pltpu.VMEM((_NCHUNK, _CH), jnp.int32),
            pltpu.VMEM((_CH, HID), jnp.float32),
            pltpu.VMEM((_CH, HID), jnp.float32),
            pltpu.VMEM_SHARED((nacc, HID), jnp.float32),
            pltpu.SemaphoreType.DMA,
            pltpu.SemaphoreType.DMA,
        ],
    )
    def _sc_agg(hproj_hbm, gidx_hbm, dst_hbm, zeros_hbm, out_hbm,
                gidx_v, dst_v, rows_a, rows_b, acc_sh, sem_a, sem_b):
        c = lax.axis_index("c")
        s = lax.axis_index("s")
        wid = c * _NS + s

        pltpu.sync_copy(gidx_hbm.at[pl.ds(wid * _NCHUNK, _NCHUNK)], gidx_v)
        pltpu.sync_copy(dst_hbm.at[pl.ds(wid * _NCHUNK, _NCHUNK)], dst_v)

        @pl.when(s < _NS - 1)
        def _():
            _zero_span(zeros_hbm, acc_sh, s * q, q)

        @pl.when(s == _NS - 1)
        def _():
            _zero_span(zeros_hbm, acc_sh, (_NS - 1) * q, last)

        plsc.subcore_barrier()

        pltpu.async_copy(hproj_hbm.at[gidx_v.at[0]], rows_a, sem_a)

        def pair(t, carry):
            j0 = 2 * t
            pltpu.make_async_copy(hproj_hbm.at[gidx_v.at[j0]], rows_a,
                                  sem_a).wait()
            pltpu.async_copy(hproj_hbm.at[gidx_v.at[j0 + 1]], rows_b, sem_b)
            pltpu.sync_copy(rows_a, acc_sh.at[dst_v.at[j0]], add=True)
            pltpu.make_async_copy(hproj_hbm.at[gidx_v.at[j0 + 1]], rows_b,
                                  sem_b).wait()

            @pl.when(j0 + 2 < _NCHUNK)
            def _():
                pltpu.async_copy(hproj_hbm.at[gidx_v.at[j0 + 2]], rows_a,
                                 sem_a)

            pltpu.sync_copy(rows_b, acc_sh.at[dst_v.at[j0 + 1]], add=True)
            return carry

        lax.fori_loop(0, _NCHUNK // 2, pair, 0)

        plsc.subcore_barrier()

        @pl.when(s < _NS - 1)
        def _():
            pltpu.sync_copy(acc_sh.at[pl.ds(s * q, q)],
                            out_hbm.at[c].at[pl.ds(s * q, q)])

        @pl.when(s == _NS - 1)
        def _():
            pltpu.sync_copy(acc_sh.at[pl.ds((_NS - 1) * q, last)],
                            out_hbm.at[c].at[pl.ds((_NS - 1) * q, last)])

    return _sc_agg


_sc_agg_low = _make_sc_agg(_NA)
_sc_agg_high = _sc_agg_low


def kernel(x, edge_index, etypes, W_in, b_in, basis0, coeff0, Wself0, bias0,
           basis1, coeff1, Wself1, bias1, W_out, b_out):
    src = edge_index[0]
    dst = edge_index[1]

    et2d = etypes.reshape(E // 128, 128)
    src2d = src.reshape(E // 128, 128)
    dst2d = dst.reshape(E // 128, 128)
    b_in2 = b_in.reshape(1, HID)
    bias0_2 = bias0.reshape(1, HID)
    bias1_2 = bias1.reshape(1, HID)
    b_out2 = b_out.reshape(1, D_OUT)
    basis0_2d = basis0.reshape(NUM_BASES, HID * HID)
    basis1_2d = basis1.reshape(NUM_BASES, HID * HID)
    zeros = jnp.zeros((128, HID), jnp.float32)

    w0_2d, w1_2d, gidx, dsta, dstb, gidxb = _prep(coeff0, basis0_2d, coeff1,
                                                  basis1_2d, et2d, src2d,
                                                  dst2d)
    W0 = w0_2d.reshape(NUM_RELS, HID, HID)
    W1 = w1_2d.reshape(NUM_RELS, HID, HID)
    gidx2d = gidx.reshape(_NW * _NCHUNK, _CH)
    dsta2d = dsta.reshape(_NW * _NCHUNK, _CH)
    dstb2d = dstb.reshape(_NW * _NCHUNK, _CH)
    gidxb2d = gidxb.reshape(_NW * _NCHUNK, _CH)

    hproj0, selfp0 = _proj_first(x, W_in, b_in2, W0, Wself0, bias0_2)
    h0_2d = hproj0.reshape(NUM_RELS * N, HID)
    aggpa0 = _sc_agg_low(h0_2d, gidx2d, dsta2d, zeros)
    aggpb0 = _sc_agg_high(h0_2d, gidx2d, dstb2d, zeros)
    hproj1, selfp1 = _proj_mid(aggpa0, aggpb0, selfp0, W1, Wself1, bias1_2)
    h1_2d = hproj1.reshape(NUM_RELS * N, HID)
    aggpa1 = _sc_agg_low(h1_2d, gidx2d, dsta2d, zeros)
    aggpb1 = _sc_agg_high(h1_2d, gidx2d, dstb2d, zeros)
    return _out_proj(aggpa1, aggpb1, selfp1, W_out, b_out2)

# --- scband reference (transcript-rebuilt; emitter-appended) ---
"""Pipeline reference for scband-rgcn-7533372637979 (READ-ONLY COPY).

The authoritative reference and input builder live on the scoring server;
editing this copy changes nothing except your own understanding.
"""

import jax, jax.numpy as jnp
import numpy as np

N = 10000
E = 320000
D_IN = 128
HID = 128
D_OUT = 128
NUM_RELS = 8
NUM_BASES = 4


def setup_inputs(seed: int = 0) -> dict:
    key = jax.random.key(seed)
    ks = jax.random.split(key, 16)
    sc_in = 1.0 / np.sqrt(D_IN)
    sc_h = 1.0 / np.sqrt(HID)
    inp = {}
    inp["x"] = jax.random.normal(ks[0], (N, D_IN), dtype=jnp.float32)
    inp["edge_index"] = jax.random.randint(ks[1], (2, E), 0, N, dtype=jnp.int32)
    inp["etypes"] = jax.random.randint(ks[2], (E,), 0, NUM_RELS, dtype=jnp.int32)
    # input layer: Linear(in_size, hidden_size)
    inp["W_in"] = jax.random.normal(ks[3], (D_IN, HID), dtype=jnp.float32) * sc_in
    inp["b_in"] = jnp.zeros((HID,), dtype=jnp.float32)
    # RelGraphConv layer 0 (basis regularizer)
    inp["basis0"] = jax.random.normal(ks[4], (NUM_BASES, HID, HID), dtype=jnp.float32) * sc_h
    inp["coeff0"] = jax.random.normal(ks[5], (NUM_RELS, NUM_BASES), dtype=jnp.float32) * (1.0 / np.sqrt(NUM_BASES))
    inp["Wself0"] = jax.random.normal(ks[6], (HID, HID), dtype=jnp.float32) * sc_h
    inp["bias0"] = jnp.zeros((HID,), dtype=jnp.float32)
    # RelGraphConv layer 1
    inp["basis1"] = jax.random.normal(ks[7], (NUM_BASES, HID, HID), dtype=jnp.float32) * sc_h
    inp["coeff1"] = jax.random.normal(ks[8], (NUM_RELS, NUM_BASES), dtype=jnp.float32) * (1.0 / np.sqrt(NUM_BASES))
    inp["Wself1"] = jax.random.normal(ks[9], (HID, HID), dtype=jnp.float32) * sc_h
    inp["bias1"] = jnp.zeros((HID,), dtype=jnp.float32)
    # output layer: Linear(hidden_size, out_feats)
    inp["W_out"] = jax.random.normal(ks[10], (HID, D_OUT), dtype=jnp.float32) * sc_h
    inp["b_out"] = jnp.zeros((D_OUT,), dtype=jnp.float32)
    return inp


def _rel_conv(h, src, dst, etypes, basis, coeff, w_self, bias, n_nodes):
    # basis-decomposed relation weights: W[r] = sum_b coeff[r,b] * basis[b]
    W = jnp.einsum('rb,bio->rio', coeff, basis)            # [R, HID, HID]
    # project node features under each relation (identical math to per-edge matmul,
    # since the message depends only on (src, etype))
    hproj = jnp.einsum('ni,rio->rno', h, W)                # [R, N, HID]
    msg = hproj[etypes, src]                               # gather [E, HID]
    agg = jax.ops.segment_sum(msg, dst, num_segments=n_nodes)  # scatter-add [N, HID]
    return jax.nn.relu(agg + h @ w_self + bias)


def reference(x, edge_index, etypes, W_in, b_in, basis0, coeff0, Wself0, bias0, basis1, coeff1, Wself1, bias1, W_out, b_out):
    src = edge_index[0]
    dst = edge_index[1]
    n = x.shape[0]
    h = jax.nn.relu(x @ W_in + b_in)
    h = _rel_conv(h, src, dst, etypes, basis0, coeff0, Wself0, bias0, n)
    h = _rel_conv(h, src, dst, etypes, basis1, coeff1, Wself1, bias1, n)
    out = jax.nn.relu(h @ W_out + b_out)
    return out

if __name__ == "__main__":
    import jax
    _d = setup_inputs()
    print(jax.jit(kernel)(*tuple(_d.values())))

</pallas_src>

<mosaic_0001>
#map = affine_map<(d0, d1) -> (0, 0)>
#map1 = affine_map<(d0, d1) -> (0, 0, 0)>
module attributes {stable_mosaic.version = 14 : i64} {
  func.func @_sc_agg(%arg0: i32, %arg1: i32, %arg2: memref<80000x128xf32, #tpu.memory_space<hbm>>, %arg3: memref<2560x125xi32, #tpu.memory_space<hbm>>, %arg4: memref<2560x125xi32, #tpu.memory_space<hbm>>, %arg5: memref<128x128xf32, #tpu.memory_space<hbm>>, %arg6: memref<2x9728x128xf32, #tpu.memory_space<hbm>>, %arg7: memref<80x125xi32, #tpu.memory_space<vmem>>, %arg8: memref<80x125xi32, #tpu.memory_space<vmem>>, %arg9: memref<125x128xf32, #tpu.memory_space<vmem>>, %arg10: memref<125x128xf32, #tpu.memory_space<vmem>>, %arg11: memref<9728x128xf32, #tpu.memory_space<vmem_shared>>, %arg12: memref<!tpu.dma_semaphore, #tpu.memory_space<semaphore_mem>>, %arg13: memref<!tpu.dma_semaphore, #tpu.memory_space<semaphore_mem>>) attributes {dimension_semantics = [#tpu.dimension_semantics<core_parallel>, #tpu.dimension_semantics<subcore_parallel>], iteration_bounds = array<i64: 2, 16>, scalar_prefetch = 0 : i64, scratch_operands = 7 : i64, tpu.core_type = #tpu.core_type<sc_vector_subcore>, window_params = [{transform_indices = #map}, {transform_indices = #map}, {transform_indices = #map}, {transform_indices = #map}, {transform_indices = #map1}]} {
    %mul3A = arith.constant 16 : i32
    %mul3A_0 = arith.muli %arg0, %mul3A : i32
    %add3A = arith.addi %mul3A_0, %arg1 : i32
    %mul3A_1 = arith.constant 80 : i32
    %mul3A_2 = arith.muli %add3A, %mul3A_1 : i32
    "tpu.region"() ({
      %run_scoped3A = tpu.sem_alloc : memref<!tpu.dma_semaphore, #tpu.memory_space<semaphore_mem>>
      %dma_start3A_33 = arith.constant 0 : i32
      %dma_start3A_34 = tpu.memref_slice %arg3[%mul3A_2, %dma_start3A_33] : memref<2560x125xi32, #tpu.memory_space<hbm>> -> memref<80x125xi32, #tpu.memory_space<hbm>>
      %dma_start3A_35 = arith.constant 0 : i32
      %dma_start3A_36 = tpu.memref_slice %arg3[%mul3A_2, %dma_start3A_35] : memref<2560x125xi32, #tpu.memory_space<hbm>> -> memref<80x125xi32, #tpu.memory_space<hbm>>
      tpu.enqueue_dma source(%dma_start3A_36 : memref<80x125xi32, #tpu.memory_space<hbm>>) target(%arg7 : memref<80x125xi32, #tpu.memory_space<vmem>>) target_semaphore(%run_scoped3A : memref<!tpu.dma_semaphore, #tpu.memory_space<semaphore_mem>>)
      %dma_wait3A = arith.constant 0 : i32
      %dma_wait3A_37 = tpu.memref_slice %arg3[%mul3A_2, %dma_wait3A] : memref<2560x125xi32, #tpu.memory_space<hbm>> -> memref<80x125xi32, #tpu.memory_space<hbm>>
      %dma_wait3A_38 = arith.constant 0 : i32
      %dma_wait3A_39 = tpu.memref_slice %arg3[%mul3A_2, %dma_wait3A_38] : memref<2560x125xi32, #tpu.memory_space<hbm>> -> memref<80x125xi32, #tpu.memory_space<hbm>>
      tpu.wait_dma2 semaphore(%run_scoped3A : memref<!tpu.dma_semaphore, #tpu.memory_space<semaphore_mem>>) src(%dma_wait3A_39 : memref<80x125xi32, #tpu.memory_space<hbm>>) dst(%arg7 : memref<80x125xi32, #tpu.memory_space<vmem>>)
      tpu.yield
    }) : () -> ()
    %mul3A_3 = arith.constant 80 : i32
    %mul3A_4 = arith.muli %add3A, %mul3A_3 : i32
    "tpu.region"() ({
      %run_scoped3A = tpu.sem_alloc : memref<!tpu.dma_semaphore, #tpu.memory_space<semaphore_mem>>
      %dma_start3A_33 = arith.constant 0 : i32
      %dma_start3A_34 = tpu.memref_slice %arg4[%mul3A_4, %dma_start3A_33] : memref<2560x125xi32, #tpu.memory_space<hbm>> -> memref<80x125xi32, #tpu.memory_space<hbm>>
      %dma_start3A_35 = arith.constant 0 : i32
      %dma_start3A_36 = tpu.memref_slice %arg4[%mul3A_4, %dma_start3A_35] : memref<2560x125xi32, #tpu.memory_space<hbm>> -> memref<80x125xi32, #tpu.memory_space<hbm>>
      tpu.enqueue_dma source(%dma_start3A_36 : memref<80x125xi32, #tpu.memory_space<hbm>>) target(%arg8 : memref<80x125xi32, #tpu.memory_space<vmem>>) target_semaphore(%run_scoped3A : memref<!tpu.dma_semaphore, #tpu.memory_space<semaphore_mem>>)
      %dma_wait3A = arith.constant 0 : i32
      %dma_wait3A_37 = tpu.memref_slice %arg4[%mul3A_4, %dma_wait3A] : memref<2560x125xi32, #tpu.memory_space<hbm>> -> memref<80x125xi32, #tpu.memory_space<hbm>>
      %dma_wait3A_38 = arith.constant 0 : i32
      %dma_wait3A_39 = tpu.memref_slice %arg4[%mul3A_4, %dma_wait3A_38] : memref<2560x125xi32, #tpu.memory_space<hbm>> -> memref<80x125xi32, #tpu.memory_space<hbm>>
      tpu.wait_dma2 semaphore(%run_scoped3A : memref<!tpu.dma_semaphore, #tpu.memory_space<semaphore_mem>>) src(%dma_wait3A_39 : memref<80x125xi32, #tpu.memory_space<hbm>>) dst(%arg8 : memref<80x125xi32, #tpu.memory_space<vmem>>)
      tpu.yield
    }) : () -> ()
    %lt3A = arith.constant 15 : i32
    %lt3A_5 = arith.cmpi slt, %arg1, %lt3A : i32
    %convert_element_type3A = arith.extui %lt3A_5 : i1 to i32
    %cond3A = arith.constant 0 : i32
    %cond3A_6 = arith.cmpi ne, %convert_element_type3A, %cond3A : i32
    scf.if %cond3A_6 {
      %mul3A_33 = arith.constant 608 : i32
      %mul3A_34 = arith.muli %arg1, %mul3A_33 : i32
      %add3A_35 = arith.constant 0 : i32
      %add3A_36 = arith.addi %mul3A_34, %add3A_35 : i32
      "tpu.region"() ({
        %run_scoped3A = tpu.sem_alloc : memref<!tpu.dma_semaphore, #tpu.memory_space<semaphore_mem>>
        %dma_start3A_45 = arith.constant 0 : i32
        %dma_start3A_46 = tpu.memref_slice %arg11[%add3A_36, %dma_start3A_45] : memref<9728x128xf32, #tpu.memory_space<vmem_shared>> -> memref<128x128xf32, #tpu.memory_space<vmem_shared>>
        tpu.enqueue_dma source(%arg5 : memref<128x128xf32, #tpu.memory_space<hbm>>) target(%dma_start3A_46 : memref<128x128xf32, #tpu.memory_space<vmem_shared>>) target_semaphore(%run_scoped3A : memref<!tpu.dma_semaphore, #tpu.memory_space<semaphore_mem>>)
        %dma_wait3A = arith.constant 0 : i32
        %dma_wait3A_47 = tpu.memref_slice %arg11[%add3A_36, %dma_wait3A] : memref<9728x128xf32, #tpu.memory_space<vmem_shared>> -> memref<128x128xf32, #tpu.memory_space<vmem_shared>>
        tpu.wait_dma2 semaphore(%run_scoped3A : memref<!tpu.dma_semaphore, #tpu.memory_space<semaphore_mem>>) src(%arg5 : memref<128x128xf32, #tpu.memory_space<hbm>>) dst(%dma_wait3A_47 : memref<128x128xf32, #tpu.memory_space<vmem_shared>>)
        tpu.yield
      }) : () -> ()
      %add3A_37 = arith.constant 128 : i32
      %add3A_38 = arith.addi %mul3A_34, %add3A_37 : i32
      "tpu.region"() ({
        %run_scoped3A = tpu.sem_alloc : memref<!tpu.dma_semaphore, #tpu.memory_space<semaphore_mem>>
        %dma_start3A_45 = arith.constant 0 : i32
        %dma_start3A_46 = tpu.memref_slice %arg11[%add3A_38, %dma_start3A_45] : memref<9728x128xf32, #tpu.memory_space<vmem_shared>> -> memref<128x128xf32, #tpu.memory_space<vmem_shared>>
        tpu.enqueue_dma source(%arg5 : memref<128x128xf32, #tpu.memory_space<hbm>>) target(%dma_start3A_46 : memref<128x128xf32, #tpu.memory_space<vmem_shared>>) target_semaphore(%run_scoped3A : memref<!tpu.dma_semaphore, #tpu.memory_space<semaphore_mem>>)
        %dma_wait3A = arith.constant 0 : i32
        %dma_wait3A_47 = tpu.memref_slice %arg11[%add3A_38, %dma_wait3A] : memref<9728x128xf32, #tpu.memory_space<vmem_shared>> -> memref<128x128xf32, #tpu.memory_space<vmem_shared>>
        tpu.wait_dma2 semaphore(%run_scoped3A : memref<!tpu.dma_semaphore, #tpu.memory_space<semaphore_mem>>) src(%arg5 : memref<128x128xf32, #tpu.memory_space<hbm>>) dst(%dma_wait3A_47 : memref<128x128xf32, #tpu.memory_space<vmem_shared>>)
        tpu.yield
      }) : () -> ()
      %add3A_39 = arith.constant 256 : i32
      %add3A_40 = arith.addi %mul3A_34, %add3A_39 : i32
      "tpu.region"() ({
        %run_scoped3A = tpu.sem_alloc : memref<!tpu.dma_semaphore, #tpu.memory_space<semaphore_mem>>
        %dma_start3A_45 = arith.constant 0 : i32
        %dma_start3A_46 = tpu.memref_slice %arg11[%add3A_40, %dma_start3A_45] : memref<9728x128xf32, #tpu.memory_space<vmem_shared>> -> memref<128x128xf32, #tpu.memory_space<vmem_shared>>
        tpu.enqueue_dma source(%arg5 : memref<128x128xf32, #tpu.memory_space<hbm>>) target(%dma_start3A_46 : memref<128x128xf32, #tpu.memory_space<vmem_shared>>) target_semaphore(%run_scoped3A : memref<!tpu.dma_semaphore, #tpu.memory_space<semaphore_mem>>)
        %dma_wait3A = arith.constant 0 : i32
        %dma_wait3A_47 = tpu.memref_slice %arg11[%add3A_40, %dma_wait3A] : memref<9728x128xf32, #tpu.memory_space<vmem_shared>> -> memref<128x128xf32, #tpu.memory_space<vmem_shared>>
        tpu.wait_dma2 semaphore(%run_scoped3A : memref<!tpu.dma_semaphore, #tpu.memory_space<semaphore_mem>>) src(%arg5 : memref<128x128xf32, #tpu.memory_space<hbm>>) dst(%dma_wait3A_47 : memref<128x128xf32, #tpu.memory_space<vmem_shared>>)
        tpu.yield
      }) : () -> ()
      %add3A_41 = arith.constant 384 : i32
      %add3A_42 = arith.addi %mul3A_34, %add3A_41 : i32
      "tpu.region"() ({
        %run_scoped3A = tpu.sem_alloc : memref<!tpu.dma_semaphore, #tpu.memory_space<semaphore_mem>>
        %dma_start3A_45 = arith.constant 0 : i32
        %dma_start3A_46 = tpu.memref_slice %arg11[%add3A_42, %dma_start3A_45] : memref<9728x128xf32, #tpu.memory_space<vmem_shared>> -> memref<128x128xf32, #tpu.memory_space<vmem_shared>>
        tpu.enqueue_dma source(%arg5 : memref<128x128xf32, #tpu.memory_space<hbm>>) target(%dma_start3A_46 : memref<128x128xf32, #tpu.memory_space<vmem_shared>>) target_semaphore(%run_scoped3A : memref<!tpu.dma_semaphore, #tpu.memory_space<semaphore_mem>>)
        %dma_wait3A = arith.constant 0 : i32
        %dma_wait3A_47 = tpu.memref_slice %arg11[%add3A_42, %dma_wait3A] : memref<9728x128xf32, #tpu.memory_space<vmem_shared>> -> memref<128x128xf32, #tpu.memory_space<vmem_shared>>
        tpu.wait_dma2 semaphore(%run_scoped3A : memref<!tpu.dma_semaphore, #tpu.memory_space<semaphore_mem>>) src(%arg5 : memref<128x128xf32, #tpu.memory_space<hbm>>) dst(%dma_wait3A_47 : memref<128x128xf32, #tpu.memory_space<vmem_shared>>)
        tpu.yield
      }) : () -> ()
      %add3A_43 = arith.constant 512 : i32
      %add3A_44 = arith.addi %mul3A_34, %add3A_43 : i32
      "tpu.region"() ({
        %run_scoped3A = tpu.sem_alloc : memref<!tpu.dma_semaphore, #tpu.memory_space<semaphore_mem>>
        %dma_start3A_45 = arith.constant 0 : i32
        %dma_start3A_46 = tpu.memref_slice %arg11[%add3A_44, %dma_start3A_45] : memref<9728x128xf32, #tpu.memory_space<vmem_shared>> -> memref<96x128xf32, #tpu.memory_space<vmem_shared>>
        %dma_start3A_47 = arith.constant 0 : i32
        %dma_start3A_48 = arith.constant 0 : i32
        %dma_start3A_49 = tpu.memref_slice %arg5[%dma_start3A_47, %dma_start3A_48] : memref<128x128xf32, #tpu.memory_space<hbm>> -> memref<96x128xf32, #tpu.memory_space<hbm>>
        tpu.enqueue_dma source(%dma_start3A_49 : memref<96x128xf32, #tpu.memory_space<hbm>>) target(%dma_start3A_46 : memref<96x128xf32, #tpu.memory_space<vmem_shared>>) target_semaphore(%run_scoped3A : memref<!tpu.dma_semaphore, #tpu.memory_space<semaphore_mem>>)
        %dma_wait3A = arith.constant 0 : i32
        %dma_wait3A_50 = tpu.memref_slice %arg11[%add3A_44, %dma_wait3A] : memref<9728x128xf32, #tpu.memory_space<vmem_shared>> -> memref<96x128xf32, #tpu.memory_space<vmem_shared>>
        %dma_wait3A_51 = arith.constant 0 : i32
        %dma_wait3A_52 = arith.constant 0 : i32
        %dma_wait3A_53 = tpu.memref_slice %arg5[%dma_wait3A_51, %dma_wait3A_52] : memref<128x128xf32, #tpu.memory_space<hbm>> -> memref<96x128xf32, #tpu.memory_space<hbm>>
        tpu.wait_dma2 semaphore(%run_scoped3A : memref<!tpu.dma_semaphore, #tpu.memory_space<semaphore_mem>>) src(%dma_wait3A_53 : memref<96x128xf32, #tpu.memory_space<hbm>>) dst(%dma_wait3A_50 : memref<96x128xf32, #tpu.memory_space<vmem_shared>>)
        tpu.yield
      }) : () -> ()
    } else {
    }
    %eq3A = arith.constant 15 : i32
    %eq3A_7 = arith.cmpi eq, %arg1, %eq3A : i32
    %convert_element_type3A_8 = arith.extui %eq3A_7 : i1 to i32
    %cond3A_9 = arith.constant 0 : i32
    %cond3A_10 = arith.cmpi ne, %convert_element_type3A_8, %cond3A_9 : i32
    scf.if %cond3A_10 {
      "tpu.region"() ({
        %run_scoped3A = tpu.sem_alloc : memref<!tpu.dma_semaphore, #tpu.memory_space<semaphore_mem>>
        %dma_start3A_33 = arith.constant 9120 : i32
        %dma_start3A_34 = arith.constant 0 : i32
        %dma_start3A_35 = tpu.memref_slice %arg11[%dma_start3A_33, %dma_start3A_34] : memref<9728x128xf32, #tpu.memory_space<vmem_shared>> -> memref<128x128xf32, #tpu.memory_space<vmem_shared>>
        tpu.enqueue_dma source(%arg5 : memref<128x128xf32, #tpu.memory_space<hbm>>) target(%dma_start3A_35 : memref<128x128xf32, #tpu.memory_space<vmem_shared>>) target_semaphore(%run_scoped3A : memref<!tpu.dma_semaphore, #tpu.memory_space<semaphore_mem>>)
        %dma_wait3A = arith.constant 9120 : i32
        %dma_wait3A_36 = arith.constant 0 : i32
        %dma_wait3A_37 = tpu.memref_slice %arg11[%dma_wait3A, %dma_wait3A_36] : memref<9728x128xf32, #tpu.memory_space<vmem_shared>> -> memref<128x128xf32, #tpu.memory_space<vmem_shared>>
        tpu.wait_dma2 semaphore(%run_scoped3A : memref<!tpu.dma_semaphore, #tpu.memory_space<semaphore_mem>>) src(%arg5 : memref<128x128xf32, #tpu.memory_space<hbm>>) dst(%dma_wait3A_37 : memref<128x128xf32, #tpu.memory_space<vmem_shared>>)
        tpu.yield
      }) : () -> ()
      "tpu.region"() ({
        %run_scoped3A = tpu.sem_alloc : memref<!tpu.dma_semaphore, #tpu.memory_space<semaphore_mem>>
        %dma_start3A_33 = arith.constant 9248 : i32
        %dma_start3A_34 = arith.constant 0 : i32
        %dma_start3A_35 = tpu.memref_slice %arg11[%dma_start3A_33, %dma_start3A_34] : memref<9728x128xf32, #tpu.memory_space<vmem_shared>> -> memref<128x128xf32, #tpu.memory_space<vmem_shared>>
        tpu.enqueue_dma source(%arg5 : memref<128x128xf32, #tpu.memory_space<hbm>>) target(%dma_start3A_35 : memref<128x128xf32, #tpu.memory_space<vmem_shared>>) target_semaphore(%run_scoped3A : memref<!tpu.dma_semaphore, #tpu.memory_space<semaphore_mem>>)
        %dma_wait3A = arith.constant 9248 : i32
        %dma_wait3A_36 = arith.constant 0 : i32
        %dma_wait3A_37 = tpu.memref_slice %arg11[%dma_wait3A, %dma_wait3A_36] : memref<9728x128xf32, #tpu.memory_space<vmem_shared>> -> memref<128x128xf32, #tpu.memory_space<vmem_shared>>
        tpu.wait_dma2 semaphore(%run_scoped3A : memref<!tpu.dma_semaphore, #tpu.memory_space<semaphore_mem>>) src(%arg5 : memref<128x128xf32, #tpu.memory_space<hbm>>) dst(%dma_wait3A_37 : memref<128x128xf32, #tpu.memory_space<vmem_shared>>)
        tpu.yield
      }) : () -> ()
      "tpu.region"() ({
        %run_scoped3A = tpu.sem_alloc : memref<!tpu.dma_semaphore, #tpu.memory_space<semaphore_mem>>
        %dma_start3A_33 = arith.constant 9376 : i32
        %dma_start3A_34 = arith.constant 0 : i32
        %dma_start3A_35 = tpu.memref_slice %arg11[%dma_start3A_33, %dma_start3A_34] : memref<9728x128xf32, #tpu.memory_space<vmem_shared>> -> memref<128x128xf32, #tpu.memory_space<vmem_shared>>
        tpu.enqueue_dma source(%arg5 : memref<128x128xf32, #tpu.memory_space<hbm>>) target(%dma_start3A_35 : memref<128x128xf32, #tpu.memory_space<vmem_shared>>) target_semaphore(%run_scoped3A : memref<!tpu.dma_semaphore, #tpu.memory_space<semaphore_mem>>)
        %dma_wait3A = arith.constant 9376 : i32
        %dma_wait3A_36 = arith.constant 0 : i32
        %dma_wait3A_37 = tpu.memref_slice %arg11[%dma_wait3A, %dma_wait3A_36] : memref<9728x128xf32, #tpu.memory_space<vmem_shared>> -> memref<128x128xf32, #tpu.memory_space<vmem_shared>>
        tpu.wait_dma2 semaphore(%run_scoped3A : memref<!tpu.dma_semaphore, #tpu.memory_space<semaphore_mem>>) src(%arg5 : memref<128x128xf32, #tpu.memory_space<hbm>>) dst(%dma_wait3A_37 : memref<128x128xf32, #tpu.memory_space<vmem_shared>>)
        tpu.yield
      }) : () -> ()
      "tpu.region"() ({
        %run_scoped3A = tpu.sem_alloc : memref<!tpu.dma_semaphore, #tpu.memory_space<semaphore_mem>>
        %dma_start3A_33 = arith.constant 9504 : i32
        %dma_start3A_34 = arith.constant 0 : i32
        %dma_start3A_35 = tpu.memref_slice %arg11[%dma_start3A_33, %dma_start3A_34] : memref<9728x128xf32, #tpu.memory_space<vmem_shared>> -> memref<128x128xf32, #tpu.memory_space<vmem_shared>>
        tpu.enqueue_dma source(%arg5 : memref<128x128xf32, #tpu.memory_space<hbm>>) target(%dma_start3A_35 : memref<128x128xf32, #tpu.memory_space<vmem_shared>>) target_semaphore(%run_scoped3A : memref<!tpu.dma_semaphore, #tpu.memory_space<semaphore_mem>>)
        %dma_wait3A = arith.constant 9504 : i32
        %dma_wait3A_36 = arith.constant 0 : i32
        %dma_wait3A_37 = tpu.memref_slice %arg11[%dma_wait3A, %dma_wait3A_36] : memref<9728x128xf32, #tpu.memory_space<vmem_shared>> -> memref<128x128xf32, #tpu.memory_space<vmem_shared>>
        tpu.wait_dma2 semaphore(%run_scoped3A : memref<!tpu.dma_semaphore, #tpu.memory_space<semaphore_mem>>) src(%arg5 : memref<128x128xf32, #tpu.memory_space<hbm>>) dst(%dma_wait3A_37 : memref<128x128xf32, #tpu.memory_space<vmem_shared>>)
        tpu.yield
      }) : () -> ()
      "tpu.region"() ({
        %run_scoped3A = tpu.sem_alloc : memref<!tpu.dma_semaphore, #tpu.memory_space<semaphore_mem>>
        %dma_start3A_33 = arith.constant 9632 : i32
        %dma_start3A_34 = arith.constant 0 : i32
        %dma_start3A_35 = tpu.memref_slice %arg11[%dma_start3A_33, %dma_start3A_34] : memref<9728x128xf32, #tpu.memory_space<vmem_shared>> -> memref<96x128xf32, #tpu.memory_space<vmem_shared>>
        %dma_start3A_36 = arith.constant 0 : i32
        %dma_start3A_37 = arith.constant 0 : i32
        %dma_start3A_38 = tpu.memref_slice %arg5[%dma_start3A_36, %dma_start3A_37] : memref<128x128xf32, #tpu.memory_space<hbm>> -> memref<96x128xf32, #tpu.memory_space<hbm>>
        tpu.enqueue_dma source(%dma_start3A_38 : memref<96x128xf32, #tpu.memory_space<hbm>>) target(%dma_start3A_35 : memref<96x128xf32, #tpu.memory_space<vmem_shared>>) target_semaphore(%run_scoped3A : memref<!tpu.dma_semaphore, #tpu.memory_space<semaphore_mem>>)
        %dma_wait3A = arith.constant 9632 : i32
        %dma_wait3A_39 = arith.constant 0 : i32
        %dma_wait3A_40 = tpu.memref_slice %arg11[%dma_wait3A, %dma_wait3A_39] : memref<9728x128xf32, #tpu.memory_space<vmem_shared>> -> memref<96x128xf32, #tpu.memory_space<vmem_shared>>
        %dma_wait3A_41 = arith.constant 0 : i32
        %dma_wait3A_42 = arith.constant 0 : i32
        %dma_wait3A_43 = tpu.memref_slice %arg5[%dma_wait3A_41, %dma_wait3A_42] : memref<128x128xf32, #tpu.memory_space<hbm>> -> memref<96x128xf32, #tpu.memory_space<hbm>>
        tpu.wait_dma2 semaphore(%run_scoped3A : memref<!tpu.dma_semaphore, #tpu.memory_space<semaphore_mem>>) src(%dma_wait3A_43 : memref<96x128xf32, #tpu.memory_space<hbm>>) dst(%dma_wait3A_40 : memref<96x128xf32, #tpu.memory_space<vmem_shared>>)
        tpu.yield
      }) : () -> ()
    } else {
    }
    %barrier3A = arith.constant 0 : index
    tpu.barrier barrier_id(%barrier3A)
    %dma_start3A = arith.constant 0 : i32
    %dma_start3A_11 = arith.constant 0 : i32
    %dma_start3A_12 = tpu.memref_slice %arg7[%dma_start3A, %dma_start3A_11] : memref<80x125xi32, #tpu.memory_space<vmem>> -> memref<1x125xi32, #tpu.memory_space<vmem>>
    %dma_start3A_13 = tpu.memref_squeeze %dma_start3A_12 : memref<1x125xi32, #tpu.memory_space<vmem>> -> memref<125xi32, #tpu.memory_space<vmem>>
    %dma_start3A_14 = arith.constant 0 : i32
    %dma_start3A_15 = arith.constant 0 : i32
    %dma_start3A_16 = tpu.memref_slice %arg2[%dma_start3A_14, %dma_start3A_15] : memref<80000x128xf32, #tpu.memory_space<hbm>> -> memref<80000x128xf32, #tpu.memory_space<hbm>>
    tpu.enqueue_indirect_dma source(%dma_start3A_16 : memref<80000x128xf32, #tpu.memory_space<hbm>>) target(%arg9 : memref<125x128xf32, #tpu.memory_space<vmem>>) offsets(%dma_start3A_13 : memref<125xi32, #tpu.memory_space<vmem>>) semaphore(%arg12 : memref<!tpu.dma_semaphore, #tpu.memory_space<semaphore_mem>>)
    %scan3A = arith.constant 0 : i32
    %scan3A_17 = arith.constant 0 : i32
    %scan3A_18 = arith.constant 40 : i32
    %scan3A_19 = arith.addi %scan3A_17, %scan3A_18 : i32
    %scan3A_20 = arith.constant 1 : i32
    scf.for %scan3A_33 = %scan3A_17 to %scan3A_19 step %scan3A_20  : i32 {
      %mul3A_34 = arith.constant 2 : i32
      %mul3A_35 = arith.muli %mul3A_34, %scan3A_33 : i32
      %dma_wait3A = arith.constant 0 : i32
      %dma_wait3A_36 = tpu.memref_slice %arg7[%mul3A_35, %dma_wait3A] : memref<80x125xi32, #tpu.memory_space<vmem>> -> memref<1x125xi32, #tpu.memory_space<vmem>>
      %dma_wait3A_37 = tpu.memref_squeeze %dma_wait3A_36 : memref<1x125xi32, #tpu.memory_space<vmem>> -> memref<125xi32, #tpu.memory_space<vmem>>
      %dma_wait3A_38 = arith.constant 0 : i32
      %dma_wait3A_39 = arith.constant 0 : i32
      %dma_wait3A_40 = tpu.memref_slice %arg2[%dma_wait3A_38, %dma_wait3A_39] : memref<80000x128xf32, #tpu.memory_space<hbm>> -> memref<80000x128xf32, #tpu.memory_space<hbm>>
      tpu.wait_indirect_dma semaphore(%arg12 : memref<!tpu.dma_semaphore, #tpu.memory_space<semaphore_mem>>) src(%dma_wait3A_40 : memref<80000x128xf32, #tpu.memory_space<hbm>>) dst(%arg9 : memref<125x128xf32, #tpu.memory_space<vmem>>)
      %add3A_41 = arith.constant 1 : i32
      %add3A_42 = arith.addi %mul3A_35, %add3A_41 : i32
      %dma_start3A_43 = arith.constant 0 : i32
      %dma_start3A_44 = tpu.memref_slice %arg7[%add3A_42, %dma_start3A_43] : memref<80x125xi32, #tpu.memory_space<vmem>> -> memref<1x125xi32, #tpu.memory_space<vmem>>
      %dma_start3A_45 = tpu.memref_squeeze %dma_start3A_44 : memref<1x125xi32, #tpu.memory_space<vmem>> -> memref<125xi32, #tpu.memory_space<vmem>>
      %dma_start3A_46 = arith.constant 0 : i32
      %dma_start3A_47 = arith.constant 0 : i32
      %dma_start3A_48 = tpu.memref_slice %arg2[%dma_start3A_46, %dma_start3A_47] : memref<80000x128xf32, #tpu.memory_space<hbm>> -> memref<80000x128xf32, #tpu.memory_space<hbm>>
      tpu.enqueue_indirect_dma source(%dma_start3A_48 : memref<80000x128xf32, #tpu.memory_space<hbm>>) target(%arg10 : memref<125x128xf32, #tpu.memory_space<vmem>>) offsets(%dma_start3A_45 : memref<125xi32, #tpu.memory_space<vmem>>) semaphore(%arg13 : memref<!tpu.dma_semaphore, #tpu.memory_space<semaphore_mem>>)
      "tpu.region"() ({
        %run_scoped3A = tpu.sem_alloc : memref<!tpu.dma_semaphore, #tpu.memory_space<semaphore_mem>>
        %dma_start3A_66 = arith.constant 0 : i32
        %dma_start3A_67 = tpu.memref_slice %arg8[%mul3A_35, %dma_start3A_66] : memref<80x125xi32, #tpu.memory_space<vmem>> -> memref<1x125xi32, #tpu.memory_space<vmem>>
        %dma_start3A_68 = tpu.memref_squeeze %dma_start3A_67 : memref<1x125xi32, #tpu.memory_space<vmem>> -> memref<125xi32, #tpu.memory_space<vmem>>
        %dma_start3A_69 = arith.constant 0 : i32
        %dma_start3A_70 = arith.constant 0 : i32
        %dma_start3A_71 = tpu.memref_slice %arg11[%dma_start3A_69, %dma_start3A_70] : memref<9728x128xf32, #tpu.memory_space<vmem_shared>> -> memref<9728x128xf32, #tpu.memory_space<vmem_shared>>
        tpu.enqueue_indirect_dma source(%arg9 : memref<125x128xf32, #tpu.memory_space<vmem>>) target(%dma_start3A_71 : memref<9728x128xf32, #tpu.memory_space<vmem_shared>>) offsets(%dma_start3A_68 : memref<125xi32, #tpu.memory_space<vmem>>) semaphore(%run_scoped3A : memref<!tpu.dma_semaphore, #tpu.memory_space<semaphore_mem>>) {add = true}
        %dma_wait3A_72 = arith.constant 0 : i32
        %dma_wait3A_73 = tpu.memref_slice %arg8[%mul3A_35, %dma_wait3A_72] : memref<80x125xi32, #tpu.memory_space<vmem>> -> memref<1x125xi32, #tpu.memory_space<vmem>>
        %dma_wait3A_74 = tpu.memref_squeeze %dma_wait3A_73 : memref<1x125xi32, #tpu.memory_space<vmem>> -> memref<125xi32, #tpu.memory_space<vmem>>
        %dma_wait3A_75 = arith.constant 0 : i32
        %dma_wait3A_76 = arith.constant 0 : i32
        %dma_wait3A_77 = tpu.memref_slice %arg11[%dma_wait3A_75, %dma_wait3A_76] : memref<9728x128xf32, #tpu.memory_space<vmem_shared>> -> memref<9728x128xf32, #tpu.memory_space<vmem_shared>>
        tpu.wait_indirect_dma semaphore(%run_scoped3A : memref<!tpu.dma_semaphore, #tpu.memory_space<semaphore_mem>>) src(%arg9 : memref<125x128xf32, #tpu.memory_space<vmem>>) dst(%dma_wait3A_77 : memref<9728x128xf32, #tpu.memory_space<vmem_shared>>)
        tpu.yield
      }) : () -> ()
      %add3A_49 = arith.constant 1 : i32
      %add3A_50 = arith.addi %mul3A_35, %add3A_49 : i32
      %dma_wait3A_51 = arith.constant 0 : i32
      %dma_wait3A_52 = tpu.memref_slice %arg7[%add3A_50, %dma_wait3A_51] : memref<80x125xi32, #tpu.memory_space<vmem>> -> memref<1x125xi32, #tpu.memory_space<vmem>>
      %dma_wait3A_53 = tpu.memref_squeeze %dma_wait3A_52 : memref<1x125xi32, #tpu.memory_space<vmem>> -> memref<125xi32, #tpu.memory_space<vmem>>
      %dma_wait3A_54 = arith.constant 0 : i32
      %dma_wait3A_55 = arith.constant 0 : i32
      %dma_wait3A_56 = tpu.memref_slice %arg2[%dma_wait3A_54, %dma_wait3A_55] : memref<80000x128xf32, #tpu.memory_space<hbm>> -> memref<80000x128xf32, #tpu.memory_space<hbm>>
      tpu.wait_indirect_dma semaphore(%arg13 : memref<!tpu.dma_semaphore, #tpu.memory_space<semaphore_mem>>) src(%dma_wait3A_56 : memref<80000x128xf32, #tpu.memory_space<hbm>>) dst(%arg10 : memref<125x128xf32, #tpu.memory_space<vmem>>)
      %add3A_57 = arith.constant 2 : i32
      %add3A_58 = arith.addi %mul3A_35, %add3A_57 : i32
      %lt3A_59 = arith.constant 80 : i32
      %lt3A_60 = arith.cmpi slt, %add3A_58, %lt3A_59 : i32
      %convert_element_type3A_61 = arith.extui %lt3A_60 : i1 to i32
      %cond3A_62 = arith.constant 0 : i32
      %cond3A_63 = arith.cmpi ne, %convert_element_type3A_61, %cond3A_62 : i32
      scf.if %cond3A_63 {
        %add3A_66 = arith.constant 2 : i32
        %add3A_67 = arith.addi %mul3A_35, %add3A_66 : i32
        %dma_start3A_68 = arith.constant 0 : i32
        %dma_start3A_69 = tpu.memref_slice %arg7[%add3A_67, %dma_start3A_68] : memref<80x125xi32, #tpu.memory_space<vmem>> -> memref<1x125xi32, #tpu.memory_space<vmem>>
        %dma_start3A_70 = tpu.memref_squeeze %dma_start3A_69 : memref<1x125xi32, #tpu.memory_space<vmem>> -> memref<125xi32, #tpu.memory_space<vmem>>
        %dma_start3A_71 = arith.constant 0 : i32
        %dma_start3A_72 = arith.constant 0 : i32
        %dma_start3A_73 = tpu.memref_slice %arg2[%dma_start3A_71, %dma_start3A_72] : memref<80000x128xf32, #tpu.memory_space<hbm>> -> memref<80000x128xf32, #tpu.memory_space<hbm>>
        tpu.enqueue_indirect_dma source(%dma_start3A_73 : memref<80000x128xf32, #tpu.memory_space<hbm>>) target(%arg9 : memref<125x128xf32, #tpu.memory_space<vmem>>) offsets(%dma_start3A_70 : memref<125xi32, #tpu.memory_space<vmem>>) semaphore(%arg12 : memref<!tpu.dma_semaphore, #tpu.memory_space<semaphore_mem>>)
      } else {
      }
      %add3A_64 = arith.constant 1 : i32
      %add3A_65 = arith.addi %mul3A_35, %add3A_64 : i32
      "tpu.region"() ({
        %run_scoped3A = tpu.sem_alloc : memref<!tpu.dma_semaphore, #tpu.memory_space<semaphore_mem>>
        %dma_start3A_66 = arith.constant 0 : i32
        %dma_start3A_67 = tpu.memref_slice %arg8[%add3A_65, %dma_start3A_66] : memref<80x125xi32, #tpu.memory_space<vmem>> -> memref<1x125xi32, #tpu.memory_space<vmem>>
        %dma_start3A_68 = tpu.memref_squeeze %dma_start3A_67 : memref<1x125xi32, #tpu.memory_space<vmem>> -> memref<125xi32, #tpu.memory_space<vmem>>
        %dma_start3A_69 = arith.constant 0 : i32
        %dma_start3A_70 = arith.constant 0 : i32
        %dma_start3A_71 = tpu.memref_slice %arg11[%dma_start3A_69, %dma_start3A_70] : memref<9728x128xf32, #tpu.memory_space<vmem_shared>> -> memref<9728x128xf32, #tpu.memory_space<vmem_shared>>
        tpu.enqueue_indirect_dma source(%arg10 : memref<125x128xf32, #tpu.memory_space<vmem>>) target(%dma_start3A_71 : memref<9728x128xf32, #tpu.memory_space<vmem_shared>>) offsets(%dma_start3A_68 : memref<125xi32, #tpu.memory_space<vmem>>) semaphore(%run_scoped3A : memref<!tpu.dma_semaphore, #tpu.memory_space<semaphore_mem>>) {add = true}
        %dma_wait3A_72 = arith.constant 0 : i32
        %dma_wait3A_73 = tpu.memref_slice %arg8[%add3A_65, %dma_wait3A_72] : memref<80x125xi32, #tpu.memory_space<vmem>> -> memref<1x125xi32, #tpu.memory_space<vmem>>
        %dma_wait3A_74 = tpu.memref_squeeze %dma_wait3A_73 : memref<1x125xi32, #tpu.memory_space<vmem>> -> memref<125xi32, #tpu.memory_space<vmem>>
        %dma_wait3A_75 = arith.constant 0 : i32
        %dma_wait3A_76 = arith.constant 0 : i32
        %dma_wait3A_77 = tpu.memref_slice %arg11[%dma_wait3A_75, %dma_wait3A_76] : memref<9728x128xf32, #tpu.memory_space<vmem_shared>> -> memref<9728x128xf32, #tpu.memory_space<vmem_shared>>
        tpu.wait_indirect_dma semaphore(%run_scoped3A : memref<!tpu.dma_semaphore, #tpu.memory_space<semaphore_mem>>) src(%arg10 : memref<125x128xf32, #tpu.memory_space<vmem>>) dst(%dma_wait3A_77 : memref<9728x128xf32, #tpu.memory_space<vmem_shared>>)
        tpu.yield
      }) : () -> ()
    }
    %scan3A_21 = arith.constant 40 : i32
    %barrier3A_22 = arith.constant 0 : index
    tpu.barrier barrier_id(%barrier3A_22)
    %lt3A_23 = arith.constant 15 : i32
    %lt3A_24 = arith.cmpi slt, %arg1, %lt3A_23 : i32
    %convert_element_type3A_25 = arith.extui %lt3A_24 : i1 to i32
    %cond3A_26 = arith.constant 0 : i32
    %cond3A_27 = arith.cmpi ne, %convert_element_type3A_25, %cond3A_26 : i32
    scf.if %cond3A_27 {
      %mul3A_33 = arith.constant 608 : i32
      %mul3A_34 = arith.muli %arg1, %mul3A_33 : i32
      %mul3A_35 = arith.constant 608 : i32
      %mul3A_36 = arith.muli %arg1, %mul3A_35 : i32
      "tpu.region"() ({
        %run_scoped3A = tpu.sem_alloc : memref<!tpu.dma_semaphore, #tpu.memory_space<semaphore_mem>>
        %dma_start3A_37 = arith.constant 0 : i32
        %dma_start3A_38 = arith.constant 0 : i32
        %dma_start3A_39 = tpu.memref_slice %arg6[%arg0, %dma_start3A_37, %dma_start3A_38] : memref<2x9728x128xf32, #tpu.memory_space<hbm>> -> memref<1x9728x128xf32, #tpu.memory_space<hbm>>
        %dma_start3A_40 = tpu.memref_squeeze %dma_start3A_39 : memref<1x9728x128xf32, #tpu.memory_space<hbm>> -> memref<9728x128xf32, #tpu.memory_space<hbm>>
        %dma_start3A_41 = arith.constant 0 : i32
        %dma_start3A_42 = tpu.memref_slice %dma_start3A_40[%mul3A_36, %dma_start3A_41] : memref<9728x128xf32, #tpu.memory_space<hbm>> -> memref<608x128xf32, #tpu.memory_space<hbm>>
        %dma_start3A_43 = arith.constant 0 : i32
        %dma_start3A_44 = tpu.memref_slice %arg11[%mul3A_34, %dma_start3A_43] : memref<9728x128xf32, #tpu.memory_space<vmem_shared>> -> memref<608x128xf32, #tpu.memory_space<vmem_shared>>
        tpu.enqueue_dma source(%dma_start3A_44 : memref<608x128xf32, #tpu.memory_space<vmem_shared>>) target(%dma_start3A_42 : memref<608x128xf32, #tpu.memory_space<hbm>>) target_semaphore(%run_scoped3A : memref<!tpu.dma_semaphore, #tpu.memory_space<semaphore_mem>>)
        %dma_wait3A = arith.constant 0 : i32
        %dma_wait3A_45 = arith.constant 0 : i32
        %dma_wait3A_46 = tpu.memref_slice %arg6[%arg0, %dma_wait3A, %dma_wait3A_45] : memref<2x9728x128xf32, #tpu.memory_space<hbm>> -> memref<1x9728x128xf32, #tpu.memory_space<hbm>>
        %dma_wait3A_47 = tpu.memref_squeeze %dma_wait3A_46 : memref<1x9728x128xf32, #tpu.memory_space<hbm>> -> memref<9728x128xf32, #tpu.memory_space<hbm>>
        %dma_wait3A_48 = arith.constant 0 : i32
        %dma_wait3A_49 = tpu.memref_slice %dma_wait3A_47[%mul3A_36, %dma_wait3A_48] : memref<9728x128xf32, #tpu.memory_space<hbm>> -> memref<608x128xf32, #tpu.memory_space<hbm>>
        %dma_wait3A_50 = arith.constant 0 : i32
        %dma_wait3A_51 = tpu.memref_slice %arg11[%mul3A_34, %dma_wait3A_50] : memref<9728x128xf32, #tpu.memory_space<vmem_shared>> -> memref<608x128xf32, #tpu.memory_space<vmem_shared>>
        tpu.wait_dma2 semaphore(%run_scoped3A : memref<!tpu.dma_semaphore, #tpu.memory_space<semaphore_mem>>) src(%dma_wait3A_51 : memref<608x128xf32, #tpu.memory_space<vmem_shared>>) dst(%dma_wait3A_49 : memref<608x128xf32, #tpu.memory_space<hbm>>)
        tpu.yield
      }) : () -> ()
    } else {
    }
    %eq3A_28 = arith.constant 15 : i32
    %eq3A_29 = arith.cmpi eq, %arg1, %eq3A_28 : i32
    %convert_element_type3A_30 = arith.extui %eq3A_29 : i1 to i32
    %cond3A_31 = arith.constant 0 : i32
    %cond3A_32 = arith.cmpi ne, %convert_element_type3A_30, %cond3A_31 : i32
    scf.if %cond3A_32 {
      "tpu.region"() ({
        %run_scoped3A = tpu.sem_alloc : memref<!tpu.dma_semaphore, #tpu.memory_space<semaphore_mem>>
        %dma_start3A_33 = arith.constant 0 : i32
        %dma_start3A_34 = arith.constant 0 : i32
        %dma_start3A_35 = tpu.memref_slice %arg6[%arg0, %dma_start3A_33, %dma_start3A_34] : memref<2x9728x128xf32, #tpu.memory_space<hbm>> -> memref<1x9728x128xf32, #tpu.memory_space<hbm>>
        %dma_start3A_36 = tpu.memref_squeeze %dma_start3A_35 : memref<1x9728x128xf32, #tpu.memory_space<hbm>> -> memref<9728x128xf32, #tpu.memory_space<hbm>>
        %dma_start3A_37 = arith.constant 9120 : i32
        %dma_start3A_38 = arith.constant 0 : i32
        %dma_start3A_39 = tpu.memref_slice %dma_start3A_36[%dma_start3A_37, %dma_start3A_38] : memref<9728x128xf32, #tpu.memory_space<hbm>> -> memref<608x128xf32, #tpu.memory_space<hbm>>
        %dma_start3A_40 = arith.constant 9120 : i32
        %dma_start3A_41 = arith.constant 0 : i32
        %dma_start3A_42 = tpu.memref_slice %arg11[%dma_start3A_40, %dma_start3A_41] : memref<9728x128xf32, #tpu.memory_space<vmem_shared>> -> memref<608x128xf32, #tpu.memory_space<vmem_shared>>
        tpu.enqueue_dma source(%dma_start3A_42 : memref<608x128xf32, #tpu.memory_space<vmem_shared>>) target(%dma_start3A_39 : memref<608x128xf32, #tpu.memory_space<hbm>>) target_semaphore(%run_scoped3A : memref<!tpu.dma_semaphore, #tpu.memory_space<semaphore_mem>>)
        %dma_wait3A = arith.constant 0 : i32
        %dma_wait3A_43 = arith.constant 0 : i32
        %dma_wait3A_44 = tpu.memref_slice %arg6[%arg0, %dma_wait3A, %dma_wait3A_43] : memref<2x9728x128xf32, #tpu.memory_space<hbm>> -> memref<1x9728x128xf32, #tpu.memory_space<hbm>>
        %dma_wait3A_45 = tpu.memref_squeeze %dma_wait3A_44 : memref<1x9728x128xf32, #tpu.memory_space<hbm>> -> memref<9728x128xf32, #tpu.memory_space<hbm>>
        %dma_wait3A_46 = arith.constant 9120 : i32
        %dma_wait3A_47 = arith.constant 0 : i32
        %dma_wait3A_48 = tpu.memref_slice %dma_wait3A_45[%dma_wait3A_46, %dma_wait3A_47] : memref<9728x128xf32, #tpu.memory_space<hbm>> -> memref<608x128xf32, #tpu.memory_space<hbm>>
        %dma_wait3A_49 = arith.constant 9120 : i32
        %dma_wait3A_50 = arith.constant 0 : i32
        %dma_wait3A_51 = tpu.memref_slice %arg11[%dma_wait3A_49, %dma_wait3A_50] : memref<9728x128xf32, #tpu.memory_space<vmem_shared>> -> memref<608x128xf32, #tpu.memory_space<vmem_shared>>
        tpu.wait_dma2 semaphore(%run_scoped3A : memref<!tpu.dma_semaphore, #tpu.memory_space<semaphore_mem>>) src(%dma_wait3A_51 : memref<608x128xf32, #tpu.memory_space<vmem_shared>>) dst(%dma_wait3A_48 : memref<608x128xf32, #tpu.memory_space<hbm>>)
        tpu.yield
      }) : () -> ()
    } else {
    }
    return
  }
}

#map = affine_map<(d0, d1) -> (0, 0)>
#map1 = affine_map<(d0, d1) -> (0, 0, 0)>
module attributes {stable_mosaic.version = 14 : i64} {
  func.func @_sc_agg(%arg0: i32, %arg1: i32, %arg2: memref<80000x128xf32, #tpu.memory_space<hbm>>, %arg3: memref<2560x125xi32, #tpu.memory_space<hbm>>, %arg4: memref<2560x125xi32, #tpu.memory_space<hbm>>, %arg5: memref<128x128xf32, #tpu.memory_space<hbm>>, %arg6: memref<2x9728x128xf32, #tpu.memory_space<hbm>>, %arg7: memref<80x125xi32, #tpu.memory_space<vmem>>, %arg8: memref<80x125xi32, #tpu.memory_space<vmem>>, %arg9: memref<125x128xf32, #tpu.memory_space<vmem>>, %arg10: memref<125x128xf32, #tpu.memory_space<vmem>>, %arg11: memref<9728x128xf32, #tpu.memory_space<vmem_shared>>, %arg12: memref<!tpu.dma_semaphore, #tpu.memory_space<semaphore_mem>>, %arg13: memref<!tpu.dma_semaphore, #tpu.memory_space<semaphore_mem>>) attributes {dimension_semantics = [#tpu.dimension_semantics<core_parallel>, #tpu.dimension_semantics<subcore_parallel>], iteration_bounds = array<i64: 2, 16>, scalar_prefetch = 0 : i64, scratch_operands = 7 : i64, tpu.core_type = #tpu.core_type<sc_vector_subcore>, window_params = [{transform_indices = #map}, {transform_indices = #map}, {transform_indices = #map}, {transform_indices = #map}, {transform_indices = #map1}]} {
    %mul3A = arith.constant 16 : i32
    %mul3A_0 = arith.muli %arg0, %mul3A : i32
    %add3A = arith.addi %mul3A_0, %arg1 : i32
    %mul3A_1 = arith.constant 80 : i32
    %mul3A_2 = arith.muli %add3A, %mul3A_1 : i32
    "tpu.region"() ({
      %run_scoped3A = tpu.sem_alloc : memref<!tpu.dma_semaphore, #tpu.memory_space<semaphore_mem>>
      %dma_start3A_33 = arith.constant 0 : i32
      %dma_start3A_34 = tpu.memref_slice %arg3[%mul3A_2, %dma_start3A_33] : memref<2560x125xi32, #tpu.memory_space<hbm>> -> memref<80x125xi32, #tpu.memory_space<hbm>>
      %dma_start3A_35 = arith.constant 0 : i32
      %dma_start3A_36 = tpu.memref_slice %arg3[%mul3A_2, %dma_start3A_35] : memref<2560x125xi32, #tpu.memory_space<hbm>> -> memref<80x125xi32, #tpu.memory_space<hbm>>
      tpu.enqueue_dma source(%dma_start3A_36 : memref<80x125xi32, #tpu.memory_space<hbm>>) target(%arg7 : memref<80x125xi32, #tpu.memory_space<vmem>>) target_semaphore(%run_scoped3A : memref<!tpu.dma_semaphore, #tpu.memory_space<semaphore_mem>>)
      %dma_wait3A = arith.constant 0 : i32
      %dma_wait3A_37 = tpu.memref_slice %arg3[%mul3A_2, %dma_wait3A] : memref<2560x125xi32, #tpu.memory_space<hbm>> -> memref<80x125xi32, #tpu.memory_space<hbm>>
      %dma_wait3A_38 = arith.constant 0 : i32
      %dma_wait3A_39 = tpu.memref_slice %arg3[%mul3A_2, %dma_wait3A_38] : memref<2560x125xi32, #tpu.memory_space<hbm>> -> memref<80x125xi32, #tpu.memory_space<hbm>>
      tpu.wait_dma2 semaphore(%run_scoped3A : memref<!tpu.dma_semaphore, #tpu.memory_space<semaphore_mem>>) src(%dma_wait3A_39 : memref<80x125xi32, #tpu.memory_space<hbm>>) dst(%arg7 : memref<80x125xi32, #tpu.memory_space<vmem>>)
      tpu.yield
    }) : () -> ()
    %mul3A_3 = arith.constant 80 : i32
    %mul3A_4 = arith.muli %add3A, %mul3A_3 : i32
    "tpu.region"() ({
      %run_scoped3A = tpu.sem_alloc : memref<!tpu.dma_semaphore, #tpu.memory_space<semaphore_mem>>
      %dma_start3A_33 = arith.constant 0 : i32
      %dma_start3A_34 = tpu.memref_slice %arg4[%mul3A_4, %dma_start3A_33] : memref<2560x125xi32, #tpu.memory_space<hbm>> -> memref<80x125xi32, #tpu.memory_space<hbm>>
      %dma_start3A_35 = arith.constant 0 : i32
      %dma_start3A_36 = tpu.memref_slice %arg4[%mul3A_4, %dma_start3A_35] : memref<2560x125xi32, #tpu.memory_space<hbm>> -> memref<80x125xi32, #tpu.memory_space<hbm>>
      tpu.enqueue_dma source(%dma_start3A_36 : memref<80x125xi32, #tpu.memory_space<hbm>>) target(%arg8 : memref<80x125xi32, #tpu.memory_space<vmem>>) target_semaphore(%run_scoped3A : memref<!tpu.dma_semaphore, #tpu.memory_space<semaphore_mem>>)
      %dma_wait3A = arith.constant 0 : i32
      %dma_wait3A_37 = tpu.memref_slice %arg4[%mul3A_4, %dma_wait3A] : memref<2560x125xi32, #tpu.memory_space<hbm>> -> memref<80x125xi32, #tpu.memory_space<hbm>>
      %dma_wait3A_38 = arith.constant 0 : i32
      %dma_wait3A_39 = tpu.memref_slice %arg4[%mul3A_4, %dma_wait3A_38] : memref<2560x125xi32, #tpu.memory_space<hbm>> -> memref<80x125xi32, #tpu.memory_space<hbm>>
      tpu.wait_dma2 semaphore(%run_scoped3A : memref<!tpu.dma_semaphore, #tpu.memory_space<semaphore_mem>>) src(%dma_wait3A_39 : memref<80x125xi32, #tpu.memory_space<hbm>>) dst(%arg8 : memref<80x125xi32, #tpu.memory_space<vmem>>)
      tpu.yield
    }) : () -> ()
    %lt3A = arith.constant 15 : i32
    %lt3A_5 = arith.cmpi slt, %arg1, %lt3A : i32
    %convert_element_type3A = arith.extui %lt3A_5 : i1 to i32
    %cond3A = arith.constant 0 : i32
    %cond3A_6 = arith.cmpi ne, %convert_element_type3A, %cond3A : i32
    scf.if %cond3A_6 {
      %mul3A_33 = arith.constant 608 : i32
      %mul3A_34 = arith.muli %arg1, %mul3A_33 : i32
      %add3A_35 = arith.constant 0 : i32
      %add3A_36 = arith.addi %mul3A_34, %add3A_35 : i32
      "tpu.region"() ({
        %run_scoped3A = tpu.sem_alloc : memref<!tpu.dma_semaphore, #tpu.memory_space<semaphore_mem>>
        %dma_start3A_45 = arith.constant 0 : i32
        %dma_start3A_46 = tpu.memref_slice %arg11[%add3A_36, %dma_start3A_45] : memref<9728x128xf32, #tpu.memory_space<vmem_shared>> -> memref<128x128xf32, #tpu.memory_space<vmem_shared>>
        tpu.enqueue_dma source(%arg5 : memref<128x128xf32, #tpu.memory_space<hbm>>) target(%dma_start3A_46 : memref<128x128xf32, #tpu.memory_space<vmem_shared>>) target_semaphore(%run_scoped3A : memref<!tpu.dma_semaphore, #tpu.memory_space<semaphore_mem>>)
        %dma_wait3A = arith.constant 0 : i32
        %dma_wait3A_47 = tpu.memref_slice %arg11[%add3A_36, %dma_wait3A] : memref<9728x128xf32, #tpu.memory_space<vmem_shared>> -> memref<128x128xf32, #tpu.memory_space<vmem_shared>>
        tpu.wait_dma2 semaphore(%run_scoped3A : memref<!tpu.dma_semaphore, #tpu.memory_space<semaphore_mem>>) src(%arg5 : memref<128x128xf32, #tpu.memory_space<hbm>>) dst(%dma_wait3A_47 : memref<128x128xf32, #tpu.memory_space<vmem_shared>>)
        tpu.yield
      }) : () -> ()
      %add3A_37 = arith.constant 128 : i32
      %add3A_38 = arith.addi %mul3A_34, %add3A_37 : i32
      "tpu.region"() ({
        %run_scoped3A = tpu.sem_alloc : memref<!tpu.dma_semaphore, #tpu.memory_space<semaphore_mem>>
        %dma_start3A_45 = arith.constant 0 : i32
        %dma_start3A_46 = tpu.memref_slice %arg11[%add3A_38, %dma_start3A_45] : memref<9728x128xf32, #tpu.memory_space<vmem_shared>> -> memref<128x128xf32, #tpu.memory_space<vmem_shared>>
        tpu.enqueue_dma source(%arg5 : memref<128x128xf32, #tpu.memory_space<hbm>>) target(%dma_start3A_46 : memref<128x128xf32, #tpu.memory_space<vmem_shared>>) target_semaphore(%run_scoped3A : memref<!tpu.dma_semaphore, #tpu.memory_space<semaphore_mem>>)
        %dma_wait3A = arith.constant 0 : i32
        %dma_wait3A_47 = tpu.memref_slice %arg11[%add3A_38, %dma_wait3A] : memref<9728x128xf32, #tpu.memory_space<vmem_shared>> -> memref<128x128xf32, #tpu.memory_space<vmem_shared>>
        tpu.wait_dma2 semaphore(%run_scoped3A : memref<!tpu.dma_semaphore, #tpu.memory_space<semaphore_mem>>) src(%arg5 : memref<128x128xf32, #tpu.memory_space<hbm>>) dst(%dma_wait3A_47 : memref<128x128xf32, #tpu.memory_space<vmem_shared>>)
        tpu.yield
      }) : () -> ()
      %add3A_39 = arith.constant 256 : i32
      %add3A_40 = arith.addi %mul3A_34, %add3A_39 : i32
      "tpu.region"() ({
        %run_scoped3A = tpu.sem_alloc : memref<!tpu.dma_semaphore, #tpu.memory_space<semaphore_mem>>
        %dma_start3A_45 = arith.constant 0 : i32
        %dma_start3A_46 = tpu.memref_slice %arg11[%add3A_40, %dma_start3A_45] : memref<9728x128xf32, #tpu.memory_space<vmem_shared>> -> memref<128x128xf32, #tpu.memory_space<vmem_shared>>
        tpu.enqueue_dma source(%arg5 : memref<128x128xf32, #tpu.memory_space<hbm>>) target(%dma_start3A_46 : memref<128x128xf32, #tpu.memory_space<vmem_shared>>) target_semaphore(%run_scoped3A : memref<!tpu.dma_semaphore, #tpu.memory_space<semaphore_mem>>)
        %dma_wait3A = arith.constant 0 : i32
        %dma_wait3A_47 = tpu.memref_slice %arg11[%add3A_40, %dma_wait3A] : memref<9728x128xf32, #tpu.memory_space<vmem_shared>> -> memref<128x128xf32, #tpu.memory_space<vmem_shared>>
        tpu.wait_dma2 semaphore(%run_scoped3A : memref<!tpu.dma_semaphore, #tpu.memory_space<semaphore_mem>>) src(%arg5 : memref<128x128xf32, #tpu.memory_space<hbm>>) dst(%dma_wait3A_47 : memref<128x128xf32, #tpu.memory_space<vmem_shared>>)
        tpu.yield
      }) : () -> ()
      %add3A_41 = arith.constant 384 : i32
      %add3A_42 = arith.addi %mul3A_34, %add3A_41 : i32
      "tpu.region"() ({
        %run_scoped3A = tpu.sem_alloc : memref<!tpu.dma_semaphore, #tpu.memory_space<semaphore_mem>>
        %dma_start3A_45 = arith.constant 0 : i32
        %dma_start3A_46 = tpu.memref_slice %arg11[%add3A_42, %dma_start3A_45] : memref<9728x128xf32, #tpu.memory_space<vmem_shared>> -> memref<128x128xf32, #tpu.memory_space<vmem_shared>>
        tpu.enqueue_dma source(%arg5 : memref<128x128xf32, #tpu.memory_space<hbm>>) target(%dma_start3A_46 : memref<128x128xf32, #tpu.memory_space<vmem_shared>>) target_semaphore(%run_scoped3A : memref<!tpu.dma_semaphore, #tpu.memory_space<semaphore_mem>>)
        %dma_wait3A = arith.constant 0 : i32
        %dma_wait3A_47 = tpu.memref_slice %arg11[%add3A_42, %dma_wait3A] : memref<9728x128xf32, #tpu.memory_space<vmem_shared>> -> memref<128x128xf32, #tpu.memory_space<vmem_shared>>
        tpu.wait_dma2 semaphore(%run_scoped3A : memref<!tpu.dma_semaphore, #tpu.memory_space<semaphore_mem>>) src(%arg5 : memref<128x128xf32, #tpu.memory_space<hbm>>) dst(%dma_wait3A_47 : memref<128x128xf32, #tpu.memory_space<vmem_shared>>)
        tpu.yield
      }) : () -> ()
      %add3A_43 = arith.constant 512 : i32
      %add3A_44 = arith.addi %mul3A_34, %add3A_43 : i32
      "tpu.region"() ({
        %run_scoped3A = tpu.sem_alloc : memref<!tpu.dma_semaphore, #tpu.memory_space<semaphore_mem>>
        %dma_start3A_45 = arith.constant 0 : i32
        %dma_start3A_46 = tpu.memref_slice %arg11[%add3A_44, %dma_start3A_45] : memref<9728x128xf32, #tpu.memory_space<vmem_shared>> -> memref<96x128xf32, #tpu.memory_space<vmem_shared>>
        %dma_start3A_47 = arith.constant 0 : i32
        %dma_start3A_48 = arith.constant 0 : i32
        %dma_start3A_49 = tpu.memref_slice %arg5[%dma_start3A_47, %dma_start3A_48] : memref<128x128xf32, #tpu.memory_space<hbm>> -> memref<96x128xf32, #tpu.memory_space<hbm>>
        tpu.enqueue_dma source(%dma_start3A_49 : memref<96x128xf32, #tpu.memory_space<hbm>>) target(%dma_start3A_46 : memref<96x128xf32, #tpu.memory_space<vmem_shared>>) target_semaphore(%run_scoped3A : memref<!tpu.dma_semaphore, #tpu.memory_space<semaphore_mem>>)
        %dma_wait3A = arith.constant 0 : i32
        %dma_wait3A_50 = tpu.memref_slice %arg11[%add3A_44, %dma_wait3A] : memref<9728x128xf32, #tpu.memory_space<vmem_shared>> -> memref<96x128xf32, #tpu.memory_space<vmem_shared>>
        %dma_wait3A_51 = arith.constant 0 : i32
        %dma_wait3A_52 = arith.constant 0 : i32
        %dma_wait3A_53 = tpu.memref_slice %arg5[%dma_wait3A_51, %dma_wait3A_52] : memref<128x128xf32, #tpu.memory_space<hbm>> -> memref<96x128xf32, #tpu.memory_space<hbm>>
        tpu.wait_dma2 semaphore(%run_scoped3A : memref<!tpu.dma_semaphore, #tpu.memory_space<semaphore_mem>>) src(%dma_wait3A_53 : memref<96x128xf32, #tpu.memory_space<hbm>>) dst(%dma_wait3A_50 : memref<96x128xf32, #tpu.memory_space<vmem_shared>>)
        tpu.yield
      }) : () -> ()
    } else {
    }
    %eq3A = arith.constant 15 : i32
    %eq3A_7 = arith.cmpi eq, %arg1, %eq3A : i32
    %convert_element_type3A_8 = arith.extui %eq3A_7 : i1 to i32
    %cond3A_9 = arith.constant 0 : i32
    %cond3A_10 = arith.cmpi ne, %convert_element_type3A_8, %cond3A_9 : i32
    scf.if %cond3A_10 {
      "tpu.region"() ({
        %run_scoped3A = tpu.sem_alloc : memref<!tpu.dma_semaphore, #tpu.memory_space<semaphore_mem>>
        %dma_start3A_33 = arith.constant 9120 : i32
        %dma_start3A_34 = arith.constant 0 : i32
        %dma_start3A_35 = tpu.memref_slice %arg11[%dma_start3A_33, %dma_start3A_34] : memref<9728x128xf32, #tpu.memory_space<vmem_shared>> -> memref<128x128xf32, #tpu.memory_space<vmem_shared>>
        tpu.enqueue_dma source(%arg5 : memref<128x128xf32, #tpu.memory_space<hbm>>) target(%dma_start3A_35 : memref<128x128xf32, #tpu.memory_space<vmem_shared>>) target_semaphore(%run_scoped3A : memref<!tpu.dma_semaphore, #tpu.memory_space<semaphore_mem>>)
        %dma_wait3A = arith.constant 9120 : i32
        %dma_wait3A_36 = arith.constant 0 : i32
        %dma_wait3A_37 = tpu.memref_slice %arg11[%dma_wait3A, %dma_wait3A_36] : memref<9728x128xf32, #tpu.memory_space<vmem_shared>> -> memref<128x128xf32, #tpu.memory_space<vmem_shared>>
        tpu.wait_dma2 semaphore(%run_scoped3A : memref<!tpu.dma_semaphore, #tpu.memory_space<semaphore_mem>>) src(%arg5 : memref<128x128xf32, #tpu.memory_space<hbm>>) dst(%dma_wait3A_37 : memref<128x128xf32, #tpu.memory_space<vmem_shared>>)
        tpu.yield
      }) : () -> ()
      "tpu.region"() ({
        %run_scoped3A = tpu.sem_alloc : memref<!tpu.dma_semaphore, #tpu.memory_space<semaphore_mem>>
        %dma_start3A_33 = arith.constant 9248 : i32
        %dma_start3A_34 = arith.constant 0 : i32
        %dma_start3A_35 = tpu.memref_slice %arg11[%dma_start3A_33, %dma_start3A_34] : memref<9728x128xf32, #tpu.memory_space<vmem_shared>> -> memref<128x128xf32, #tpu.memory_space<vmem_shared>>
        tpu.enqueue_dma source(%arg5 : memref<128x128xf32, #tpu.memory_space<hbm>>) target(%dma_start3A_35 : memref<128x128xf32, #tpu.memory_space<vmem_shared>>) target_semaphore(%run_scoped3A : memref<!tpu.dma_semaphore, #tpu.memory_space<semaphore_mem>>)
        %dma_wait3A = arith.constant 9248 : i32
        %dma_wait3A_36 = arith.constant 0 : i32
        %dma_wait3A_37 = tpu.memref_slice %arg11[%dma_wait3A, %dma_wait3A_36] : memref<9728x128xf32, #tpu.memory_space<vmem_shared>> -> memref<128x128xf32, #tpu.memory_space<vmem_shared>>
        tpu.wait_dma2 semaphore(%run_scoped3A : memref<!tpu.dma_semaphore, #tpu.memory_space<semaphore_mem>>) src(%arg5 : memref<128x128xf32, #tpu.memory_space<hbm>>) dst(%dma_wait3A_37 : memref<128x128xf32, #tpu.memory_space<vmem_shared>>)
        tpu.yield
      }) : () -> ()
      "tpu.region"() ({
        %run_scoped3A = tpu.sem_alloc : memref<!tpu.dma_semaphore, #tpu.memory_space<semaphore_mem>>
        %dma_start3A_33 = arith.constant 9376 : i32
        %dma_start3A_34 = arith.constant 0 : i32
        %dma_start3A_35 = tpu.memref_slice %arg11[%dma_start3A_33, %dma_start3A_34] : memref<9728x128xf32, #tpu.memory_space<vmem_shared>> -> memref<128x128xf32, #tpu.memory_space<vmem_shared>>
        tpu.enqueue_dma source(%arg5 : memref<128x128xf32, #tpu.memory_space<hbm>>) target(%dma_start3A_35 : memref<128x128xf32, #tpu.memory_space<vmem_shared>>) target_semaphore(%run_scoped3A : memref<!tpu.dma_semaphore, #tpu.memory_space<semaphore_mem>>)
        %dma_wait3A = arith.constant 9376 : i32
        %dma_wait3A_36 = arith.constant 0 : i32
        %dma_wait3A_37 = tpu.memref_slice %arg11[%dma_wait3A, %dma_wait3A_36] : memref<9728x128xf32, #tpu.memory_space<vmem_shared>> -> memref<128x128xf32, #tpu.memory_space<vmem_shared>>
        tpu.wait_dma2 semaphore(%run_scoped3A : memref<!tpu.dma_semaphore, #tpu.memory_space<semaphore_mem>>) src(%arg5 : memref<128x128xf32, #tpu.memory_space<hbm>>) dst(%dma_wait3A_37 : memref<128x128xf32, #tpu.memory_space<vmem_shared>>)
        tpu.yield
      }) : () -> ()
      "tpu.region"() ({
        %run_scoped3A = tpu.sem_alloc : memref<!tpu.dma_semaphore, #tpu.memory_space<semaphore_mem>>
        %dma_start3A_33 = arith.constant 9504 : i32
        %dma_start3A_34 = arith.constant 0 : i32
        %dma_start3A_35 = tpu.memref_slice %arg11[%dma_start3A_33, %dma_start3A_34] : memref<9728x128xf32, #tpu.memory_space<vmem_shared>> -> memref<128x128xf32, #tpu.memory_space<vmem_shared>>
        tpu.enqueue_dma source(%arg5 : memref<128x128xf32, #tpu.memory_space<hbm>>) target(%dma_start3A_35 : memref<128x128xf32, #tpu.memory_space<vmem_shared>>) target_semaphore(%run_scoped3A : memref<!tpu.dma_semaphore, #tpu.memory_space<semaphore_mem>>)
        %dma_wait3A = arith.constant 9504 : i32
        %dma_wait3A_36 = arith.constant 0 : i32
        %dma_wait3A_37 = tpu.memref_slice %arg11[%dma_wait3A, %dma_wait3A_36] : memref<9728x128xf32, #tpu.memory_space<vmem_shared>> -> memref<128x128xf32, #tpu.memory_space<vmem_shared>>
        tpu.wait_dma2 semaphore(%run_scoped3A : memref<!tpu.dma_semaphore, #tpu.memory_space<semaphore_mem>>) src(%arg5 : memref<128x128xf32, #tpu.memory_space<hbm>>) dst(%dma_wait3A_37 : memref<128x128xf32, #tpu.memory_space<vmem_shared>>)
        tpu.yield
      }) : () -> ()
      "tpu.region"() ({
        %run_scoped3A = tpu.sem_alloc : memref<!tpu.dma_semaphore, #tpu.memory_space<semaphore_mem>>
        %dma_start3A_33 = arith.constant 9632 : i32
        %dma_start3A_34 = arith.constant 0 : i32
        %dma_start3A_35 = tpu.memref_slice %arg11[%dma_start3A_33, %dma_start3A_34] : memref<9728x128xf32, #tpu.memory_space<vmem_shared>> -> memref<96x128xf32, #tpu.memory_space<vmem_shared>>
        %dma_start3A_36 = arith.constant 0 : i32
        %dma_start3A_37 = arith.constant 0 : i32
        %dma_start3A_38 = tpu.memref_slice %arg5[%dma_start3A_36, %dma_start3A_37] : memref<128x128xf32, #tpu.memory_space<hbm>> -> memref<96x128xf32, #tpu.memory_space<hbm>>
        tpu.enqueue_dma source(%dma_start3A_38 : memref<96x128xf32, #tpu.memory_space<hbm>>) target(%dma_start3A_35 : memref<96x128xf32, #tpu.memory_space<vmem_shared>>) target_semaphore(%run_scoped3A : memref<!tpu.dma_semaphore, #tpu.memory_space<semaphore_mem>>)
        %dma_wait3A = arith.constant 9632 : i32
        %dma_wait3A_39 = arith.constant 0 : i32
        %dma_wait3A_40 = tpu.memref_slice %arg11[%dma_wait3A, %dma_wait3A_39] : memref<9728x128xf32, #tpu.memory_space<vmem_shared>> -> memref<96x128xf32, #tpu.memory_space<vmem_shared>>
        %dma_wait3A_41 = arith.constant 0 : i32
        %dma_wait3A_42 = arith.constant 0 : i32
        %dma_wait3A_43 = tpu.memref_slice %arg5[%dma_wait3A_41, %dma_wait3A_42] : memref<128x128xf32, #tpu.memory_space<hbm>> -> memref<96x128xf32, #tpu.memory_space<hbm>>
        tpu.wait_dma2 semaphore(%run_scoped3A : memref<!tpu.dma_semaphore, #tpu.memory_space<semaphore_mem>>) src(%dma_wait3A_43 : memref<96x128xf32, #tpu.memory_space<hbm>>) dst(%dma_wait3A_40 : memref<96x128xf32, #tpu.memory_space<vmem_shared>>)
        tpu.yield
      }) : () -> ()
    } else {
    }
    %barrier3A = arith.constant 0 : index
    tpu.barrier barrier_id(%barrier3A)
    %dma_start3A = arith.constant 0 : i32
    %dma_start3A_11 = arith.constant 0 : i32
    %dma_start3A_12 = tpu.memref_slice %arg7[%dma_start3A, %dma_start3A_11] : memref<80x125xi32, #tpu.memory_space<vmem>> -> memref<1x125xi32, #tpu.memory_space<vmem>>
    %dma_start3A_13 = tpu.memref_squeeze %dma_start3A_12 : memref<1x125xi32, #tpu.memory_space<vmem>> -> memref<125xi32, #tpu.memory_space<vmem>>
    %dma_start3A_14 = arith.constant 0 : i32
    %dma_start3A_15 = arith.constant 0 : i32
    %dma_start3A_16 = tpu.memref_slice %arg2[%dma_start3A_14, %dma_start3A_15] : memref<80000x128xf32, #tpu.memory_space<hbm>> -> memref<80000x128xf32, #tpu.memory_space<hbm>>
    tpu.enqueue_indirect_dma source(%dma_start3A_16 : memref<80000x128xf32, #tpu.memory_space<hbm>>) target(%arg9 : memref<125x128xf32, #tpu.memory_space<vmem>>) offsets(%dma_start3A_13 : memref<125xi32, #tpu.memory_space<vmem>>) semaphore(%arg12 : memref<!tpu.dma_semaphore, #tpu.memory_space<semaphore_mem>>)
    %scan3A = arith.constant 0 : i32
    %scan3A_17 = arith.constant 0 : i32
    %scan3A_18 = arith.constant 40 : i32
    %scan3A_19 = arith.addi %scan3A_17, %scan3A_18 : i32
    %scan3A_20 = arith.constant 1 : i32
    scf.for %scan3A_33 = %scan3A_17 to %scan3A_19 step %scan3A_20  : i32 {
      %mul3A_34 = arith.constant 2 : i32
      %mul3A_35 = arith.muli %mul3A_34, %scan3A_33 : i32
      %dma_wait3A = arith.constant 0 : i32
      %dma_wait3A_36 = tpu.memref_slice %arg7[%mul3A_35, %dma_wait3A] : memref<80x125xi32, #tpu.memory_space<vmem>> -> memref<1x125xi32, #tpu.memory_space<vmem>>
      %dma_wait3A_37 = tpu.memref_squeeze %dma_wait3A_36 : memref<1x125xi32, #tpu.memory_space<vmem>> -> memref<125xi32, #tpu.memory_space<vmem>>
      %dma_wait3A_38 = arith.constant 0 : i32
      %dma_wait3A_39 = arith.constant 0 : i32
      %dma_wait3A_40 = tpu.memref_slice %arg2[%dma_wait3A_38, %dma_wait3A_39] : memref<80000x128xf32, #tpu.memory_space<hbm>> -> memref<80000x128xf32, #tpu.memory_space<hbm>>
      tpu.wait_indirect_dma semaphore(%arg12 : memref<!tpu.dma_semaphore, #tpu.memory_space<semaphore_mem>>) src(%dma_wait3A_40 : memref<80000x128xf32, #tpu.memory_space<hbm>>) dst(%arg9 : memref<125x128xf32, #tpu.memory_space<vmem>>)
      %add3A_41 = arith.constant 1 : i32
      %add3A_42 = arith.addi %mul3A_35, %add3A_41 : i32
      %dma_start3A_43 = arith.constant 0 : i32
      %dma_start3A_44 = tpu.memref_slice %arg7[%add3A_42, %dma_start3A_43] : memref<80x125xi32, #tpu.memory_space<vmem>> -> memref<1x125xi32, #tpu.memory_space<vmem>>
      %dma_start3A_45 = tpu.memref_squeeze %dma_start3A_44 : memref<1x125xi32, #tpu.memory_space<vmem>> -> memref<125xi32, #tpu.memory_space<vmem>>
      %dma_start3A_46 = arith.constant 0 : i32
      %dma_start3A_47 = arith.constant 0 : i32
      %dma_start3A_48 = tpu.memref_slice %arg2[%dma_start3A_46, %dma_start3A_47] : memref<80000x128xf32, #tpu.memory_space<hbm>> -> memref<80000x128xf32, #tpu.memory_space<hbm>>
      tpu.enqueue_indirect_dma source(%dma_start3A_48 : memref<80000x128xf32, #tpu.memory_space<hbm>>) target(%arg10 : memref<125x128xf32, #tpu.memory_space<vmem>>) offsets(%dma_start3A_45 : memref<125xi32, #tpu.memory_space<vmem>>) semaphore(%arg13 : memref<!tpu.dma_semaphore, #tpu.memory_space<semaphore_mem>>)
      "tpu.region"() ({
        %run_scoped3A = tpu.sem_alloc : memref<!tpu.dma_semaphore, #tpu.memory_space<semaphore_mem>>
        %dma_start3A_66 = arith.constant 0 : i32
        %dma_start3A_67 = tpu.memref_slice %arg8[%mul3A_35, %dma_start3A_66] : memref<80x125xi32, #tpu.memory_space<vmem>> -> memref<1x125xi32, #tpu.memory_space<vmem>>
        %dma_start3A_68 = tpu.memref_squeeze %dma_start3A_67 : memref<1x125xi32, #tpu.memory_space<vmem>> -> memref<125xi32, #tpu.memory_space<vmem>>
        %dma_start3A_69 = arith.constant 0 : i32
        %dma_start3A_70 = arith.constant 0 : i32
        %dma_start3A_71 = tpu.memref_slice %arg11[%dma_start3A_69, %dma_start3A_70] : memref<9728x128xf32, #tpu.memory_space<vmem_shared>> -> memref<9728x128xf32, #tpu.memory_space<vmem_shared>>
        tpu.enqueue_indirect_dma source(%arg9 : memref<125x128xf32, #tpu.memory_space<vmem>>) target(%dma_start3A_71 : memref<9728x128xf32, #tpu.memory_space<vmem_shared>>) offsets(%dma_start3A_68 : memref<125xi32, #tpu.memory_space<vmem>>) semaphore(%run_scoped3A : memref<!tpu.dma_semaphore, #tpu.memory_space<semaphore_mem>>) {add = true}
        %dma_wait3A_72 = arith.constant 0 : i32
        %dma_wait3A_73 = tpu.memref_slice %arg8[%mul3A_35, %dma_wait3A_72] : memref<80x125xi32, #tpu.memory_space<vmem>> -> memref<1x125xi32, #tpu.memory_space<vmem>>
        %dma_wait3A_74 = tpu.memref_squeeze %dma_wait3A_73 : memref<1x125xi32, #tpu.memory_space<vmem>> -> memref<125xi32, #tpu.memory_space<vmem>>
        %dma_wait3A_75 = arith.constant 0 : i32
        %dma_wait3A_76 = arith.constant 0 : i32
        %dma_wait3A_77 = tpu.memref_slice %arg11[%dma_wait3A_75, %dma_wait3A_76] : memref<9728x128xf32, #tpu.memory_space<vmem_shared>> -> memref<9728x128xf32, #tpu.memory_space<vmem_shared>>
        tpu.wait_indirect_dma semaphore(%run_scoped3A : memref<!tpu.dma_semaphore, #tpu.memory_space<semaphore_mem>>) src(%arg9 : memref<125x128xf32, #tpu.memory_space<vmem>>) dst(%dma_wait3A_77 : memref<9728x128xf32, #tpu.memory_space<vmem_shared>>)
        tpu.yield
      }) : () -> ()
      %add3A_49 = arith.constant 1 : i32
      %add3A_50 = arith.addi %mul3A_35, %add3A_49 : i32
      %dma_wait3A_51 = arith.constant 0 : i32
      %dma_wait3A_52 = tpu.memref_slice %arg7[%add3A_50, %dma_wait3A_51] : memref<80x125xi32, #tpu.memory_space<vmem>> -> memref<1x125xi32, #tpu.memory_space<vmem>>
      %dma_wait3A_53 = tpu.memref_squeeze %dma_wait3A_52 : memref<1x125xi32, #tpu.memory_space<vmem>> -> memref<125xi32, #tpu.memory_space<vmem>>
      %dma_wait3A_54 = arith.constant 0 : i32
      %dma_wait3A_55 = arith.constant 0 : i32
      %dma_wait3A_56 = tpu.memref_slice %arg2[%dma_wait3A_54, %dma_wait3A_55] : memref<80000x128xf32, #tpu.memory_space<hbm>> -> memref<80000x128xf32, #tpu.memory_space<hbm>>
      tpu.wait_indirect_dma semaphore(%arg13 : memref<!tpu.dma_semaphore, #tpu.memory_space<semaphore_mem>>) src(%dma_wait3A_56 : memref<80000x128xf32, #tpu.memory_space<hbm>>) dst(%arg10 : memref<125x128xf32, #tpu.memory_space<vmem>>)
      %add3A_57 = arith.constant 2 : i32
      %add3A_58 = arith.addi %mul3A_35, %add3A_57 : i32
      %lt3A_59 = arith.constant 80 : i32
      %lt3A_60 = arith.cmpi slt, %add3A_58, %lt3A_59 : i32
      %convert_element_type3A_61 = arith.extui %lt3A_60 : i1 to i32
      %cond3A_62 = arith.constant 0 : i32
      %cond3A_63 = arith.cmpi ne, %convert_element_type3A_61, %cond3A_62 : i32
      scf.if %cond3A_63 {
        %add3A_66 = arith.constant 2 : i32
        %add3A_67 = arith.addi %mul3A_35, %add3A_66 : i32
        %dma_start3A_68 = arith.constant 0 : i32
        %dma_start3A_69 = tpu.memref_slice %arg7[%add3A_67, %dma_start3A_68] : memref<80x125xi32, #tpu.memory_space<vmem>> -> memref<1x125xi32, #tpu.memory_space<vmem>>
        %dma_start3A_70 = tpu.memref_squeeze %dma_start3A_69 : memref<1x125xi32, #tpu.memory_space<vmem>> -> memref<125xi32, #tpu.memory_space<vmem>>
        %dma_start3A_71 = arith.constant 0 : i32
        %dma_start3A_72 = arith.constant 0 : i32
        %dma_start3A_73 = tpu.memref_slice %arg2[%dma_start3A_71, %dma_start3A_72] : memref<80000x128xf32, #tpu.memory_space<hbm>> -> memref<80000x128xf32, #tpu.memory_space<hbm>>
        tpu.enqueue_indirect_dma source(%dma_start3A_73 : memref<80000x128xf32, #tpu.memory_space<hbm>>) target(%arg9 : memref<125x128xf32, #tpu.memory_space<vmem>>) offsets(%dma_start3A_70 : memref<125xi32, #tpu.memory_space<vmem>>) semaphore(%arg12 : memref<!tpu.dma_semaphore, #tpu.memory_space<semaphore_mem>>)
      } else {
      }
      %add3A_64 = arith.constant 1 : i32
      %add3A_65 = arith.addi %mul3A_35, %add3A_64 : i32
      "tpu.region"() ({
        %run_scoped3A = tpu.sem_alloc : memref<!tpu.dma_semaphore, #tpu.memory_space<semaphore_mem>>
        %dma_start3A_66 = arith.constant 0 : i32
        %dma_start3A_67 = tpu.memref_slice %arg8[%add3A_65, %dma_start3A_66] : memref<80x125xi32, #tpu.memory_space<vmem>> -> memref<1x125xi32, #tpu.memory_space<vmem>>
        %dma_start3A_68 = tpu.memref_squeeze %dma_start3A_67 : memref<1x125xi32, #tpu.memory_space<vmem>> -> memref<125xi32, #tpu.memory_space<vmem>>
        %dma_start3A_69 = arith.constant 0 : i32
        %dma_start3A_70 = arith.constant 0 : i32
        %dma_start3A_71 = tpu.memref_slice %arg11[%dma_start3A_69, %dma_start3A_70] : memref<9728x128xf32, #tpu.memory_space<vmem_shared>> -> memref<9728x128xf32, #tpu.memory_space<vmem_shared>>
        tpu.enqueue_indirect_dma source(%arg10 : memref<125x128xf32, #tpu.memory_space<vmem>>) target(%dma_start3A_71 : memref<9728x128xf32, #tpu.memory_space<vmem_shared>>) offsets(%dma_start3A_68 : memref<125xi32, #tpu.memory_space<vmem>>) semaphore(%run_scoped3A : memref<!tpu.dma_semaphore, #tpu.memory_space<semaphore_mem>>) {add = true}
        %dma_wait3A_72 = arith.constant 0 : i32
        %dma_wait3A_73 = tpu.memref_slice %arg8[%add3A_65, %dma_wait3A_72] : memref<80x125xi32, #tpu.memory_space<vmem>> -> memref<1x125xi32, #tpu.memory_space<vmem>>
        %dma_wait3A_74 = tpu.memref_squeeze %dma_wait3A_73 : memref<1x125xi32, #tpu.memory_space<vmem>> -> memref<125xi32, #tpu.memory_space<vmem>>
        %dma_wait3A_75 = arith.constant 0 : i32
        %dma_wait3A_76 = arith.constant 0 : i32
        %dma_wait3A_77 = tpu.memref_slice %arg11[%dma_wait3A_75, %dma_wait3A_76] : memref<9728x128xf32, #tpu.memory_space<vmem_shared>> -> memref<9728x128xf32, #tpu.memory_space<vmem_shared>>
        tpu.wait_indirect_dma semaphore(%run_scoped3A : memref<!tpu.dma_semaphore, #tpu.memory_space<semaphore_mem>>) src(%arg10 : memref<125x128xf32, #tpu.memory_space<vmem>>) dst(%dma_wait3A_77 : memref<9728x128xf32, #tpu.memory_space<vmem_shared>>)
        tpu.yield
      }) : () -> ()
    }
    %scan3A_21 = arith.constant 40 : i32
    %barrier3A_22 = arith.constant 0 : index
    tpu.barrier barrier_id(%barrier3A_22)
    %lt3A_23 = arith.constant 15 : i32
    %lt3A_24 = arith.cmpi slt, %arg1, %lt3A_23 : i32
    %convert_element_type3A_25 = arith.extui %lt3A_24 : i1 to i32
    %cond3A_26 = arith.constant 0 : i32
    %cond3A_27 = arith.cmpi ne, %convert_element_type3A_25, %cond3A_26 : i32
    scf.if %cond3A_27 {
      %mul3A_33 = arith.constant 608 : i32
      %mul3A_34 = arith.muli %arg1, %mul3A_33 : i32
      %mul3A_35 = arith.constant 608 : i32
      %mul3A_36 = arith.muli %arg1, %mul3A_35 : i32
      "tpu.region"() ({
        %run_scoped3A = tpu.sem_alloc : memref<!tpu.dma_semaphore, #tpu.memory_space<semaphore_mem>>
        %dma_start3A_37 = arith.constant 0 : i32
        %dma_start3A_38 = arith.constant 0 : i32
        %dma_start3A_39 = tpu.memref_slice %arg6[%arg0, %dma_start3A_37, %dma_start3A_38] : memref<2x9728x128xf32, #tpu.memory_space<hbm>> -> memref<1x9728x128xf32, #tpu.memory_space<hbm>>
        %dma_start3A_40 = tpu.memref_squeeze %dma_start3A_39 : memref<1x9728x128xf32, #tpu.memory_space<hbm>> -> memref<9728x128xf32, #tpu.memory_space<hbm>>
        %dma_start3A_41 = arith.constant 0 : i32
        %dma_start3A_42 = tpu.memref_slice %dma_start3A_40[%mul3A_36, %dma_start3A_41] : memref<9728x128xf32, #tpu.memory_space<hbm>> -> memref<608x128xf32, #tpu.memory_space<hbm>>
        %dma_start3A_43 = arith.constant 0 : i32
        %dma_start3A_44 = tpu.memref_slice %arg11[%mul3A_34, %dma_start3A_43] : memref<9728x128xf32, #tpu.memory_space<vmem_shared>> -> memref<608x128xf32, #tpu.memory_space<vmem_shared>>
        tpu.enqueue_dma source(%dma_start3A_44 : memref<608x128xf32, #tpu.memory_space<vmem_shared>>) target(%dma_start3A_42 : memref<608x128xf32, #tpu.memory_space<hbm>>) target_semaphore(%run_scoped3A : memref<!tpu.dma_semaphore, #tpu.memory_space<semaphore_mem>>)
        %dma_wait3A = arith.constant 0 : i32
        %dma_wait3A_45 = arith.constant 0 : i32
        %dma_wait3A_46 = tpu.memref_slice %arg6[%arg0, %dma_wait3A, %dma_wait3A_45] : memref<2x9728x128xf32, #tpu.memory_space<hbm>> -> memref<1x9728x128xf32, #tpu.memory_space<hbm>>
        %dma_wait3A_47 = tpu.memref_squeeze %dma_wait3A_46 : memref<1x9728x128xf32, #tpu.memory_space<hbm>> -> memref<9728x128xf32, #tpu.memory_space<hbm>>
        %dma_wait3A_48 = arith.constant 0 : i32
        %dma_wait3A_49 = tpu.memref_slice %dma_wait3A_47[%mul3A_36, %dma_wait3A_48] : memref<9728x128xf32, #tpu.memory_space<hbm>> -> memref<608x128xf32, #tpu.memory_space<hbm>>
        %dma_wait3A_50 = arith.constant 0 : i32
        %dma_wait3A_51 = tpu.memref_slice %arg11[%mul3A_34, %dma_wait3A_50] : memref<9728x128xf32, #tpu.memory_space<vmem_shared>> -> memref<608x128xf32, #tpu.memory_space<vmem_shared>>
        tpu.wait_dma2 semaphore(%run_scoped3A : memref<!tpu.dma_semaphore, #tpu.memory_space<semaphore_mem>>) src(%dma_wait3A_51 : memref<608x128xf32, #tpu.memory_space<vmem_shared>>) dst(%dma_wait3A_49 : memref<608x128xf32, #tpu.memory_space<hbm>>)
        tpu.yield
      }) : () -> ()
    } else {
    }
    %eq3A_28 = arith.constant 15 : i32
    %eq3A_29 = arith.cmpi eq, %arg1, %eq3A_28 : i32
    %convert_element_type3A_30 = arith.extui %eq3A_29 : i1 to i32
    %cond3A_31 = arith.constant 0 : i32
    %cond3A_32 = arith.cmpi ne, %convert_element_type3A_30, %cond3A_31 : i32
    scf.if %cond3A_32 {
      "tpu.region"() ({
        %run_scoped3A = tpu.sem_alloc : memref<!tpu.dma_semaphore, #tpu.memory_space<semaphore_mem>>
        %dma_start3A_33 = arith.constant 0 : i32
        %dma_start3A_34 = arith.constant 0 : i32
        %dma_start3A_35 = tpu.memref_slice %arg6[%arg0, %dma_start3A_33, %dma_start3A_34] : memref<2x9728x128xf32, #tpu.memory_space<hbm>> -> memref<1x9728x128xf32, #tpu.memory_space<hbm>>
        %dma_start3A_36 = tpu.memref_squeeze %dma_start3A_35 : memref<1x9728x128xf32, #tpu.memory_space<hbm>> -> memref<9728x128xf32, #tpu.memory_space<hbm>>
        %dma_start3A_37 = arith.constant 9120 : i32
        %dma_start3A_38 = arith.constant 0 : i32
        %dma_start3A_39 = tpu.memref_slice %dma_start3A_36[%dma_start3A_37, %dma_start3A_38] : memref<9728x128xf32, #tpu.memory_space<hbm>> -> memref<608x128xf32, #tpu.memory_space<hbm>>
        %dma_start3A_40 = arith.constant 9120 : i32
        %dma_start3A_41 = arith.constant 0 : i32
        %dma_start3A_42 = tpu.memref_slice %arg11[%dma_start3A_40, %dma_start3A_41] : memref<9728x128xf32, #tpu.memory_space<vmem_shared>> -> memref<608x128xf32, #tpu.memory_space<vmem_shared>>
        tpu.enqueue_dma source(%dma_start3A_42 : memref<608x128xf32, #tpu.memory_space<vmem_shared>>) target(%dma_start3A_39 : memref<608x128xf32, #tpu.memory_space<hbm>>) target_semaphore(%run_scoped3A : memref<!tpu.dma_semaphore, #tpu.memory_space<semaphore_mem>>)
        %dma_wait3A = arith.constant 0 : i32
        %dma_wait3A_43 = arith.constant 0 : i32
        %dma_wait3A_44 = tpu.memref_slice %arg6[%arg0, %dma_wait3A, %dma_wait3A_43] : memref<2x9728x128xf32, #tpu.memory_space<hbm>> -> memref<1x9728x128xf32, #tpu.memory_space<hbm>>
        %dma_wait3A_45 = tpu.memref_squeeze %dma_wait3A_44 : memref<1x9728x128xf32, #tpu.memory_space<hbm>> -> memref<9728x128xf32, #tpu.memory_space<hbm>>
        %dma_wait3A_46 = arith.constant 9120 : i32
        %dma_wait3A_47 = arith.constant 0 : i32
        %dma_wait3A_48 = tpu.memref_slice %dma_wait3A_45[%dma_wait3A_46, %dma_wait3A_47] : memref<9728x128xf32, #tpu.memory_space<hbm>> -> memref<608x128xf32, #tpu.memory_space<hbm>>
        %dma_wait3A_49 = arith.constant 9120 : i32
        %dma_wait3A_50 = arith.constant 0 : i32
        %dma_wait3A_51 = tpu.memref_slice %arg11[%dma_wait3A_49, %dma_wait3A_50] : memref<9728x128xf32, #tpu.memory_space<vmem_shared>> -> memref<608x128xf32, #tpu.memory_space<vmem_shared>>
        tpu.wait_dma2 semaphore(%run_scoped3A : memref<!tpu.dma_semaphore, #tpu.memory_space<semaphore_mem>>) src(%dma_wait3A_51 : memref<608x128xf32, #tpu.memory_space<vmem_shared>>) dst(%dma_wait3A_48 : memref<608x128xf32, #tpu.memory_space<hbm>>)
        tpu.yield
      }) : () -> ()
    } else {
    }
    return
  }
}

#map = affine_map<(d0, d1) -> (0, 0)>
#map1 = affine_map<(d0, d1) -> (0, 0, 0)>
module attributes {stable_mosaic.version = 14 : i64} {
  func.func @_sc_agg(%arg0: i32, %arg1: i32, %arg2: memref<80000x128xf32, #tpu.memory_space<hbm>>, %arg3: memref<2560x125xi32, #tpu.memory_space<hbm>>, %arg4: memref<2560x125xi32, #tpu.memory_space<hbm>>, %arg5: memref<128x128xf32, #tpu.memory_space<hbm>>, %arg6: memref<2x9728x128xf32, #tpu.memory_space<hbm>>, %arg7: memref<80x125xi32, #tpu.memory_space<vmem>>, %arg8: memref<80x125xi32, #tpu.memory_space<vmem>>, %arg9: memref<125x128xf32, #tpu.memory_space<vmem>>, %arg10: memref<125x128xf32, #tpu.memory_space<vmem>>, %arg11: memref<9728x128xf32, #tpu.memory_space<vmem_shared>>, %arg12: memref<!tpu.dma_semaphore, #tpu.memory_space<semaphore_mem>>, %arg13: memref<!tpu.dma_semaphore, #tpu.memory_space<semaphore_mem>>) attributes {dimension_semantics = [#tpu.dimension_semantics<core_parallel>, #tpu.dimension_semantics<subcore_parallel>], iteration_bounds = array<i64: 2, 16>, scalar_prefetch = 0 : i64, scratch_operands = 7 : i64, tpu.core_type = #tpu.core_type<sc_vector_subcore>, window_params = [{transform_indices = #map}, {transform_indices = #map}, {transform_indices = #map}, {transform_indices = #map}, {transform_indices = #map1}]} {
    %mul3A = arith.constant 16 : i32
    %mul3A_0 = arith.muli %arg0, %mul3A : i32
    %add3A = arith.addi %mul3A_0, %arg1 : i32
    %mul3A_1 = arith.constant 80 : i32
    %mul3A_2 = arith.muli %add3A, %mul3A_1 : i32
    "tpu.region"() ({
      %run_scoped3A = tpu.sem_alloc : memref<!tpu.dma_semaphore, #tpu.memory_space<semaphore_mem>>
      %dma_start3A_33 = arith.constant 0 : i32
      %dma_start3A_34 = tpu.memref_slice %arg3[%mul3A_2, %dma_start3A_33] : memref<2560x125xi32, #tpu.memory_space<hbm>> -> memref<80x125xi32, #tpu.memory_space<hbm>>
      %dma_start3A_35 = arith.constant 0 : i32
      %dma_start3A_36 = tpu.memref_slice %arg3[%mul3A_2, %dma_start3A_35] : memref<2560x125xi32, #tpu.memory_space<hbm>> -> memref<80x125xi32, #tpu.memory_space<hbm>>
      tpu.enqueue_dma source(%dma_start3A_36 : memref<80x125xi32, #tpu.memory_space<hbm>>) target(%arg7 : memref<80x125xi32, #tpu.memory_space<vmem>>) target_semaphore(%run_scoped3A : memref<!tpu.dma_semaphore, #tpu.memory_space<semaphore_mem>>)
      %dma_wait3A = arith.constant 0 : i32
      %dma_wait3A_37 = tpu.memref_slice %arg3[%mul3A_2, %dma_wait3A] : memref<2560x125xi32, #tpu.memory_space<hbm>> -> memref<80x125xi32, #tpu.memory_space<hbm>>
      %dma_wait3A_38 = arith.constant 0 : i32
      %dma_wait3A_39 = tpu.memref_slice %arg3[%mul3A_2, %dma_wait3A_38] : memref<2560x125xi32, #tpu.memory_space<hbm>> -> memref<80x125xi32, #tpu.memory_space<hbm>>
      tpu.wait_dma2 semaphore(%run_scoped3A : memref<!tpu.dma_semaphore, #tpu.memory_space<semaphore_mem>>) src(%dma_wait3A_39 : memref<80x125xi32, #tpu.memory_space<hbm>>) dst(%arg7 : memref<80x125xi32, #tpu.memory_space<vmem>>)
      tpu.yield
    }) : () -> ()
    %mul3A_3 = arith.constant 80 : i32
    %mul3A_4 = arith.muli %add3A, %mul3A_3 : i32
    "tpu.region"() ({
      %run_scoped3A = tpu.sem_alloc : memref<!tpu.dma_semaphore, #tpu.memory_space<semaphore_mem>>
      %dma_start3A_33 = arith.constant 0 : i32
      %dma_start3A_34 = tpu.memref_slice %arg4[%mul3A_4, %dma_start3A_33] : memref<2560x125xi32, #tpu.memory_space<hbm>> -> memref<80x125xi32, #tpu.memory_space<hbm>>
      %dma_start3A_35 = arith.constant 0 : i32
      %dma_start3A_36 = tpu.memref_slice %arg4[%mul3A_4, %dma_start3A_35] : memref<2560x125xi32, #tpu.memory_space<hbm>> -> memref<80x125xi32, #tpu.memory_space<hbm>>
      tpu.enqueue_dma source(%dma_start3A_36 : memref<80x125xi32, #tpu.memory_space<hbm>>) target(%arg8 : memref<80x125xi32, #tpu.memory_space<vmem>>) target_semaphore(%run_scoped3A : memref<!tpu.dma_semaphore, #tpu.memory_space<semaphore_mem>>)
      %dma_wait3A = arith.constant 0 : i32
      %dma_wait3A_37 = tpu.memref_slice %arg4[%mul3A_4, %dma_wait3A] : memref<2560x125xi32, #tpu.memory_space<hbm>> -> memref<80x125xi32, #tpu.memory_space<hbm>>
      %dma_wait3A_38 = arith.constant 0 : i32
      %dma_wait3A_39 = tpu.memref_slice %arg4[%mul3A_4, %dma_wait3A_38] : memref<2560x125xi32, #tpu.memory_space<hbm>> -> memref<80x125xi32, #tpu.memory_space<hbm>>
      tpu.wait_dma2 semaphore(%run_scoped3A : memref<!tpu.dma_semaphore, #tpu.memory_space<semaphore_mem>>) src(%dma_wait3A_39 : memref<80x125xi32, #tpu.memory_space<hbm>>) dst(%arg8 : memref<80x125xi32, #tpu.memory_space<vmem>>)
      tpu.yield
    }) : () -> ()
    %lt3A = arith.constant 15 : i32
    %lt3A_5 = arith.cmpi slt, %arg1, %lt3A : i32
    %convert_element_type3A = arith.extui %lt3A_5 : i1 to i32
    %cond3A = arith.constant 0 : i32
    %cond3A_6 = arith.cmpi ne, %convert_element_type3A, %cond3A : i32
    scf.if %cond3A_6 {
      %mul3A_33 = arith.constant 608 : i32
      %mul3A_34 = arith.muli %arg1, %mul3A_33 : i32
      %add3A_35 = arith.constant 0 : i32
      %add3A_36 = arith.addi %mul3A_34, %add3A_35 : i32
      "tpu.region"() ({
        %run_scoped3A = tpu.sem_alloc : memref<!tpu.dma_semaphore, #tpu.memory_space<semaphore_mem>>
        %dma_start3A_45 = arith.constant 0 : i32
        %dma_start3A_46 = tpu.memref_slice %arg11[%add3A_36, %dma_start3A_45] : memref<9728x128xf32, #tpu.memory_space<vmem_shared>> -> memref<128x128xf32, #tpu.memory_space<vmem_shared>>
        tpu.enqueue_dma source(%arg5 : memref<128x128xf32, #tpu.memory_space<hbm>>) target(%dma_start3A_46 : memref<128x128xf32, #tpu.memory_space<vmem_shared>>) target_semaphore(%run_scoped3A : memref<!tpu.dma_semaphore, #tpu.memory_space<semaphore_mem>>)
        %dma_wait3A = arith.constant 0 : i32
        %dma_wait3A_47 = tpu.memref_slice %arg11[%add3A_36, %dma_wait3A] : memref<9728x128xf32, #tpu.memory_space<vmem_shared>> -> memref<128x128xf32, #tpu.memory_space<vmem_shared>>
        tpu.wait_dma2 semaphore(%run_scoped3A : memref<!tpu.dma_semaphore, #tpu.memory_space<semaphore_mem>>) src(%arg5 : memref<128x128xf32, #tpu.memory_space<hbm>>) dst(%dma_wait3A_47 : memref<128x128xf32, #tpu.memory_space<vmem_shared>>)
        tpu.yield
      }) : () -> ()
      %add3A_37 = arith.constant 128 : i32
      %add3A_38 = arith.addi %mul3A_34, %add3A_37 : i32
      "tpu.region"() ({
        %run_scoped3A = tpu.sem_alloc : memref<!tpu.dma_semaphore, #tpu.memory_space<semaphore_mem>>
        %dma_start3A_45 = arith.constant 0 : i32
        %dma_start3A_46 = tpu.memref_slice %arg11[%add3A_38, %dma_start3A_45] : memref<9728x128xf32, #tpu.memory_space<vmem_shared>> -> memref<128x128xf32, #tpu.memory_space<vmem_shared>>
        tpu.enqueue_dma source(%arg5 : memref<128x128xf32, #tpu.memory_space<hbm>>) target(%dma_start3A_46 : memref<128x128xf32, #tpu.memory_space<vmem_shared>>) target_semaphore(%run_scoped3A : memref<!tpu.dma_semaphore, #tpu.memory_space<semaphore_mem>>)
        %dma_wait3A = arith.constant 0 : i32
        %dma_wait3A_47 = tpu.memref_slice %arg11[%add3A_38, %dma_wait3A] : memref<9728x128xf32, #tpu.memory_space<vmem_shared>> -> memref<128x128xf32, #tpu.memory_space<vmem_shared>>
        tpu.wait_dma2 semaphore(%run_scoped3A : memref<!tpu.dma_semaphore, #tpu.memory_space<semaphore_mem>>) src(%arg5 : memref<128x128xf32, #tpu.memory_space<hbm>>) dst(%dma_wait3A_47 : memref<128x128xf32, #tpu.memory_space<vmem_shared>>)
        tpu.yield
      }) : () -> ()
      %add3A_39 = arith.constant 256 : i32
      %add3A_40 = arith.addi %mul3A_34, %add3A_39 : i32
      "tpu.region"() ({
        %run_scoped3A = tpu.sem_alloc : memref<!tpu.dma_semaphore, #tpu.memory_space<semaphore_mem>>
        %dma_start3A_45 = arith.constant 0 : i32
        %dma_start3A_46 = tpu.memref_slice %arg11[%add3A_40, %dma_start3A_45] : memref<9728x128xf32, #tpu.memory_space<vmem_shared>> -> memref<128x128xf32, #tpu.memory_space<vmem_shared>>
        tpu.enqueue_dma source(%arg5 : memref<128x128xf32, #tpu.memory_space<hbm>>) target(%dma_start3A_46 : memref<128x128xf32, #tpu.memory_space<vmem_shared>>) target_semaphore(%run_scoped3A : memref<!tpu.dma_semaphore, #tpu.memory_space<semaphore_mem>>)
        %dma_wait3A = arith.constant 0 : i32
        %dma_wait3A_47 = tpu.memref_slice %arg11[%add3A_40, %dma_wait3A] : memref<9728x128xf32, #tpu.memory_space<vmem_shared>> -> memref<128x128xf32, #tpu.memory_space<vmem_shared>>
        tpu.wait_dma2 semaphore(%run_scoped3A : memref<!tpu.dma_semaphore, #tpu.memory_space<semaphore_mem>>) src(%arg5 : memref<128x128xf32, #tpu.memory_space<hbm>>) dst(%dma_wait3A_47 : memref<128x128xf32, #tpu.memory_space<vmem_shared>>)
        tpu.yield
      }) : () -> ()
      %add3A_41 = arith.constant 384 : i32
      %add3A_42 = arith.addi %mul3A_34, %add3A_41 : i32
      "tpu.region"() ({
        %run_scoped3A = tpu.sem_alloc : memref<!tpu.dma_semaphore, #tpu.memory_space<semaphore_mem>>
        %dma_start3A_45 = arith.constant 0 : i32
        %dma_start3A_46 = tpu.memref_slice %arg11[%add3A_42, %dma_start3A_45] : memref<9728x128xf32, #tpu.memory_space<vmem_shared>> -> memref<128x128xf32, #tpu.memory_space<vmem_shared>>
        tpu.enqueue_dma source(%arg5 : memref<128x128xf32, #tpu.memory_space<hbm>>) target(%dma_start3A_46 : memref<128x128xf32, #tpu.memory_space<vmem_shared>>) target_semaphore(%run_scoped3A : memref<!tpu.dma_semaphore, #tpu.memory_space<semaphore_mem>>)
        %dma_wait3A = arith.constant 0 : i32
        %dma_wait3A_47 = tpu.memref_slice %arg11[%add3A_42, %dma_wait3A] : memref<9728x128xf32, #tpu.memory_space<vmem_shared>> -> memref<128x128xf32, #tpu.memory_space<vmem_shared>>
        tpu.wait_dma2 semaphore(%run_scoped3A : memref<!tpu.dma_semaphore, #tpu.memory_space<semaphore_mem>>) src(%arg5 : memref<128x128xf32, #tpu.memory_space<hbm>>) dst(%dma_wait3A_47 : memref<128x128xf32, #tpu.memory_space<vmem_shared>>)
        tpu.yield
      }) : () -> ()
      %add3A_43 = arith.constant 512 : i32
      %add3A_44 = arith.addi %mul3A_34, %add3A_43 : i32
      "tpu.region"() ({
        %run_scoped3A = tpu.sem_alloc : memref<!tpu.dma_semaphore, #tpu.memory_space<semaphore_mem>>
        %dma_start3A_45 = arith.constant 0 : i32
        %dma_start3A_46 = tpu.memref_slice %arg11[%add3A_44, %dma_start3A_45] : memref<9728x128xf32, #tpu.memory_space<vmem_shared>> -> memref<96x128xf32, #tpu.memory_space<vmem_shared>>
        %dma_start3A_47 = arith.constant 0 : i32
        %dma_start3A_48 = arith.constant 0 : i32
        %dma_start3A_49 = tpu.memref_slice %arg5[%dma_start3A_47, %dma_start3A_48] : memref<128x128xf32, #tpu.memory_space<hbm>> -> memref<96x128xf32, #tpu.memory_space<hbm>>
        tpu.enqueue_dma source(%dma_start3A_49 : memref<96x128xf32, #tpu.memory_space<hbm>>) target(%dma_start3A_46 : memref<96x128xf32, #tpu.memory_space<vmem_shared>>) target_semaphore(%run_scoped3A : memref<!tpu.dma_semaphore, #tpu.memory_space<semaphore_mem>>)
        %dma_wait3A = arith.constant 0 : i32
        %dma_wait3A_50 = tpu.memref_slice %arg11[%add3A_44, %dma_wait3A] : memref<9728x128xf32, #tpu.memory_space<vmem_shared>> -> memref<96x128xf32, #tpu.memory_space<vmem_shared>>
        %dma_wait3A_51 = arith.constant 0 : i32
        %dma_wait3A_52 = arith.constant 0 : i32
        %dma_wait3A_53 = tpu.memref_slice %arg5[%dma_wait3A_51, %dma_wait3A_52] : memref<128x128xf32, #tpu.memory_space<hbm>> -> memref<96x128xf32, #tpu.memory_space<hbm>>
        tpu.wait_dma2 semaphore(%run_scoped3A : memref<!tpu.dma_semaphore, #tpu.memory_space<semaphore_mem>>) src(%dma_wait3A_53 : memref<96x128xf32, #tpu.memory_space<hbm>>) dst(%dma_wait3A_50 : memref<96x128xf32, #tpu.memory_space<vmem_shared>>)
        tpu.yield
      }) : () -> ()
    } else {
    }
    %eq3A = arith.constant 15 : i32
    %eq3A_7 = arith.cmpi eq, %arg1, %eq3A : i32
    %convert_element_type3A_8 = arith.extui %eq3A_7 : i1 to i32
    %cond3A_9 = arith.constant 0 : i32
    %cond3A_10 = arith.cmpi ne, %convert_element_type3A_8, %cond3A_9 : i32
    scf.if %cond3A_10 {
      "tpu.region"() ({
        %run_scoped3A = tpu.sem_alloc : memref<!tpu.dma_semaphore, #tpu.memory_space<semaphore_mem>>
        %dma_start3A_33 = arith.constant 9120 : i32
        %dma_start3A_34 = arith.constant 0 : i32
        %dma_start3A_35 = tpu.memref_slice %arg11[%dma_start3A_33, %dma_start3A_34] : memref<9728x128xf32, #tpu.memory_space<vmem_shared>> -> memref<128x128xf32, #tpu.memory_space<vmem_shared>>
        tpu.enqueue_dma source(%arg5 : memref<128x128xf32, #tpu.memory_space<hbm>>) target(%dma_start3A_35 : memref<128x128xf32, #tpu.memory_space<vmem_shared>>) target_semaphore(%run_scoped3A : memref<!tpu.dma_semaphore, #tpu.memory_space<semaphore_mem>>)
        %dma_wait3A = arith.constant 9120 : i32
        %dma_wait3A_36 = arith.constant 0 : i32
        %dma_wait3A_37 = tpu.memref_slice %arg11[%dma_wait3A, %dma_wait3A_36] : memref<9728x128xf32, #tpu.memory_space<vmem_shared>> -> memref<128x128xf32, #tpu.memory_space<vmem_shared>>
        tpu.wait_dma2 semaphore(%run_scoped3A : memref<!tpu.dma_semaphore, #tpu.memory_space<semaphore_mem>>) src(%arg5 : memref<128x128xf32, #tpu.memory_space<hbm>>) dst(%dma_wait3A_37 : memref<128x128xf32, #tpu.memory_space<vmem_shared>>)
        tpu.yield
      }) : () -> ()
      "tpu.region"() ({
        %run_scoped3A = tpu.sem_alloc : memref<!tpu.dma_semaphore, #tpu.memory_space<semaphore_mem>>
        %dma_start3A_33 = arith.constant 9248 : i32
        %dma_start3A_34 = arith.constant 0 : i32
        %dma_start3A_35 = tpu.memref_slice %arg11[%dma_start3A_33, %dma_start3A_34] : memref<9728x128xf32, #tpu.memory_space<vmem_shared>> -> memref<128x128xf32, #tpu.memory_space<vmem_shared>>
        tpu.enqueue_dma source(%arg5 : memref<128x128xf32, #tpu.memory_space<hbm>>) target(%dma_start3A_35 : memref<128x128xf32, #tpu.memory_space<vmem_shared>>) target_semaphore(%run_scoped3A : memref<!tpu.dma_semaphore, #tpu.memory_space<semaphore_mem>>)
        %dma_wait3A = arith.constant 9248 : i32
        %dma_wait3A_36 = arith.constant 0 : i32
        %dma_wait3A_37 = tpu.memref_slice %arg11[%dma_wait3A, %dma_wait3A_36] : memref<9728x128xf32, #tpu.memory_space<vmem_shared>> -> memref<128x128xf32, #tpu.memory_space<vmem_shared>>
        tpu.wait_dma2 semaphore(%run_scoped3A : memref<!tpu.dma_semaphore, #tpu.memory_space<semaphore_mem>>) src(%arg5 : memref<128x128xf32, #tpu.memory_space<hbm>>) dst(%dma_wait3A_37 : memref<128x128xf32, #tpu.memory_space<vmem_shared>>)
        tpu.yield
      }) : () -> ()
      "tpu.region"() ({
        %run_scoped3A = tpu.sem_alloc : memref<!tpu.dma_semaphore, #tpu.memory_space<semaphore_mem>>
        %dma_start3A_33 = arith.constant 9376 : i32
        %dma_start3A_34 = arith.constant 0 : i32
        %dma_start3A_35 = tpu.memref_slice %arg11[%dma_start3A_33, %dma_start3A_34] : memref<9728x128xf32, #tpu.memory_space<vmem_shared>> -> memref<128x128xf32, #tpu.memory_space<vmem_shared>>
        tpu.enqueue_dma source(%arg5 : memref<128x128xf32, #tpu.memory_space<hbm>>) target(%dma_start3A_35 : memref<128x128xf32, #tpu.memory_space<vmem_shared>>) target_semaphore(%run_scoped3A : memref<!tpu.dma_semaphore, #tpu.memory_space<semaphore_mem>>)
        %dma_wait3A = arith.constant 9376 : i32
        %dma_wait3A_36 = arith.constant 0 : i32
        %dma_wait3A_37 = tpu.memref_slice %arg11[%dma_wait3A, %dma_wait3A_36] : memref<9728x128xf32, #tpu.memory_space<vmem_shared>> -> memref<128x128xf32, #tpu.memory_space<vmem_shared>>
        tpu.wait_dma2 semaphore(%run_scoped3A : memref<!tpu.dma_semaphore, #tpu.memory_space<semaphore_mem>>) src(%arg5 : memref<128x128xf32, #tpu.memory_space<hbm>>) dst(%dma_wait3A_37 : memref<128x128xf32, #tpu.memory_space<vmem_shared>>)
        tpu.yield
      }) : () -> ()
      "tpu.region"() ({
        %run_scoped3A = tpu.sem_alloc : memref<!tpu.dma_semaphore, #tpu.memory_space<semaphore_mem>>
        %dma_start3A_33 = arith.constant 9504 : i32
        %dma_start3A_34 = arith.constant 0 : i32
        %dma_start3A_35 = tpu.memref_slice %arg11[%dma_start3A_33, %dma_start3A_34] : memref<9728x128xf32, #tpu.memory_space<vmem_shared>> -> memref<128x128xf32, #tpu.memory_space<vmem_shared>>
        tpu.enqueue_dma source(%arg5 : memref<128x128xf32, #tpu.memory_space<hbm>>) target(%dma_start3A_35 : memref<128x128xf32, #tpu.memory_space<vmem_shared>>) target_semaphore(%run_scoped3A : memref<!tpu.dma_semaphore, #tpu.memory_space<semaphore_mem>>)
        %dma_wait3A = arith.constant 9504 : i32
        %dma_wait3A_36 = arith.constant 0 : i32
        %dma_wait3A_37 = tpu.memref_slice %arg11[%dma_wait3A, %dma_wait3A_36] : memref<9728x128xf32, #tpu.memory_space<vmem_shared>> -> memref<128x128xf32, #tpu.memory_space<vmem_shared>>
        tpu.wait_dma2 semaphore(%run_scoped3A : memref<!tpu.dma_semaphore, #tpu.memory_space<semaphore_mem>>) src(%arg5 : memref<128x128xf32, #tpu.memory_space<hbm>>) dst(%dma_wait3A_37 : memref<128x128xf32, #tpu.memory_space<vmem_shared>>)
        tpu.yield
      }) : () -> ()
      "tpu.region"() ({
        %run_scoped3A = tpu.sem_alloc : memref<!tpu.dma_semaphore, #tpu.memory_space<semaphore_mem>>
        %dma_start3A_33 = arith.constant 9632 : i32
        %dma_start3A_34 = arith.constant 0 : i32
        %dma_start3A_35 = tpu.memref_slice %arg11[%dma_start3A_33, %dma_start3A_34] : memref<9728x128xf32, #tpu.memory_space<vmem_shared>> -> memref<96x128xf32, #tpu.memory_space<vmem_shared>>
        %dma_start3A_36 = arith.constant 0 : i32
        %dma_start3A_37 = arith.constant 0 : i32
        %dma_start3A_38 = tpu.memref_slice %arg5[%dma_start3A_36, %dma_start3A_37] : memref<128x128xf32, #tpu.memory_space<hbm>> -> memref<96x128xf32, #tpu.memory_space<hbm>>
        tpu.enqueue_dma source(%dma_start3A_38 : memref<96x128xf32, #tpu.memory_space<hbm>>) target(%dma_start3A_35 : memref<96x128xf32, #tpu.memory_space<vmem_shared>>) target_semaphore(%run_scoped3A : memref<!tpu.dma_semaphore, #tpu.memory_space<semaphore_mem>>)
        %dma_wait3A = arith.constant 9632 : i32
        %dma_wait3A_39 = arith.constant 0 : i32
        %dma_wait3A_40 = tpu.memref_slice %arg11[%dma_wait3A, %dma_wait3A_39] : memref<9728x128xf32, #tpu.memory_space<vmem_shared>> -> memref<96x128xf32, #tpu.memory_space<vmem_shared>>
        %dma_wait3A_41 = arith.constant 0 : i32
        %dma_wait3A_42 = arith.constant 0 : i32
        %dma_wait3A_43 = tpu.memref_slice %arg5[%dma_wait3A_41, %dma_wait3A_42] : memref<128x128xf32, #tpu.memory_space<hbm>> -> memref<96x128xf32, #tpu.memory_space<hbm>>
        tpu.wait_dma2 semaphore(%run_scoped3A : memref<!tpu.dma_semaphore, #tpu.memory_space<semaphore_mem>>) src(%dma_wait3A_43 : memref<96x128xf32, #tpu.memory_space<hbm>>) dst(%dma_wait3A_40 : memref<96x128xf32, #tpu.memory_space<vmem_shared>>)
        tpu.yield
      }) : () -> ()
    } else {
    }
    %barrier3A = arith.constant 0 : index
    tpu.barrier barrier_id(%barrier3A)
    %dma_start3A = arith.constant 0 : i32
    %dma_start3A_11 = arith.constant 0 : i32
    %dma_start3A_12 = tpu.memref_slice %arg7[%dma_start3A, %dma_start3A_11] : memref<80x125xi32, #tpu.memory_space<vmem>> -> memref<1x125xi32, #tpu.memory_space<vmem>>
    %dma_start3A_13 = tpu.memref_squeeze %dma_start3A_12 : memref<1x125xi32, #tpu.memory_space<vmem>> -> memref<125xi32, #tpu.memory_space<vmem>>
    %dma_start3A_14 = arith.constant 0 : i32
    %dma_start3A_15 = arith.constant 0 : i32
    %dma_start3A_16 = tpu.memref_slice %arg2[%dma_start3A_14, %dma_start3A_15] : memref<80000x128xf32, #tpu.memory_space<hbm>> -> memref<80000x128xf32, #tpu.memory_space<hbm>>
    tpu.enqueue_indirect_dma source(%dma_start3A_16 : memref<80000x128xf32, #tpu.memory_space<hbm>>) target(%arg9 : memref<125x128xf32, #tpu.memory_space<vmem>>) offsets(%dma_start3A_13 : memref<125xi32, #tpu.memory_space<vmem>>) semaphore(%arg12 : memref<!tpu.dma_semaphore, #tpu.memory_space<semaphore_mem>>)
    %scan3A = arith.constant 0 : i32
    %scan3A_17 = arith.constant 0 : i32
    %scan3A_18 = arith.constant 40 : i32
    %scan3A_19 = arith.addi %scan3A_17, %scan3A_18 : i32
    %scan3A_20 = arith.constant 1 : i32
    scf.for %scan3A_33 = %scan3A_17 to %scan3A_19 step %scan3A_20  : i32 {
      %mul3A_34 = arith.constant 2 : i32
      %mul3A_35 = arith.muli %mul3A_34, %scan3A_33 : i32
      %dma_wait3A = arith.constant 0 : i32
      %dma_wait3A_36 = tpu.memref_slice %arg7[%mul3A_35, %dma_wait3A] : memref<80x125xi32, #tpu.memory_space<vmem>> -> memref<1x125xi32, #tpu.memory_space<vmem>>
      %dma_wait3A_37 = tpu.memref_squeeze %dma_wait3A_36 : memref<1x125xi32, #tpu.memory_space<vmem>> -> memref<125xi32, #tpu.memory_space<vmem>>
      %dma_wait3A_38 = arith.constant 0 : i32
      %dma_wait3A_39 = arith.constant 0 : i32
      %dma_wait3A_40 = tpu.memref_slice %arg2[%dma_wait3A_38, %dma_wait3A_39] : memref<80000x128xf32, #tpu.memory_space<hbm>> -> memref<80000x128xf32, #tpu.memory_space<hbm>>
      tpu.wait_indirect_dma semaphore(%arg12 : memref<!tpu.dma_semaphore, #tpu.memory_space<semaphore_mem>>) src(%dma_wait3A_40 : memref<80000x128xf32, #tpu.memory_space<hbm>>) dst(%arg9 : memref<125x128xf32, #tpu.memory_space<vmem>>)
      %add3A_41 = arith.constant 1 : i32
      %add3A_42 = arith.addi %mul3A_35, %add3A_41 : i32
      %dma_start3A_43 = arith.constant 0 : i32
      %dma_start3A_44 = tpu.memref_slice %arg7[%add3A_42, %dma_start3A_43] : memref<80x125xi32, #tpu.memory_space<vmem>> -> memref<1x125xi32, #tpu.memory_space<vmem>>
      %dma_start3A_45 = tpu.memref_squeeze %dma_start3A_44 : memref<1x125xi32, #tpu.memory_space<vmem>> -> memref<125xi32, #tpu.memory_space<vmem>>
      %dma_start3A_46 = arith.constant 0 : i32
      %dma_start3A_47 = arith.constant 0 : i32
      %dma_start3A_48 = tpu.memref_slice %arg2[%dma_start3A_46, %dma_start3A_47] : memref<80000x128xf32, #tpu.memory_space<hbm>> -> memref<80000x128xf32, #tpu.memory_space<hbm>>
      tpu.enqueue_indirect_dma source(%dma_start3A_48 : memref<80000x128xf32, #tpu.memory_space<hbm>>) target(%arg10 : memref<125x128xf32, #tpu.memory_space<vmem>>) offsets(%dma_start3A_45 : memref<125xi32, #tpu.memory_space<vmem>>) semaphore(%arg13 : memref<!tpu.dma_semaphore, #tpu.memory_space<semaphore_mem>>)
      "tpu.region"() ({
        %run_scoped3A = tpu.sem_alloc : memref<!tpu.dma_semaphore, #tpu.memory_space<semaphore_mem>>
        %dma_start3A_66 = arith.constant 0 : i32
        %dma_start3A_67 = tpu.memref_slice %arg8[%mul3A_35, %dma_start3A_66] : memref<80x125xi32, #tpu.memory_space<vmem>> -> memref<1x125xi32, #tpu.memory_space<vmem>>
        %dma_start3A_68 = tpu.memref_squeeze %dma_start3A_67 : memref<1x125xi32, #tpu.memory_space<vmem>> -> memref<125xi32, #tpu.memory_space<vmem>>
        %dma_start3A_69 = arith.constant 0 : i32
        %dma_start3A_70 = arith.constant 0 : i32
        %dma_start3A_71 = tpu.memref_slice %arg11[%dma_start3A_69, %dma_start3A_70] : memref<9728x128xf32, #tpu.memory_space<vmem_shared>> -> memref<9728x128xf32, #tpu.memory_space<vmem_shared>>
        tpu.enqueue_indirect_dma source(%arg9 : memref<125x128xf32, #tpu.memory_space<vmem>>) target(%dma_start3A_71 : memref<9728x128xf32, #tpu.memory_space<vmem_shared>>) offsets(%dma_start3A_68 : memref<125xi32, #tpu.memory_space<vmem>>) semaphore(%run_scoped3A : memref<!tpu.dma_semaphore, #tpu.memory_space<semaphore_mem>>) {add = true}
        %dma_wait3A_72 = arith.constant 0 : i32
        %dma_wait3A_73 = tpu.memref_slice %arg8[%mul3A_35, %dma_wait3A_72] : memref<80x125xi32, #tpu.memory_space<vmem>> -> memref<1x125xi32, #tpu.memory_space<vmem>>
        %dma_wait3A_74 = tpu.memref_squeeze %dma_wait3A_73 : memref<1x125xi32, #tpu.memory_space<vmem>> -> memref<125xi32, #tpu.memory_space<vmem>>
        %dma_wait3A_75 = arith.constant 0 : i32
        %dma_wait3A_76 = arith.constant 0 : i32
        %dma_wait3A_77 = tpu.memref_slice %arg11[%dma_wait3A_75, %dma_wait3A_76] : memref<9728x128xf32, #tpu.memory_space<vmem_shared>> -> memref<9728x128xf32, #tpu.memory_space<vmem_shared>>
        tpu.wait_indirect_dma semaphore(%run_scoped3A : memref<!tpu.dma_semaphore, #tpu.memory_space<semaphore_mem>>) src(%arg9 : memref<125x128xf32, #tpu.memory_space<vmem>>) dst(%dma_wait3A_77 : memref<9728x128xf32, #tpu.memory_space<vmem_shared>>)
        tpu.yield
      }) : () -> ()
      %add3A_49 = arith.constant 1 : i32
      %add3A_50 = arith.addi %mul3A_35, %add3A_49 : i32
      %dma_wait3A_51 = arith.constant 0 : i32
      %dma_wait3A_52 = tpu.memref_slice %arg7[%add3A_50, %dma_wait3A_51] : memref<80x125xi32, #tpu.memory_space<vmem>> -> memref<1x125xi32, #tpu.memory_space<vmem>>
      %dma_wait3A_53 = tpu.memref_squeeze %dma_wait3A_52 : memref<1x125xi32, #tpu.memory_space<vmem>> -> memref<125xi32, #tpu.memory_space<vmem>>
      %dma_wait3A_54 = arith.constant 0 : i32
      %dma_wait3A_55 = arith.constant 0 : i32
      %dma_wait3A_56 = tpu.memref_slice %arg2[%dma_wait3A_54, %dma_wait3A_55] : memref<80000x128xf32, #tpu.memory_space<hbm>> -> memref<80000x128xf32, #tpu.memory_space<hbm>>
      tpu.wait_indirect_dma semaphore(%arg13 : memref<!tpu.dma_semaphore, #tpu.memory_space<semaphore_mem>>) src(%dma_wait3A_56 : memref<80000x128xf32, #tpu.memory_space<hbm>>) dst(%arg10 : memref<125x128xf32, #tpu.memory_space<vmem>>)
      %add3A_57 = arith.constant 2 : i32
      %add3A_58 = arith.addi %mul3A_35, %add3A_57 : i32
      %lt3A_59 = arith.constant 80 : i32
      %lt3A_60 = arith.cmpi slt, %add3A_58, %lt3A_59 : i32
      %convert_element_type3A_61 = arith.extui %lt3A_60 : i1 to i32
      %cond3A_62 = arith.constant 0 : i32
      %cond3A_63 = arith.cmpi ne, %convert_element_type3A_61, %cond3A_62 : i32
      scf.if %cond3A_63 {
        %add3A_66 = arith.constant 2 : i32
        %add3A_67 = arith.addi %mul3A_35, %add3A_66 : i32
        %dma_start3A_68 = arith.constant 0 : i32
        %dma_start3A_69 = tpu.memref_slice %arg7[%add3A_67, %dma_start3A_68] : memref<80x125xi32, #tpu.memory_space<vmem>> -> memref<1x125xi32, #tpu.memory_space<vmem>>
        %dma_start3A_70 = tpu.memref_squeeze %dma_start3A_69 : memref<1x125xi32, #tpu.memory_space<vmem>> -> memref<125xi32, #tpu.memory_space<vmem>>
        %dma_start3A_71 = arith.constant 0 : i32
        %dma_start3A_72 = arith.constant 0 : i32
        %dma_start3A_73 = tpu.memref_slice %arg2[%dma_start3A_71, %dma_start3A_72] : memref<80000x128xf32, #tpu.memory_space<hbm>> -> memref<80000x128xf32, #tpu.memory_space<hbm>>
        tpu.enqueue_indirect_dma source(%dma_start3A_73 : memref<80000x128xf32, #tpu.memory_space<hbm>>) target(%arg9 : memref<125x128xf32, #tpu.memory_space<vmem>>) offsets(%dma_start3A_70 : memref<125xi32, #tpu.memory_space<vmem>>) semaphore(%arg12 : memref<!tpu.dma_semaphore, #tpu.memory_space<semaphore_mem>>)
      } else {
      }
      %add3A_64 = arith.constant 1 : i32
      %add3A_65 = arith.addi %mul3A_35, %add3A_64 : i32
      "tpu.region"() ({
        %run_scoped3A = tpu.sem_alloc : memref<!tpu.dma_semaphore, #tpu.memory_space<semaphore_mem>>
        %dma_start3A_66 = arith.constant 0 : i32
        %dma_start3A_67 = tpu.memref_slice %arg8[%add3A_65, %dma_start3A_66] : memref<80x125xi32, #tpu.memory_space<vmem>> -> memref<1x125xi32, #tpu.memory_space<vmem>>
        %dma_start3A_68 = tpu.memref_squeeze %dma_start3A_67 : memref<1x125xi32, #tpu.memory_space<vmem>> -> memref<125xi32, #tpu.memory_space<vmem>>
        %dma_start3A_69 = arith.constant 0 : i32
        %dma_start3A_70 = arith.constant 0 : i32
        %dma_start3A_71 = tpu.memref_slice %arg11[%dma_start3A_69, %dma_start3A_70] : memref<9728x128xf32, #tpu.memory_space<vmem_shared>> -> memref<9728x128xf32, #tpu.memory_space<vmem_shared>>
        tpu.enqueue_indirect_dma source(%arg10 : memref<125x128xf32, #tpu.memory_space<vmem>>) target(%dma_start3A_71 : memref<9728x128xf32, #tpu.memory_space<vmem_shared>>) offsets(%dma_start3A_68 : memref<125xi32, #tpu.memory_space<vmem>>) semaphore(%run_scoped3A : memref<!tpu.dma_semaphore, #tpu.memory_space<semaphore_mem>>) {add = true}
        %dma_wait3A_72 = arith.constant 0 : i32
        %dma_wait3A_73 = tpu.memref_slice %arg8[%add3A_65, %dma_wait3A_72] : memref<80x125xi32, #tpu.memory_space<vmem>> -> memref<1x125xi32, #tpu.memory_space<vmem>>
        %dma_wait3A_74 = tpu.memref_squeeze %dma_wait3A_73 : memref<1x125xi32, #tpu.memory_space<vmem>> -> memref<125xi32, #tpu.memory_space<vmem>>
        %dma_wait3A_75 = arith.constant 0 : i32
        %dma_wait3A_76 = arith.constant 0 : i32
        %dma_wait3A_77 = tpu.memref_slice %arg11[%dma_wait3A_75, %dma_wait3A_76] : memref<9728x128xf32, #tpu.memory_space<vmem_shared>> -> memref<9728x128xf32, #tpu.memory_space<vmem_shared>>
        tpu.wait_indirect_dma semaphore(%run_scoped3A : memref<!tpu.dma_semaphore, #tpu.memory_space<semaphore_mem>>) src(%arg10 : memref<125x128xf32, #tpu.memory_space<vmem>>) dst(%dma_wait3A_77 : memref<9728x128xf32, #tpu.memory_space<vmem_shared>>)
        tpu.yield
      }) : () -> ()
    }
    %scan3A_21 = arith.constant 40 : i32
    %barrier3A_22 = arith.constant 0 : index
    tpu.barrier barrier_id(%barrier3A_22)
    %lt3A_23 = arith.constant 15 : i32
    %lt3A_24 = arith.cmpi slt, %arg1, %lt3A_23 : i32
    %convert_element_type3A_25 = arith.extui %lt3A_24 : i1 to i32
    %cond3A_26 = arith.constant 0 : i32
    %cond3A_27 = arith.cmpi ne, %convert_element_type3A_25, %cond3A_26 : i32
    scf.if %cond3A_27 {
      %mul3A_33 = arith.constant 608 : i32
      %mul3A_34 = arith.muli %arg1, %mul3A_33 : i32
      %mul3A_35 = arith.constant 608 : i32
      %mul3A_36 = arith.muli %arg1, %mul3A_35 : i32
      "tpu.region"() ({
        %run_scoped3A = tpu.sem_alloc : memref<!tpu.dma_semaphore, #tpu.memory_space<semaphore_mem>>
        %dma_start3A_37 = arith.constant 0 : i32
        %dma_start3A_38 = arith.constant 0 : i32
        %dma_start3A_39 = tpu.memref_slice %arg6[%arg0, %dma_start3A_37, %dma_start3A_38] : memref<2x9728x128xf32, #tpu.memory_space<hbm>> -> memref<1x9728x128xf32, #tpu.memory_space<hbm>>
        %dma_start3A_40 = tpu.memref_squeeze %dma_start3A_39 : memref<1x9728x128xf32, #tpu.memory_space<hbm>> -> memref<9728x128xf32, #tpu.memory_space<hbm>>
        %dma_start3A_41 = arith.constant 0 : i32
        %dma_start3A_42 = tpu.memref_slice %dma_start3A_40[%mul3A_36, %dma_start3A_41] : memref<9728x128xf32, #tpu.memory_space<hbm>> -> memref<608x128xf32, #tpu.memory_space<hbm>>
        %dma_start3A_43 = arith.constant 0 : i32
        %dma_start3A_44 = tpu.memref_slice %arg11[%mul3A_34, %dma_start3A_43] : memref<9728x128xf32, #tpu.memory_space<vmem_shared>> -> memref<608x128xf32, #tpu.memory_space<vmem_shared>>
        tpu.enqueue_dma source(%dma_start3A_44 : memref<608x128xf32, #tpu.memory_space<vmem_shared>>) target(%dma_start3A_42 : memref<608x128xf32, #tpu.memory_space<hbm>>) target_semaphore(%run_scoped3A : memref<!tpu.dma_semaphore, #tpu.memory_space<semaphore_mem>>)
        %dma_wait3A = arith.constant 0 : i32
        %dma_wait3A_45 = arith.constant 0 : i32
        %dma_wait3A_46 = tpu.memref_slice %arg6[%arg0, %dma_wait3A, %dma_wait3A_45] : memref<2x9728x128xf32, #tpu.memory_space<hbm>> -> memref<1x9728x128xf32, #tpu.memory_space<hbm>>
        %dma_wait3A_47 = tpu.memref_squeeze %dma_wait3A_46 : memref<1x9728x128xf32, #tpu.memory_space<hbm>> -> memref<9728x128xf32, #tpu.memory_space<hbm>>
        %dma_wait3A_48 = arith.constant 0 : i32
        %dma_wait3A_49 = tpu.memref_slice %dma_wait3A_47[%mul3A_36, %dma_wait3A_48] : memref<9728x128xf32, #tpu.memory_space<hbm>> -> memref<608x128xf32, #tpu.memory_space<hbm>>
        %dma_wait3A_50 = arith.constant 0 : i32
        %dma_wait3A_51 = tpu.memref_slice %arg11[%mul3A_34, %dma_wait3A_50] : memref<9728x128xf32, #tpu.memory_space<vmem_shared>> -> memref<608x128xf32, #tpu.memory_space<vmem_shared>>
        tpu.wait_dma2 semaphore(%run_scoped3A : memref<!tpu.dma_semaphore, #tpu.memory_space<semaphore_mem>>) src(%dma_wait3A_51 : memref<608x128xf32, #tpu.memory_space<vmem_shared>>) dst(%dma_wait3A_49 : memref<608x128xf32, #tpu.memory_space<hbm>>)
        tpu.yield
      }) : () -> ()
    } else {
    }
    %eq3A_28 = arith.constant 15 : i32
    %eq3A_29 = arith.cmpi eq, %arg1, %eq3A_28 : i32
    %convert_element_type3A_30 = arith.extui %eq3A_29 : i1 to i32
    %cond3A_31 = arith.constant 0 : i32
    %cond3A_32 = arith.cmpi ne, %convert_element_type3A_30, %cond3A_31 : i32
    scf.if %cond3A_32 {
      "tpu.region"() ({
        %run_scoped3A = tpu.sem_alloc : memref<!tpu.dma_semaphore, #tpu.memory_space<semaphore_mem>>
        %dma_start3A_33 = arith.constant 0 : i32
        %dma_start3A_34 = arith.constant 0 : i32
        %dma_start3A_35 = tpu.memref_slice %arg6[%arg0, %dma_start3A_33, %dma_start3A_34] : memref<2x9728x128xf32, #tpu.memory_space<hbm>> -> memref<1x9728x128xf32, #tpu.memory_space<hbm>>
        %dma_start3A_36 = tpu.memref_squeeze %dma_start3A_35 : memref<1x9728x128xf32, #tpu.memory_space<hbm>> -> memref<9728x128xf32, #tpu.memory_space<hbm>>
        %dma_start3A_37 = arith.constant 9120 : i32
        %dma_start3A_38 = arith.constant 0 : i32
        %dma_start3A_39 = tpu.memref_slice %dma_start3A_36[%dma_start3A_37, %dma_start3A_38] : memref<9728x128xf32, #tpu.memory_space<hbm>> -> memref<608x128xf32, #tpu.memory_space<hbm>>
        %dma_start3A_40 = arith.constant 9120 : i32
        %dma_start3A_41 = arith.constant 0 : i32
        %dma_start3A_42 = tpu.memref_slice %arg11[%dma_start3A_40, %dma_start3A_41] : memref<9728x128xf32, #tpu.memory_space<vmem_shared>> -> memref<608x128xf32, #tpu.memory_space<vmem_shared>>
        tpu.enqueue_dma source(%dma_start3A_42 : memref<608x128xf32, #tpu.memory_space<vmem_shared>>) target(%dma_start3A_39 : memref<608x128xf32, #tpu.memory_space<hbm>>) target_semaphore(%run_scoped3A : memref<!tpu.dma_semaphore, #tpu.memory_space<semaphore_mem>>)
        %dma_wait3A = arith.constant 0 : i32
        %dma_wait3A_43 = arith.constant 0 : i32
        %dma_wait3A_44 = tpu.memref_slice %arg6[%arg0, %dma_wait3A, %dma_wait3A_43] : memref<2x9728x128xf32, #tpu.memory_space<hbm>> -> memref<1x9728x128xf32, #tpu.memory_space<hbm>>
        %dma_wait3A_45 = tpu.memref_squeeze %dma_wait3A_44 : memref<1x9728x128xf32, #tpu.memory_space<hbm>> -> memref<9728x128xf32, #tpu.memory_space<hbm>>
        %dma_wait3A_46 = arith.constant 9120 : i32
        %dma_wait3A_47 = arith.constant 0 : i32
        %dma_wait3A_48 = tpu.memref_slice %dma_wait3A_45[%dma_wait3A_46, %dma_wait3A_47] : memref<9728x128xf32, #tpu.memory_space<hbm>> -> memref<608x128xf32, #tpu.memory_space<hbm>>
        %dma_wait3A_49 = arith.constant 9120 : i32
        %dma_wait3A_50 = arith.constant 0 : i32
        %dma_wait3A_51 = tpu.memref_slice %arg11[%dma_wait3A_49, %dma_wait3A_50] : memref<9728x128xf32, #tpu.memory_space<vmem_shared>> -> memref<608x128xf32, #tpu.memory_space<vmem_shared>>
        tpu.wait_dma2 semaphore(%run_scoped3A : memref<!tpu.dma_semaphore, #tpu.memory_space<semaphore_mem>>) src(%dma_wait3A_51 : memref<608x128xf32, #tpu.memory_space<vmem_shared>>) dst(%dma_wait3A_48 : memref<608x128xf32, #tpu.memory_space<hbm>>)
        tpu.yield
      }) : () -> ()
    } else {
    }
    return
  }
}

#map = affine_map<(d0, d1) -> (0, 0)>
#map1 = affine_map<(d0, d1) -> (0, 0, 0)>
module attributes {stable_mosaic.version = 14 : i64} {
  func.func @_sc_agg(%arg0: i32, %arg1: i32, %arg2: memref<80000x128xf32, #tpu.memory_space<hbm>>, %arg3: memref<2560x125xi32, #tpu.memory_space<hbm>>, %arg4: memref<2560x125xi32, #tpu.memory_space<hbm>>, %arg5: memref<128x128xf32, #tpu.memory_space<hbm>>, %arg6: memref<2x9728x128xf32, #tpu.memory_space<hbm>>, %arg7: memref<80x125xi32, #tpu.memory_space<vmem>>, %arg8: memref<80x125xi32, #tpu.memory_space<vmem>>, %arg9: memref<125x128xf32, #tpu.memory_space<vmem>>, %arg10: memref<125x128xf32, #tpu.memory_space<vmem>>, %arg11: memref<9728x128xf32, #tpu.memory_space<vmem_shared>>, %arg12: memref<!tpu.dma_semaphore, #tpu.memory_space<semaphore_mem>>, %arg13: memref<!tpu.dma_semaphore, #tpu.memory_space<semaphore_mem>>) attributes {dimension_semantics = [#tpu.dimension_semantics<core_parallel>, #tpu.dimension_semantics<subcore_parallel>], iteration_bounds = array<i64: 2, 16>, scalar_prefetch = 0 : i64, scratch_operands = 7 : i64, tpu.core_type = #tpu.core_type<sc_vector_subcore>, window_params = [{transform_indices = #map}, {transform_indices = #map}, {transform_indices = #map}, {transform_indices = #map}, {transform_indices = #map1}]} {
    %mul3A = arith.constant 16 : i32
    %mul3A_0 = arith.muli %arg0, %mul3A : i32
    %add3A = arith.addi %mul3A_0, %arg1 : i32
    %mul3A_1 = arith.constant 80 : i32
    %mul3A_2 = arith.muli %add3A, %mul3A_1 : i32
    "tpu.region"() ({
      %run_scoped3A = tpu.sem_alloc : memref<!tpu.dma_semaphore, #tpu.memory_space<semaphore_mem>>
      %dma_start3A_33 = arith.constant 0 : i32
      %dma_start3A_34 = tpu.memref_slice %arg3[%mul3A_2, %dma_start3A_33] : memref<2560x125xi32, #tpu.memory_space<hbm>> -> memref<80x125xi32, #tpu.memory_space<hbm>>
      %dma_start3A_35 = arith.constant 0 : i32
      %dma_start3A_36 = tpu.memref_slice %arg3[%mul3A_2, %dma_start3A_35] : memref<2560x125xi32, #tpu.memory_space<hbm>> -> memref<80x125xi32, #tpu.memory_space<hbm>>
      tpu.enqueue_dma source(%dma_start3A_36 : memref<80x125xi32, #tpu.memory_space<hbm>>) target(%arg7 : memref<80x125xi32, #tpu.memory_space<vmem>>) target_semaphore(%run_scoped3A : memref<!tpu.dma_semaphore, #tpu.memory_space<semaphore_mem>>)
      %dma_wait3A = arith.constant 0 : i32
      %dma_wait3A_37 = tpu.memref_slice %arg3[%mul3A_2, %dma_wait3A] : memref<2560x125xi32, #tpu.memory_space<hbm>> -> memref<80x125xi32, #tpu.memory_space<hbm>>
      %dma_wait3A_38 = arith.constant 0 : i32
      %dma_wait3A_39 = tpu.memref_slice %arg3[%mul3A_2, %dma_wait3A_38] : memref<2560x125xi32, #tpu.memory_space<hbm>> -> memref<80x125xi32, #tpu.memory_space<hbm>>
      tpu.wait_dma2 semaphore(%run_scoped3A : memref<!tpu.dma_semaphore, #tpu.memory_space<semaphore_mem>>) src(%dma_wait3A_39 : memref<80x125xi32, #tpu.memory_space<hbm>>) dst(%arg7 : memref<80x125xi32, #tpu.memory_space<vmem>>)
      tpu.yield
    }) : () -> ()
    %mul3A_3 = arith.constant 80 : i32
    %mul3A_4 = arith.muli %add3A, %mul3A_3 : i32
    "tpu.region"() ({
      %run_scoped3A = tpu.sem_alloc : memref<!tpu.dma_semaphore, #tpu.memory_space<semaphore_mem>>
      %dma_start3A_33 = arith.constant 0 : i32
      %dma_start3A_34 = tpu.memref_slice %arg4[%mul3A_4, %dma_start3A_33] : memref<2560x125xi32, #tpu.memory_space<hbm>> -> memref<80x125xi32, #tpu.memory_space<hbm>>
      %dma_start3A_35 = arith.constant 0 : i32
      %dma_start3A_36 = tpu.memref_slice %arg4[%mul3A_4, %dma_start3A_35] : memref<2560x125xi32, #tpu.memory_space<hbm>> -> memref<80x125xi32, #tpu.memory_space<hbm>>
      tpu.enqueue_dma source(%dma_start3A_36 : memref<80x125xi32, #tpu.memory_space<hbm>>) target(%arg8 : memref<80x125xi32, #tpu.memory_space<vmem>>) target_semaphore(%run_scoped3A : memref<!tpu.dma_semaphore, #tpu.memory_space<semaphore_mem>>)
      %dma_wait3A = arith.constant 0 : i32
      %dma_wait3A_37 = tpu.memref_slice %arg4[%mul3A_4, %dma_wait3A] : memref<2560x125xi32, #tpu.memory_space<hbm>> -> memref<80x125xi32, #tpu.memory_space<hbm>>
      %dma_wait3A_38 = arith.constant 0 : i32
      %dma_wait3A_39 = tpu.memref_slice %arg4[%mul3A_4, %dma_wait3A_38] : memref<2560x125xi32, #tpu.memory_space<hbm>> -> memref<80x125xi32, #tpu.memory_space<hbm>>
      tpu.wait_dma2 semaphore(%run_scoped3A : memref<!tpu.dma_semaphore, #tpu.memory_space<semaphore_mem>>) src(%dma_wait3A_39 : memref<80x125xi32, #tpu.memory_space<hbm>>) dst(%arg8 : memref<80x125xi32, #tpu.memory_space<vmem>>)
      tpu.yield
    }) : () -> ()
    %lt3A = arith.constant 15 : i32
    %lt3A_5 = arith.cmpi slt, %arg1, %lt3A : i32
    %convert_element_type3A = arith.extui %lt3A_5 : i1 to i32
    %cond3A = arith.constant 0 : i32
    %cond3A_6 = arith.cmpi ne, %convert_element_type3A, %cond3A : i32
    scf.if %cond3A_6 {
      %mul3A_33 = arith.constant 608 : i32
      %mul3A_34 = arith.muli %arg1, %mul3A_33 : i32
      %add3A_35 = arith.constant 0 : i32
      %add3A_36 = arith.addi %mul3A_34, %add3A_35 : i32
      "tpu.region"() ({
        %run_scoped3A = tpu.sem_alloc : memref<!tpu.dma_semaphore, #tpu.memory_space<semaphore_mem>>
        %dma_start3A_45 = arith.constant 0 : i32
        %dma_start3A_46 = tpu.memref_slice %arg11[%add3A_36, %dma_start3A_45] : memref<9728x128xf32, #tpu.memory_space<vmem_shared>> -> memref<128x128xf32, #tpu.memory_space<vmem_shared>>
        tpu.enqueue_dma source(%arg5 : memref<128x128xf32, #tpu.memory_space<hbm>>) target(%dma_start3A_46 : memref<128x128xf32, #tpu.memory_space<vmem_shared>>) target_semaphore(%run_scoped3A : memref<!tpu.dma_semaphore, #tpu.memory_space<semaphore_mem>>)
        %dma_wait3A = arith.constant 0 : i32
        %dma_wait3A_47 = tpu.memref_slice %arg11[%add3A_36, %dma_wait3A] : memref<9728x128xf32, #tpu.memory_space<vmem_shared>> -> memref<128x128xf32, #tpu.memory_space<vmem_shared>>
        tpu.wait_dma2 semaphore(%run_scoped3A : memref<!tpu.dma_semaphore, #tpu.memory_space<semaphore_mem>>) src(%arg5 : memref<128x128xf32, #tpu.memory_space<hbm>>) dst(%dma_wait3A_47 : memref<128x128xf32, #tpu.memory_space<vmem_shared>>)
        tpu.yield
      }) : () -> ()
      %add3A_37 = arith.constant 128 : i32
      %add3A_38 = arith.addi %mul3A_34, %add3A_37 : i32
      "tpu.region"() ({
        %run_scoped3A = tpu.sem_alloc : memref<!tpu.dma_semaphore, #tpu.memory_space<semaphore_mem>>
        %dma_start3A_45 = arith.constant 0 : i32
        %dma_start3A_46 = tpu.memref_slice %arg11[%add3A_38, %dma_start3A_45] : memref<9728x128xf32, #tpu.memory_space<vmem_shared>> -> memref<128x128xf32, #tpu.memory_space<vmem_shared>>
        tpu.enqueue_dma source(%arg5 : memref<128x128xf32, #tpu.memory_space<hbm>>) target(%dma_start3A_46 : memref<128x128xf32, #tpu.memory_space<vmem_shared>>) target_semaphore(%run_scoped3A : memref<!tpu.dma_semaphore, #tpu.memory_space<semaphore_mem>>)
        %dma_wait3A = arith.constant 0 : i32
        %dma_wait3A_47 = tpu.memref_slice %arg11[%add3A_38, %dma_wait3A] : memref<9728x128xf32, #tpu.memory_space<vmem_shared>> -> memref<128x128xf32, #tpu.memory_space<vmem_shared>>
        tpu.wait_dma2 semaphore(%run_scoped3A : memref<!tpu.dma_semaphore, #tpu.memory_space<semaphore_mem>>) src(%arg5 : memref<128x128xf32, #tpu.memory_space<hbm>>) dst(%dma_wait3A_47 : memref<128x128xf32, #tpu.memory_space<vmem_shared>>)
        tpu.yield
      }) : () -> ()
      %add3A_39 = arith.constant 256 : i32
      %add3A_40 = arith.addi %mul3A_34, %add3A_39 : i32
      "tpu.region"() ({
        %run_scoped3A = tpu.sem_alloc : memref<!tpu.dma_semaphore, #tpu.memory_space<semaphore_mem>>
        %dma_start3A_45 = arith.constant 0 : i32
        %dma_start3A_46 = tpu.memref_slice %arg11[%add3A_40, %dma_start3A_45] : memref<9728x128xf32, #tpu.memory_space<vmem_shared>> -> memref<128x128xf32, #tpu.memory_space<vmem_shared>>
        tpu.enqueue_dma source(%arg5 : memref<128x128xf32, #tpu.memory_space<hbm>>) target(%dma_start3A_46 : memref<128x128xf32, #tpu.memory_space<vmem_shared>>) target_semaphore(%run_scoped3A : memref<!tpu.dma_semaphore, #tpu.memory_space<semaphore_mem>>)
        %dma_wait3A = arith.constant 0 : i32
        %dma_wait3A_47 = tpu.memref_slice %arg11[%add3A_40, %dma_wait3A] : memref<9728x128xf32, #tpu.memory_space<vmem_shared>> -> memref<128x128xf32, #tpu.memory_space<vmem_shared>>
        tpu.wait_dma2 semaphore(%run_scoped3A : memref<!tpu.dma_semaphore, #tpu.memory_space<semaphore_mem>>) src(%arg5 : memref<128x128xf32, #tpu.memory_space<hbm>>) dst(%dma_wait3A_47 : memref<128x128xf32, #tpu.memory_space<vmem_shared>>)
        tpu.yield
      }) : () -> ()
      %add3A_41 = arith.constant 384 : i32
      %add3A_42 = arith.addi %mul3A_34, %add3A_41 : i32
      "tpu.region"() ({
        %run_scoped3A = tpu.sem_alloc : memref<!tpu.dma_semaphore, #tpu.memory_space<semaphore_mem>>
        %dma_start3A_45 = arith.constant 0 : i32
        %dma_start3A_46 = tpu.memref_slice %arg11[%add3A_42, %dma_start3A_45] : memref<9728x128xf32, #tpu.memory_space<vmem_shared>> -> memref<128x128xf32, #tpu.memory_space<vmem_shared>>
        tpu.enqueue_dma source(%arg5 : memref<128x128xf32, #tpu.memory_space<hbm>>) target(%dma_start3A_46 : memref<128x128xf32, #tpu.memory_space<vmem_shared>>) target_semaphore(%run_scoped3A : memref<!tpu.dma_semaphore, #tpu.memory_space<semaphore_mem>>)
        %dma_wait3A = arith.constant 0 : i32
        %dma_wait3A_47 = tpu.memref_slice %arg11[%add3A_42, %dma_wait3A] : memref<9728x128xf32, #tpu.memory_space<vmem_shared>> -> memref<128x128xf32, #tpu.memory_space<vmem_shared>>
        tpu.wait_dma2 semaphore(%run_scoped3A : memref<!tpu.dma_semaphore, #tpu.memory_space<semaphore_mem>>) src(%arg5 : memref<128x128xf32, #tpu.memory_space<hbm>>) dst(%dma_wait3A_47 : memref<128x128xf32, #tpu.memory_space<vmem_shared>>)
        tpu.yield
      }) : () -> ()
      %add3A_43 = arith.constant 512 : i32
      %add3A_44 = arith.addi %mul3A_34, %add3A_43 : i32
      "tpu.region"() ({
        %run_scoped3A = tpu.sem_alloc : memref<!tpu.dma_semaphore, #tpu.memory_space<semaphore_mem>>
        %dma_start3A_45 = arith.constant 0 : i32
        %dma_start3A_46 = tpu.memref_slice %arg11[%add3A_44, %dma_start3A_45] : memref<9728x128xf32, #tpu.memory_space<vmem_shared>> -> memref<96x128xf32, #tpu.memory_space<vmem_shared>>
        %dma_start3A_47 = arith.constant 0 : i32
        %dma_start3A_48 = arith.constant 0 : i32
        %dma_start3A_49 = tpu.memref_slice %arg5[%dma_start3A_47, %dma_start3A_48] : memref<128x128xf32, #tpu.memory_space<hbm>> -> memref<96x128xf32, #tpu.memory_space<hbm>>
        tpu.enqueue_dma source(%dma_start3A_49 : memref<96x128xf32, #tpu.memory_space<hbm>>) target(%dma_start3A_46 : memref<96x128xf32, #tpu.memory_space<vmem_shared>>) target_semaphore(%run_scoped3A : memref<!tpu.dma_semaphore, #tpu.memory_space<semaphore_mem>>)
        %dma_wait3A = arith.constant 0 : i32
        %dma_wait3A_50 = tpu.memref_slice %arg11[%add3A_44, %dma_wait3A] : memref<9728x128xf32, #tpu.memory_space<vmem_shared>> -> memref<96x128xf32, #tpu.memory_space<vmem_shared>>
        %dma_wait3A_51 = arith.constant 0 : i32
        %dma_wait3A_52 = arith.constant 0 : i32
        %dma_wait3A_53 = tpu.memref_slice %arg5[%dma_wait3A_51, %dma_wait3A_52] : memref<128x128xf32, #tpu.memory_space<hbm>> -> memref<96x128xf32, #tpu.memory_space<hbm>>
        tpu.wait_dma2 semaphore(%run_scoped3A : memref<!tpu.dma_semaphore, #tpu.memory_space<semaphore_mem>>) src(%dma_wait3A_53 : memref<96x128xf32, #tpu.memory_space<hbm>>) dst(%dma_wait3A_50 : memref<96x128xf32, #tpu.memory_space<vmem_shared>>)
        tpu.yield
      }) : () -> ()
    } else {
    }
    %eq3A = arith.constant 15 : i32
    %eq3A_7 = arith.cmpi eq, %arg1, %eq3A : i32
    %convert_element_type3A_8 = arith.extui %eq3A_7 : i1 to i32
    %cond3A_9 = arith.constant 0 : i32
    %cond3A_10 = arith.cmpi ne, %convert_element_type3A_8, %cond3A_9 : i32
    scf.if %cond3A_10 {
      "tpu.region"() ({
        %run_scoped3A = tpu.sem_alloc : memref<!tpu.dma_semaphore, #tpu.memory_space<semaphore_mem>>
        %dma_start3A_33 = arith.constant 9120 : i32
        %dma_start3A_34 = arith.constant 0 : i32
        %dma_start3A_35 = tpu.memref_slice %arg11[%dma_start3A_33, %dma_start3A_34] : memref<9728x128xf32, #tpu.memory_space<vmem_shared>> -> memref<128x128xf32, #tpu.memory_space<vmem_shared>>
        tpu.enqueue_dma source(%arg5 : memref<128x128xf32, #tpu.memory_space<hbm>>) target(%dma_start3A_35 : memref<128x128xf32, #tpu.memory_space<vmem_shared>>) target_semaphore(%run_scoped3A : memref<!tpu.dma_semaphore, #tpu.memory_space<semaphore_mem>>)
        %dma_wait3A = arith.constant 9120 : i32
        %dma_wait3A_36 = arith.constant 0 : i32
        %dma_wait3A_37 = tpu.memref_slice %arg11[%dma_wait3A, %dma_wait3A_36] : memref<9728x128xf32, #tpu.memory_space<vmem_shared>> -> memref<128x128xf32, #tpu.memory_space<vmem_shared>>
        tpu.wait_dma2 semaphore(%run_scoped3A : memref<!tpu.dma_semaphore, #tpu.memory_space<semaphore_mem>>) src(%arg5 : memref<128x128xf32, #tpu.memory_space<hbm>>) dst(%dma_wait3A_37 : memref<128x128xf32, #tpu.memory_space<vmem_shared>>)
        tpu.yield
      }) : () -> ()
      "tpu.region"() ({
        %run_scoped3A = tpu.sem_alloc : memref<!tpu.dma_semaphore, #tpu.memory_space<semaphore_mem>>
        %dma_start3A_33 = arith.constant 9248 : i32
        %dma_start3A_34 = arith.constant 0 : i32
        %dma_start3A_35 = tpu.memref_slice %arg11[%dma_start3A_33, %dma_start3A_34] : memref<9728x128xf32, #tpu.memory_space<vmem_shared>> -> memref<128x128xf32, #tpu.memory_space<vmem_shared>>
        tpu.enqueue_dma source(%arg5 : memref<128x128xf32, #tpu.memory_space<hbm>>) target(%dma_start3A_35 : memref<128x128xf32, #tpu.memory_space<vmem_shared>>) target_semaphore(%run_scoped3A : memref<!tpu.dma_semaphore, #tpu.memory_space<semaphore_mem>>)
        %dma_wait3A = arith.constant 9248 : i32
        %dma_wait3A_36 = arith.constant 0 : i32
        %dma_wait3A_37 = tpu.memref_slice %arg11[%dma_wait3A, %dma_wait3A_36] : memref<9728x128xf32, #tpu.memory_space<vmem_shared>> -> memref<128x128xf32, #tpu.memory_space<vmem_shared>>
        tpu.wait_dma2 semaphore(%run_scoped3A : memref<!tpu.dma_semaphore, #tpu.memory_space<semaphore_mem>>) src(%arg5 : memref<128x128xf32, #tpu.memory_space<hbm>>) dst(%dma_wait3A_37 : memref<128x128xf32, #tpu.memory_space<vmem_shared>>)
        tpu.yield
      }) : () -> ()
      "tpu.region"() ({
        %run_scoped3A = tpu.sem_alloc : memref<!tpu.dma_semaphore, #tpu.memory_space<semaphore_mem>>
        %dma_start3A_33 = arith.constant 9376 : i32
        %dma_start3A_34 = arith.constant 0 : i32
        %dma_start3A_35 = tpu.memref_slice %arg11[%dma_start3A_33, %dma_start3A_34] : memref<9728x128xf32, #tpu.memory_space<vmem_shared>> -> memref<128x128xf32, #tpu.memory_space<vmem_shared>>
        tpu.enqueue_dma source(%arg5 : memref<128x128xf32, #tpu.memory_space<hbm>>) target(%dma_start3A_35 : memref<128x128xf32, #tpu.memory_space<vmem_shared>>) target_semaphore(%run_scoped3A : memref<!tpu.dma_semaphore, #tpu.memory_space<semaphore_mem>>)
        %dma_wait3A = arith.constant 9376 : i32
        %dma_wait3A_36 = arith.constant 0 : i32
        %dma_wait3A_37 = tpu.memref_slice %arg11[%dma_wait3A, %dma_wait3A_36] : memref<9728x128xf32, #tpu.memory_space<vmem_shared>> -> memref<128x128xf32, #tpu.memory_space<vmem_shared>>
        tpu.wait_dma2 semaphore(%run_scoped3A : memref<!tpu.dma_semaphore, #tpu.memory_space<semaphore_mem>>) src(%arg5 : memref<128x128xf32, #tpu.memory_space<hbm>>) dst(%dma_wait3A_37 : memref<128x128xf32, #tpu.memory_space<vmem_shared>>)
        tpu.yield
      }) : () -> ()
      "tpu.region"() ({
        %run_scoped3A = tpu.sem_alloc : memref<!tpu.dma_semaphore, #tpu.memory_space<semaphore_mem>>
        %dma_start3A_33 = arith.constant 9504 : i32
        %dma_start3A_34 = arith.constant 0 : i32
        %dma_start3A_35 = tpu.memref_slice %arg11[%dma_start3A_33, %dma_start3A_34] : memref<9728x128xf32, #tpu.memory_space<vmem_shared>> -> memref<128x128xf32, #tpu.memory_space<vmem_shared>>
        tpu.enqueue_dma source(%arg5 : memref<128x128xf32, #tpu.memory_space<hbm>>) target(%dma_start3A_35 : memref<128x128xf32, #tpu.memory_space<vmem_shared>>) target_semaphore(%run_scoped3A : memref<!tpu.dma_semaphore, #tpu.memory_space<semaphore_mem>>)
        %dma_wait3A = arith.constant 9504 : i32
        %dma_wait3A_36 = arith.constant 0 : i32
        %dma_wait3A_37 = tpu.memref_slice %arg11[%dma_wait3A, %dma_wait3A_36] : memref<9728x128xf32, #tpu.memory_space<vmem_shared>> -> memref<128x128xf32, #tpu.memory_space<vmem_shared>>
        tpu.wait_dma2 semaphore(%run_scoped3A : memref<!tpu.dma_semaphore, #tpu.memory_space<semaphore_mem>>) src(%arg5 : memref<128x128xf32, #tpu.memory_space<hbm>>) dst(%dma_wait3A_37 : memref<128x128xf32, #tpu.memory_space<vmem_shared>>)
        tpu.yield
      }) : () -> ()
      "tpu.region"() ({
        %run_scoped3A = tpu.sem_alloc : memref<!tpu.dma_semaphore, #tpu.memory_space<semaphore_mem>>
        %dma_start3A_33 = arith.constant 9632 : i32
        %dma_start3A_34 = arith.constant 0 : i32
        %dma_start3A_35 = tpu.memref_slice %arg11[%dma_start3A_33, %dma_start3A_34] : memref<9728x128xf32, #tpu.memory_space<vmem_shared>> -> memref<96x128xf32, #tpu.memory_space<vmem_shared>>
        %dma_start3A_36 = arith.constant 0 : i32
        %dma_start3A_37 = arith.constant 0 : i32
        %dma_start3A_38 = tpu.memref_slice %arg5[%dma_start3A_36, %dma_start3A_37] : memref<128x128xf32, #tpu.memory_space<hbm>> -> memref<96x128xf32, #tpu.memory_space<hbm>>
        tpu.enqueue_dma source(%dma_start3A_38 : memref<96x128xf32, #tpu.memory_space<hbm>>) target(%dma_start3A_35 : memref<96x128xf32, #tpu.memory_space<vmem_shared>>) target_semaphore(%run_scoped3A : memref<!tpu.dma_semaphore, #tpu.memory_space<semaphore_mem>>)
        %dma_wait3A = arith.constant 9632 : i32
        %dma_wait3A_39 = arith.constant 0 : i32
        %dma_wait3A_40 = tpu.memref_slice %arg11[%dma_wait3A, %dma_wait3A_39] : memref<9728x128xf32, #tpu.memory_space<vmem_shared>> -> memref<96x128xf32, #tpu.memory_space<vmem_shared>>
        %dma_wait3A_41 = arith.constant 0 : i32
        %dma_wait3A_42 = arith.constant 0 : i32
        %dma_wait3A_43 = tpu.memref_slice %arg5[%dma_wait3A_41, %dma_wait3A_42] : memref<128x128xf32, #tpu.memory_space<hbm>> -> memref<96x128xf32, #tpu.memory_space<hbm>>
        tpu.wait_dma2 semaphore(%run_scoped3A : memref<!tpu.dma_semaphore, #tpu.memory_space<semaphore_mem>>) src(%dma_wait3A_43 : memref<96x128xf32, #tpu.memory_space<hbm>>) dst(%dma_wait3A_40 : memref<96x128xf32, #tpu.memory_space<vmem_shared>>)
        tpu.yield
      }) : () -> ()
    } else {
    }
    %barrier3A = arith.constant 0 : index
    tpu.barrier barrier_id(%barrier3A)
    %dma_start3A = arith.constant 0 : i32
    %dma_start3A_11 = arith.constant 0 : i32
    %dma_start3A_12 = tpu.memref_slice %arg7[%dma_start3A, %dma_start3A_11] : memref<80x125xi32, #tpu.memory_space<vmem>> -> memref<1x125xi32, #tpu.memory_space<vmem>>
    %dma_start3A_13 = tpu.memref_squeeze %dma_start3A_12 : memref<1x125xi32, #tpu.memory_space<vmem>> -> memref<125xi32, #tpu.memory_space<vmem>>
    %dma_start3A_14 = arith.constant 0 : i32
    %dma_start3A_15 = arith.constant 0 : i32
    %dma_start3A_16 = tpu.memref_slice %arg2[%dma_start3A_14, %dma_start3A_15] : memref<80000x128xf32, #tpu.memory_space<hbm>> -> memref<80000x128xf32, #tpu.memory_space<hbm>>
    tpu.enqueue_indirect_dma source(%dma_start3A_16 : memref<80000x128xf32, #tpu.memory_space<hbm>>) target(%arg9 : memref<125x128xf32, #tpu.memory_space<vmem>>) offsets(%dma_start3A_13 : memref<125xi32, #tpu.memory_space<vmem>>) semaphore(%arg12 : memref<!tpu.dma_semaphore, #tpu.memory_space<semaphore_mem>>)
    %scan3A = arith.constant 0 : i32
    %scan3A_17 = arith.constant 0 : i32
    %scan3A_18 = arith.constant 40 : i32
    %scan3A_19 = arith.addi %scan3A_17, %scan3A_18 : i32
    %scan3A_20 = arith.constant 1 : i32
    scf.for %scan3A_33 = %scan3A_17 to %scan3A_19 step %scan3A_20  : i32 {
      %mul3A_34 = arith.constant 2 : i32
      %mul3A_35 = arith.muli %mul3A_34, %scan3A_33 : i32
      %dma_wait3A = arith.constant 0 : i32
      %dma_wait3A_36 = tpu.memref_slice %arg7[%mul3A_35, %dma_wait3A] : memref<80x125xi32, #tpu.memory_space<vmem>> -> memref<1x125xi32, #tpu.memory_space<vmem>>
      %dma_wait3A_37 = tpu.memref_squeeze %dma_wait3A_36 : memref<1x125xi32, #tpu.memory_space<vmem>> -> memref<125xi32, #tpu.memory_space<vmem>>
      %dma_wait3A_38 = arith.constant 0 : i32
      %dma_wait3A_39 = arith.constant 0 : i32
      %dma_wait3A_40 = tpu.memref_slice %arg2[%dma_wait3A_38, %dma_wait3A_39] : memref<80000x128xf32, #tpu.memory_space<hbm>> -> memref<80000x128xf32, #tpu.memory_space<hbm>>
      tpu.wait_indirect_dma semaphore(%arg12 : memref<!tpu.dma_semaphore, #tpu.memory_space<semaphore_mem>>) src(%dma_wait3A_40 : memref<80000x128xf32, #tpu.memory_space<hbm>>) dst(%arg9 : memref<125x128xf32, #tpu.memory_space<vmem>>)
      %add3A_41 = arith.constant 1 : i32
      %add3A_42 = arith.addi %mul3A_35, %add3A_41 : i32
      %dma_start3A_43 = arith.constant 0 : i32
      %dma_start3A_44 = tpu.memref_slice %arg7[%add3A_42, %dma_start3A_43] : memref<80x125xi32, #tpu.memory_space<vmem>> -> memref<1x125xi32, #tpu.memory_space<vmem>>
      %dma_start3A_45 = tpu.memref_squeeze %dma_start3A_44 : memref<1x125xi32, #tpu.memory_space<vmem>> -> memref<125xi32, #tpu.memory_space<vmem>>
      %dma_start3A_46 = arith.constant 0 : i32
      %dma_start3A_47 = arith.constant 0 : i32
      %dma_start3A_48 = tpu.memref_slice %arg2[%dma_start3A_46, %dma_start3A_47] : memref<80000x128xf32, #tpu.memory_space<hbm>> -> memref<80000x128xf32, #tpu.memory_space<hbm>>
      tpu.enqueue_indirect_dma source(%dma_start3A_48 : memref<80000x128xf32, #tpu.memory_space<hbm>>) target(%arg10 : memref<125x128xf32, #tpu.memory_space<vmem>>) offsets(%dma_start3A_45 : memref<125xi32, #tpu.memory_space<vmem>>) semaphore(%arg13 : memref<!tpu.dma_semaphore, #tpu.memory_space<semaphore_mem>>)
      "tpu.region"() ({
        %run_scoped3A = tpu.sem_alloc : memref<!tpu.dma_semaphore, #tpu.memory_space<semaphore_mem>>
        %dma_start3A_66 = arith.constant 0 : i32
        %dma_start3A_67 = tpu.memref_slice %arg8[%mul3A_35, %dma_start3A_66] : memref<80x125xi32, #tpu.memory_space<vmem>> -> memref<1x125xi32, #tpu.memory_space<vmem>>
        %dma_start3A_68 = tpu.memref_squeeze %dma_start3A_67 : memref<1x125xi32, #tpu.memory_space<vmem>> -> memref<125xi32, #tpu.memory_space<vmem>>
        %dma_start3A_69 = arith.constant 0 : i32
        %dma_start3A_70 = arith.constant 0 : i32
        %dma_start3A_71 = tpu.memref_slice %arg11[%dma_start3A_69, %dma_start3A_70] : memref<9728x128xf32, #tpu.memory_space<vmem_shared>> -> memref<9728x128xf32, #tpu.memory_space<vmem_shared>>
        tpu.enqueue_indirect_dma source(%arg9 : memref<125x128xf32, #tpu.memory_space<vmem>>) target(%dma_start3A_71 : memref<9728x128xf32, #tpu.memory_space<vmem_shared>>) offsets(%dma_start3A_68 : memref<125xi32, #tpu.memory_space<vmem>>) semaphore(%run_scoped3A : memref<!tpu.dma_semaphore, #tpu.memory_space<semaphore_mem>>) {add = true}
        %dma_wait3A_72 = arith.constant 0 : i32
        %dma_wait3A_73 = tpu.memref_slice %arg8[%mul3A_35, %dma_wait3A_72] : memref<80x125xi32, #tpu.memory_space<vmem>> -> memref<1x125xi32, #tpu.memory_space<vmem>>
        %dma_wait3A_74 = tpu.memref_squeeze %dma_wait3A_73 : memref<1x125xi32, #tpu.memory_space<vmem>> -> memref<125xi32, #tpu.memory_space<vmem>>
        %dma_wait3A_75 = arith.constant 0 : i32
        %dma_wait3A_76 = arith.constant 0 : i32
        %dma_wait3A_77 = tpu.memref_slice %arg11[%dma_wait3A_75, %dma_wait3A_76] : memref<9728x128xf32, #tpu.memory_space<vmem_shared>> -> memref<9728x128xf32, #tpu.memory_space<vmem_shared>>
        tpu.wait_indirect_dma semaphore(%run_scoped3A : memref<!tpu.dma_semaphore, #tpu.memory_space<semaphore_mem>>) src(%arg9 : memref<125x128xf32, #tpu.memory_space<vmem>>) dst(%dma_wait3A_77 : memref<9728x128xf32, #tpu.memory_space<vmem_shared>>)
        tpu.yield
      }) : () -> ()
      %add3A_49 = arith.constant 1 : i32
      %add3A_50 = arith.addi %mul3A_35, %add3A_49 : i32
      %dma_wait3A_51 = arith.constant 0 : i32
      %dma_wait3A_52 = tpu.memref_slice %arg7[%add3A_50, %dma_wait3A_51] : memref<80x125xi32, #tpu.memory_space<vmem>> -> memref<1x125xi32, #tpu.memory_space<vmem>>
      %dma_wait3A_53 = tpu.memref_squeeze %dma_wait3A_52 : memref<1x125xi32, #tpu.memory_space<vmem>> -> memref<125xi32, #tpu.memory_space<vmem>>
      %dma_wait3A_54 = arith.constant 0 : i32
      %dma_wait3A_55 = arith.constant 0 : i32
      %dma_wait3A_56 = tpu.memref_slice %arg2[%dma_wait3A_54, %dma_wait3A_55] : memref<80000x128xf32, #tpu.memory_space<hbm>> -> memref<80000x128xf32, #tpu.memory_space<hbm>>
      tpu.wait_indirect_dma semaphore(%arg13 : memref<!tpu.dma_semaphore, #tpu.memory_space<semaphore_mem>>) src(%dma_wait3A_56 : memref<80000x128xf32, #tpu.memory_space<hbm>>) dst(%arg10 : memref<125x128xf32, #tpu.memory_space<vmem>>)
      %add3A_57 = arith.constant 2 : i32
      %add3A_58 = arith.addi %mul3A_35, %add3A_57 : i32
      %lt3A_59 = arith.constant 80 : i32
      %lt3A_60 = arith.cmpi slt, %add3A_58, %lt3A_59 : i32
      %convert_element_type3A_61 = arith.extui %lt3A_60 : i1 to i32
      %cond3A_62 = arith.constant 0 : i32
      %cond3A_63 = arith.cmpi ne, %convert_element_type3A_61, %cond3A_62 : i32
      scf.if %cond3A_63 {
        %add3A_66 = arith.constant 2 : i32
        %add3A_67 = arith.addi %mul3A_35, %add3A_66 : i32
        %dma_start3A_68 = arith.constant 0 : i32
        %dma_start3A_69 = tpu.memref_slice %arg7[%add3A_67, %dma_start3A_68] : memref<80x125xi32, #tpu.memory_space<vmem>> -> memref<1x125xi32, #tpu.memory_space<vmem>>
        %dma_start3A_70 = tpu.memref_squeeze %dma_start3A_69 : memref<1x125xi32, #tpu.memory_space<vmem>> -> memref<125xi32, #tpu.memory_space<vmem>>
        %dma_start3A_71 = arith.constant 0 : i32
        %dma_start3A_72 = arith.constant 0 : i32
        %dma_start3A_73 = tpu.memref_slice %arg2[%dma_start3A_71, %dma_start3A_72] : memref<80000x128xf32, #tpu.memory_space<hbm>> -> memref<80000x128xf32, #tpu.memory_space<hbm>>
        tpu.enqueue_indirect_dma source(%dma_start3A_73 : memref<80000x128xf32, #tpu.memory_space<hbm>>) target(%arg9 : memref<125x128xf32, #tpu.memory_space<vmem>>) offsets(%dma_start3A_70 : memref<125xi32, #tpu.memory_space<vmem>>) semaphore(%arg12 : memref<!tpu.dma_semaphore, #tpu.memory_space<semaphore_mem>>)
      } else {
      }
      %add3A_64 = arith.constant 1 : i32
      %add3A_65 = arith.addi %mul3A_35, %add3A_64 : i32
      "tpu.region"() ({
        %run_scoped3A = tpu.sem_alloc : memref<!tpu.dma_semaphore, #tpu.memory_space<semaphore_mem>>
        %dma_start3A_66 = arith.constant 0 : i32
        %dma_start3A_67 = tpu.memref_slice %arg8[%add3A_65, %dma_start3A_66] : memref<80x125xi32, #tpu.memory_space<vmem>> -> memref<1x125xi32, #tpu.memory_space<vmem>>
        %dma_start3A_68 = tpu.memref_squeeze %dma_start3A_67 : memref<1x125xi32, #tpu.memory_space<vmem>> -> memref<125xi32, #tpu.memory_space<vmem>>
        %dma_start3A_69 = arith.constant 0 : i32
        %dma_start3A_70 = arith.constant 0 : i32
        %dma_start3A_71 = tpu.memref_slice %arg11[%dma_start3A_69, %dma_start3A_70] : memref<9728x128xf32, #tpu.memory_space<vmem_shared>> -> memref<9728x128xf32, #tpu.memory_space<vmem_shared>>
        tpu.enqueue_indirect_dma source(%arg10 : memref<125x128xf32, #tpu.memory_space<vmem>>) target(%dma_start3A_71 : memref<9728x128xf32, #tpu.memory_space<vmem_shared>>) offsets(%dma_start3A_68 : memref<125xi32, #tpu.memory_space<vmem>>) semaphore(%run_scoped3A : memref<!tpu.dma_semaphore, #tpu.memory_space<semaphore_mem>>) {add = true}
        %dma_wait3A_72 = arith.constant 0 : i32
        %dma_wait3A_73 = tpu.memref_slice %arg8[%add3A_65, %dma_wait3A_72] : memref<80x125xi32, #tpu.memory_space<vmem>> -> memref<1x125xi32, #tpu.memory_space<vmem>>
        %dma_wait3A_74 = tpu.memref_squeeze %dma_wait3A_73 : memref<1x125xi32, #tpu.memory_space<vmem>> -> memref<125xi32, #tpu.memory_space<vmem>>
        %dma_wait3A_75 = arith.constant 0 : i32
        %dma_wait3A_76 = arith.constant 0 : i32
        %dma_wait3A_77 = tpu.memref_slice %arg11[%dma_wait3A_75, %dma_wait3A_76] : memref<9728x128xf32, #tpu.memory_space<vmem_shared>> -> memref<9728x128xf32, #tpu.memory_space<vmem_shared>>
        tpu.wait_indirect_dma semaphore(%run_scoped3A : memref<!tpu.dma_semaphore, #tpu.memory_space<semaphore_mem>>) src(%arg10 : memref<125x128xf32, #tpu.memory_space<vmem>>) dst(%dma_wait3A_77 : memref<9728x128xf32, #tpu.memory_space<vmem_shared>>)
        tpu.yield
      }) : () -> ()
    }
    %scan3A_21 = arith.constant 40 : i32
    %barrier3A_22 = arith.constant 0 : index
    tpu.barrier barrier_id(%barrier3A_22)
    %lt3A_23 = arith.constant 15 : i32
    %lt3A_24 = arith.cmpi slt, %arg1, %lt3A_23 : i32
    %convert_element_type3A_25 = arith.extui %lt3A_24 : i1 to i32
    %cond3A_26 = arith.constant 0 : i32
    %cond3A_27 = arith.cmpi ne, %convert_element_type3A_25, %cond3A_26 : i32
    scf.if %cond3A_27 {
      %mul3A_33 = arith.constant 608 : i32
      %mul3A_34 = arith.muli %arg1, %mul3A_33 : i32
      %mul3A_35 = arith.constant 608 : i32
      %mul3A_36 = arith.muli %arg1, %mul3A_35 : i32
      "tpu.region"() ({
        %run_scoped3A = tpu.sem_alloc : memref<!tpu.dma_semaphore, #tpu.memory_space<semaphore_mem>>
        %dma_start3A_37 = arith.constant 0 : i32
        %dma_start3A_38 = arith.constant 0 : i32
        %dma_start3A_39 = tpu.memref_slice %arg6[%arg0, %dma_start3A_37, %dma_start3A_38] : memref<2x9728x128xf32, #tpu.memory_space<hbm>> -> memref<1x9728x128xf32, #tpu.memory_space<hbm>>
        %dma_start3A_40 = tpu.memref_squeeze %dma_start3A_39 : memref<1x9728x128xf32, #tpu.memory_space<hbm>> -> memref<9728x128xf32, #tpu.memory_space<hbm>>
        %dma_start3A_41 = arith.constant 0 : i32
        %dma_start3A_42 = tpu.memref_slice %dma_start3A_40[%mul3A_36, %dma_start3A_41] : memref<9728x128xf32, #tpu.memory_space<hbm>> -> memref<608x128xf32, #tpu.memory_space<hbm>>
        %dma_start3A_43 = arith.constant 0 : i32
        %dma_start3A_44 = tpu.memref_slice %arg11[%mul3A_34, %dma_start3A_43] : memref<9728x128xf32, #tpu.memory_space<vmem_shared>> -> memref<608x128xf32, #tpu.memory_space<vmem_shared>>
        tpu.enqueue_dma source(%dma_start3A_44 : memref<608x128xf32, #tpu.memory_space<vmem_shared>>) target(%dma_start3A_42 : memref<608x128xf32, #tpu.memory_space<hbm>>) target_semaphore(%run_scoped3A : memref<!tpu.dma_semaphore, #tpu.memory_space<semaphore_mem>>)
        %dma_wait3A = arith.constant 0 : i32
        %dma_wait3A_45 = arith.constant 0 : i32
        %dma_wait3A_46 = tpu.memref_slice %arg6[%arg0, %dma_wait3A, %dma_wait3A_45] : memref<2x9728x128xf32, #tpu.memory_space<hbm>> -> memref<1x9728x128xf32, #tpu.memory_space<hbm>>
        %dma_wait3A_47 = tpu.memref_squeeze %dma_wait3A_46 : memref<1x9728x128xf32, #tpu.memory_space<hbm>> -> memref<9728x128xf32, #tpu.memory_space<hbm>>
        %dma_wait3A_48 = arith.constant 0 : i32
        %dma_wait3A_49 = tpu.memref_slice %dma_wait3A_47[%mul3A_36, %dma_wait3A_48] : memref<9728x128xf32, #tpu.memory_space<hbm>> -> memref<608x128xf32, #tpu.memory_space<hbm>>
        %dma_wait3A_50 = arith.constant 0 : i32
        %dma_wait3A_51 = tpu.memref_slice %arg11[%mul3A_34, %dma_wait3A_50] : memref<9728x128xf32, #tpu.memory_space<vmem_shared>> -> memref<608x128xf32, #tpu.memory_space<vmem_shared>>
        tpu.wait_dma2 semaphore(%run_scoped3A : memref<!tpu.dma_semaphore, #tpu.memory_space<semaphore_mem>>) src(%dma_wait3A_51 : memref<608x128xf32, #tpu.memory_space<vmem_shared>>) dst(%dma_wait3A_49 : memref<608x128xf32, #tpu.memory_space<hbm>>)
        tpu.yield
      }) : () -> ()
    } else {
    }
    %eq3A_28 = arith.constant 15 : i32
    %eq3A_29 = arith.cmpi eq, %arg1, %eq3A_28 : i32
    %convert_element_type3A_30 = arith.extui %eq3A_29 : i1 to i32
    %cond3A_31 = arith.constant 0 : i32
    %cond3A_32 = arith.cmpi ne, %convert_element_type3A_30, %cond3A_31 : i32
    scf.if %cond3A_32 {
      "tpu.region"() ({
        %run_scoped3A = tpu.sem_alloc : memref<!tpu.dma_semaphore, #tpu.memory_space<semaphore_mem>>
        %dma_start3A_33 = arith.constant 0 : i32
        %dma_start3A_34 = arith.constant 0 : i32
        %dma_start3A_35 = tpu.memref_slice %arg6[%arg0, %dma_start3A_33, %dma_start3A_34] : memref<2x9728x128xf32, #tpu.memory_space<hbm>> -> memref<1x9728x128xf32, #tpu.memory_space<hbm>>
        %dma_start3A_36 = tpu.memref_squeeze %dma_start3A_35 : memref<1x9728x128xf32, #tpu.memory_space<hbm>> -> memref<9728x128xf32, #tpu.memory_space<hbm>>
        %dma_start3A_37 = arith.constant 9120 : i32
        %dma_start3A_38 = arith.constant 0 : i32
        %dma_start3A_39 = tpu.memref_slice %dma_start3A_36[%dma_start3A_37, %dma_start3A_38] : memref<9728x128xf32, #tpu.memory_space<hbm>> -> memref<608x128xf32, #tpu.memory_space<hbm>>
        %dma_start3A_40 = arith.constant 9120 : i32
        %dma_start3A_41 = arith.constant 0 : i32
        %dma_start3A_42 = tpu.memref_slice %arg11[%dma_start3A_40, %dma_start3A_41] : memref<9728x128xf32, #tpu.memory_space<vmem_shared>> -> memref<608x128xf32, #tpu.memory_space<vmem_shared>>
        tpu.enqueue_dma source(%dma_start3A_42 : memref<608x128xf32, #tpu.memory_space<vmem_shared>>) target(%dma_start3A_39 : memref<608x128xf32, #tpu.memory_space<hbm>>) target_semaphore(%run_scoped3A : memref<!tpu.dma_semaphore, #tpu.memory_space<semaphore_mem>>)
        %dma_wait3A = arith.constant 0 : i32
        %dma_wait3A_43 = arith.constant 0 : i32
        %dma_wait3A_44 = tpu.memref_slice %arg6[%arg0, %dma_wait3A, %dma_wait3A_43] : memref<2x9728x128xf32, #tpu.memory_space<hbm>> -> memref<1x9728x128xf32, #tpu.memory_space<hbm>>
        %dma_wait3A_45 = tpu.memref_squeeze %dma_wait3A_44 : memref<1x9728x128xf32, #tpu.memory_space<hbm>> -> memref<9728x128xf32, #tpu.memory_space<hbm>>
        %dma_wait3A_46 = arith.constant 9120 : i32
        %dma_wait3A_47 = arith.constant 0 : i32
        %dma_wait3A_48 = tpu.memref_slice %dma_wait3A_45[%dma_wait3A_46, %dma_wait3A_47] : memref<9728x128xf32, #tpu.memory_space<hbm>> -> memref<608x128xf32, #tpu.memory_space<hbm>>
        %dma_wait3A_49 = arith.constant 9120 : i32
        %dma_wait3A_50 = arith.constant 0 : i32
        %dma_wait3A_51 = tpu.memref_slice %arg11[%dma_wait3A_49, %dma_wait3A_50] : memref<9728x128xf32, #tpu.memory_space<vmem_shared>> -> memref<608x128xf32, #tpu.memory_space<vmem_shared>>
        tpu.wait_dma2 semaphore(%run_scoped3A : memref<!tpu.dma_semaphore, #tpu.memory_space<semaphore_mem>>) src(%dma_wait3A_51 : memref<608x128xf32, #tpu.memory_space<vmem_shared>>) dst(%dma_wait3A_48 : memref<608x128xf32, #tpu.memory_space<hbm>>)
        tpu.yield
      }) : () -> ()
    } else {
    }
    return
  }
}

module attributes {stable_mosaic.version = 14 : i64} {
  func.func @_prep_body(%arg0: memref<8x4xf32, #tpu.memory_space<vmem>>, %arg1: memref<4x16384xf32, #tpu.memory_space<vmem>>, %arg2: memref<8x4xf32, #tpu.memory_space<vmem>>, %arg3: memref<4x16384xf32, #tpu.memory_space<vmem>>, %arg4: memref<2500x128xi32, #tpu.memory_space<vmem>>, %arg5: memref<2500x128xi32, #tpu.memory_space<vmem>>, %arg6: memref<2500x128xi32, #tpu.memory_space<vmem>>, %arg7: memref<8x16384xf32, #tpu.memory_space<vmem>>, %arg8: memref<8x16384xf32, #tpu.memory_space<vmem>>, %arg9: memref<2500x128xi32, #tpu.memory_space<vmem>>, %arg10: memref<2500x128xi32, #tpu.memory_space<vmem>>, %arg11: memref<2500x128xi32, #tpu.memory_space<vmem>>, %arg12: memref<2500x128xi32, #tpu.memory_space<vmem>>) attributes {dimension_semantics = [], scalar_prefetch = 0 : i64, scratch_operands = 0 : i64, tpu.core_type = #tpu.core_type<tc>} {
    %get3A = arith.constant 0 : index
    %get3A_0 = arith.constant 0 : index
    %get3A_1 = vector.load %arg0[%get3A, %get3A_0] : memref<8x4xf32, #tpu.memory_space<vmem>>, vector<8x4xf32>
    %get3A_2 = arith.constant 0 : index
    %get3A_3 = arith.constant 0 : index
    %get3A_4 = vector.load %arg1[%get3A_2, %get3A_3] : memref<4x16384xf32, #tpu.memory_space<vmem>>, vector<4x16384xf32>
    %dot_general3A = arith.constant dense<0.000000e+00> : vector<8x16384xf32>
    %dot_general3A_5 = tpu.matmul %get3A_1, %get3A_4, %dot_general3A {dimension_numbers = #tpu.dot_dimension_numbers<[1], [0], [0], [1], [0, 0, 1, 1], [], []>, transpose_lhs_hint = false} : vector<8x4xf32>, vector<4x16384xf32>, vector<8x16384xf32> -> vector<8x16384xf32>
    %swap3A = arith.constant 0 : index
    %swap3A_6 = arith.constant 0 : index
    %swap3A_7 = vector.load %arg7[%swap3A, %swap3A_6] : memref<8x16384xf32, #tpu.memory_space<vmem>>, vector<8x16384xf32>
    tpu.vector_store %arg7[%swap3A, %swap3A_6], %dot_general3A_5 {strides = array<i32>} : memref<8x16384xf32, #tpu.memory_space<vmem>>, vector<8x16384xf32>,
    %get3A_8 = arith.constant 0 : index
    %get3A_9 = arith.constant 0 : index
    %get3A_10 = vector.load %arg2[%get3A_8, %get3A_9] : memref<8x4xf32, #tpu.memory_space<vmem>>, vector<8x4xf32>
    %get3A_11 = arith.constant 0 : index
    %get3A_12 = arith.constant 0 : index
    %get3A_13 = vector.load %arg3[%get3A_11, %get3A_12] : memref<4x16384xf32, #tpu.memory_space<vmem>>, vector<4x16384xf32>
    %dot_general3A_14 = arith.constant dense<0.000000e+00> : vector<8x16384xf32>
    %dot_general3A_15 = tpu.matmul %get3A_10, %get3A_13, %dot_general3A_14 {dimension_numbers = #tpu.dot_dimension_numbers<[1], [0], [0], [1], [0, 0, 1, 1], [], []>, transpose_lhs_hint = false} : vector<8x4xf32>, vector<4x16384xf32>, vector<8x16384xf32> -> vector<8x16384xf32>
    %swap3A_16 = arith.constant 0 : index
    %swap3A_17 = arith.constant 0 : index
    %swap3A_18 = vector.load %arg8[%swap3A_16, %swap3A_17] : memref<8x16384xf32, #tpu.memory_space<vmem>>, vector<8x16384xf32>
    tpu.vector_store %arg8[%swap3A_16, %swap3A_17], %dot_general3A_15 {strides = array<i32>} : memref<8x16384xf32, #tpu.memory_space<vmem>>, vector<8x16384xf32>,
    %get3A_19 = arith.constant 0 : index
    %get3A_20 = arith.constant 0 : index
    %get3A_21 = vector.load %arg4[%get3A_19, %get3A_20] : memref<2500x128xi32, #tpu.memory_space<vmem>>, vector<2500x128xi32>
    %mul3A = arith.constant 10000 : i32
    %mul3A_22 = vector.broadcast %mul3A : i32 to vector<2500x128xi32>
    %mul3A_23 = arith.muli %get3A_21, %mul3A_22 : vector<2500x128xi32>
    %get3A_24 = arith.constant 0 : index
    %get3A_25 = arith.constant 0 : index
    %get3A_26 = vector.load %arg5[%get3A_24, %get3A_25] : memref<2500x128xi32, #tpu.memory_space<vmem>>, vector<2500x128xi32>
    %add3A = arith.addi %mul3A_23, %get3A_26 : vector<2500x128xi32>
    %swap3A_27 = arith.constant 0 : index
    %swap3A_28 = arith.constant 0 : index
    %swap3A_29 = vector.load %arg9[%swap3A_27, %swap3A_28] : memref<2500x128xi32, #tpu.memory_space<vmem>>, vector<2500x128xi32>
    tpu.vector_store %arg9[%swap3A_27, %swap3A_28], %add3A {strides = array<i32>} : memref<2500x128xi32, #tpu.memory_space<vmem>>, vector<2500x128xi32>,
    %get3A_30 = arith.constant 0 : index
    %get3A_31 = arith.constant 0 : index
    %get3A_32 = vector.load %arg6[%get3A_30, %get3A_31] : memref<2500x128xi32, #tpu.memory_space<vmem>>, vector<2500x128xi32>
    %ge3A = arith.constant 9600 : i32
    %ge3A_33 = vector.broadcast %ge3A : i32 to vector<2500x128xi32>
    %ge3A_34 = arith.cmpi sge, %get3A_32, %ge3A_33 : vector<2500x128xi32>
    %and3A = arith.constant 127 : i32
    %and3A_35 = vector.broadcast %and3A : i32 to vector<2500x128xi32>
    %and3A_36 = arith.andi %get3A_32, %and3A_35 : vector<2500x128xi32>
    %add3A_37 = arith.constant 9600 : i32
    %add3A_38 = vector.broadcast %add3A_37 : i32 to vector<2500x128xi32>
    %add3A_39 = arith.addi %add3A_38, %and3A_36 : vector<2500x128xi32>
    %select_n3A = arith.select %ge3A_34, %add3A_39, %get3A_32 : vector<2500x128xi1>, vector<2500x128xi32>
    %swap3A_40 = arith.constant 0 : index
    %swap3A_41 = arith.constant 0 : index
    %swap3A_42 = vector.load %arg10[%swap3A_40, %swap3A_41] : memref<2500x128xi32, #tpu.memory_space<vmem>>, vector<2500x128xi32>
    tpu.vector_store %arg10[%swap3A_40, %swap3A_41], %select_n3A {strides = array<i32>} : memref<2500x128xi32, #tpu.memory_space<vmem>>, vector<2500x128xi32>,
    %sub3A = arith.constant 9600 : i32
    %sub3A_43 = vector.broadcast %sub3A : i32 to vector<2500x128xi32>
    %sub3A_44 = arith.subi %get3A_32, %sub3A_43 : vector<2500x128xi32>
    %and3A_45 = arith.constant 511 : i32
    %and3A_46 = vector.broadcast %and3A_45 : i32 to vector<2500x128xi32>
    %and3A_47 = arith.andi %get3A_32, %and3A_46 : vector<2500x128xi32>
    %add3A_48 = arith.constant 400 : i32
    %add3A_49 = vector.broadcast %add3A_48 : i32 to vector<2500x128xi32>
    %add3A_50 = arith.addi %add3A_49, %and3A_47 : vector<2500x128xi32>
    %select_n3A_51 = arith.select %ge3A_34, %sub3A_44, %add3A_50 : vector<2500x128xi1>, vector<2500x128xi32>
    %swap3A_52 = arith.constant 0 : index
    %swap3A_53 = arith.constant 0 : index
    %swap3A_54 = vector.load %arg11[%swap3A_52, %swap3A_53] : memref<2500x128xi32, #tpu.memory_space<vmem>>, vector<2500x128xi32>
    tpu.vector_store %arg11[%swap3A_52, %swap3A_53], %select_n3A_51 {strides = array<i32>} : memref<2500x128xi32, #tpu.memory_space<vmem>>, vector<2500x128xi32>,
    %jit3A = arith.constant 0 : i32
    %broadcast_in_dim3A = vector.broadcast %jit3A : i32 to vector<2500x128xi32>
    %select_n3A_55 = arith.select %ge3A_34, %add3A, %broadcast_in_dim3A : vector<2500x128xi1>, vector<2500x128xi32>
    %swap3A_56 = arith.constant 0 : index
    %swap3A_57 = arith.constant 0 : index
    %swap3A_58 = vector.load %arg12[%swap3A_56, %swap3A_57] : memref<2500x128xi32, #tpu.memory_space<vmem>>, vector<2500x128xi32>
    tpu.vector_store %arg12[%swap3A_56, %swap3A_57], %select_n3A_55 {strides = array<i32>} : memref<2500x128xi32, #tpu.memory_space<vmem>>, vector<2500x128xi32>,
    return
  }
}

module attributes {stable_mosaic.version = 14 : i64} {
  func.func @_proj_first_body(%arg0: i32, %arg1: memref<400x128xf32, #tpu.memory_space<vmem>>, %arg2: memref<128x128xf32, #tpu.memory_space<vmem>>, %arg3: memref<1x128xf32, #tpu.memory_space<vmem>>, %arg4: memref<8x128x128xf32, #tpu.memory_space<vmem>>, %arg5: memref<128x128xf32, #tpu.memory_space<vmem>>, %arg6: memref<1x128xf32, #tpu.memory_space<vmem>>, %arg7: memref<8x400x128xf32, #tpu.memory_space<vmem>>, %arg8: memref<400x128xf32, #tpu.memory_space<vmem>>) attributes {dimension_semantics = [#tpu.dimension_semantics<arbitrary>], iteration_bounds = array<i64: 25>, scalar_prefetch = 0 : i64, scratch_operands = 0 : i64, tpu.core_type = #tpu.core_type<tc>, window_params = [{transform_indices = @transform_0, window_bounds = array<i64: 400, 128>}, {pipeline_mode = #tpu.pipeline_mode<synchronous>, transform_indices = @transform_1, window_bounds = array<i64: 128, 128>}, {pipeline_mode = #tpu.pipeline_mode<synchronous>, transform_indices = @transform_2, window_bounds = array<i64: 1, 128>}, {pipeline_mode = #tpu.pipeline_mode<synchronous>, transform_indices = @transform_3, window_bounds = array<i64: 8, 128, 128>}, {pipeline_mode = #tpu.pipeline_mode<synchronous>, transform_indices = @transform_4, window_bounds = array<i64: 128, 128>}, {pipeline_mode = #tpu.pipeline_mode<synchronous>, transform_indices = @transform_5, window_bounds = array<i64: 1, 128>}, {transform_indices = @transform_6, window_bounds = array<i64: 8, 400, 128>}, {transform_indices = @transform_7, window_bounds = array<i64: 400, 128>}]} {
    %get3A = arith.constant 0 : index
    %get3A_0 = arith.constant 0 : index
    %get3A_1 = vector.load %arg1[%get3A, %get3A_0] : memref<400x128xf32, #tpu.memory_space<vmem>>, vector<400x128xf32>
    %get3A_2 = arith.constant 0 : index
    %get3A_3 = arith.constant 0 : index
    %get3A_4 = vector.load %arg2[%get3A_2, %get3A_3] : memref<128x128xf32, #tpu.memory_space<vmem>>, vector<128x128xf32>
    %dot_general3A = arith.constant dense<0.000000e+00> : vector<400x128xf32>
    %dot_general3A_5 = tpu.matmul %get3A_1, %get3A_4, %dot_general3A {dimension_numbers = #tpu.dot_dimension_numbers<[1], [0], [0], [1], [0, 0, 1, 1], [], []>, transpose_lhs_hint = false} : vector<400x128xf32>, vector<128x128xf32>, vector<400x128xf32> -> vector<400x128xf32>
    %get3A_6 = arith.constant 0 : index
    %get3A_7 = arith.constant 0 : index
    %get3A_8 = vector.load %arg3[%get3A_6, %get3A_7] : memref<1x128xf32, #tpu.memory_space<vmem>>, vector<1x128xf32>
    %add3A = vector.broadcast %get3A_8 : vector<1x128xf32> to vector<400x128xf32>
    %add3A_9 = arith.addf %dot_general3A_5, %add3A : vector<400x128xf32>
    %max3A = arith.constant 0.000000e+00 : f32
    %max3A_10 = vector.broadcast %max3A : f32 to vector<400x128xf32>
    %max3A_11 = arith.maximumf %add3A_9, %max3A_10 : vector<400x128xf32>
    %get3A_12 = arith.constant 0 : index
    %get3A_13 = arith.constant 0 : index
    %get3A_14 = vector.load %arg5[%get3A_12, %get3A_13] : memref<128x128xf32, #tpu.memory_space<vmem>>, vector<128x128xf32>
    %dot_general3A_15 = arith.constant dense<0.000000e+00> : vector<400x128xf32>
    %dot_general3A_16 = tpu.matmul %max3A_11, %get3A_14, %dot_general3A_15 {dimension_numbers = #tpu.dot_dimension_numbers<[1], [0], [0], [1], [0, 0, 1, 1], [], []>, transpose_lhs_hint = false} : vector<400x128xf32>, vector<128x128xf32>, vector<400x128xf32> -> vector<400x128xf32>
    %get3A_17 = arith.constant 0 : index
    %get3A_18 = arith.constant 0 : index
    %get3A_19 = vector.load %arg6[%get3A_17, %get3A_18] : memref<1x128xf32, #tpu.memory_space<vmem>>, vector<1x128xf32>
    %add3A_20 = vector.broadcast %get3A_19 : vector<1x128xf32> to vector<400x128xf32>
    %add3A_21 = arith.addf %dot_general3A_16, %add3A_20 : vector<400x128xf32>
    %swap3A = arith.constant 0 : index
    %swap3A_22 = arith.constant 0 : index
    %swap3A_23 = vector.load %arg8[%swap3A, %swap3A_22] : memref<400x128xf32, #tpu.memory_space<vmem>>, vector<400x128xf32>
    tpu.vector_store %arg8[%swap3A, %swap3A_22], %add3A_21 {strides = array<i32>} : memref<400x128xf32, #tpu.memory_space<vmem>>, vector<400x128xf32>,
    %get3A_24 = arith.constant 0 : index
    %get3A_25 = arith.constant 0 : index
    %get3A_26 = arith.constant 0 : index
    %get3A_27 = vector.load %arg4[%get3A_24, %get3A_25, %get3A_26] : memref<8x128x128xf32, #tpu.memory_space<vmem>>, vector<1x128x128xf32>
    %get3A_28 = vector.shape_cast %get3A_27 : vector<1x128x128xf32> to vector<128x128xf32>
    %dot_general3A_29 = arith.constant dense<0.000000e+00> : vector<400x128xf32>
    %dot_general3A_30 = tpu.matmul %max3A_11, %get3A_28, %dot_general3A_29 {dimension_numbers = #tpu.dot_dimension_numbers<[1], [0], [0], [1], [0, 0, 1, 1], [], []>, transpose_lhs_hint = false} : vector<400x128xf32>, vector<128x128xf32>, vector<400x128xf32> -> vector<400x128xf32>
    %swap3A_31 = arith.constant 0 : index
    %swap3A_32 = arith.constant 0 : index
    %swap3A_33 = arith.constant 0 : index
    %swap3A_34 = vector.load %arg7[%swap3A_31, %swap3A_32, %swap3A_33] : memref<8x400x128xf32, #tpu.memory_space<vmem>>, vector<1x400x128xf32>
    %swap3A_35 = vector.shape_cast %swap3A_34 : vector<1x400x128xf32> to vector<400x128xf32>
    %swap3A_36 = vector.shape_cast %dot_general3A_30 : vector<400x128xf32> to vector<1x400x128xf32>
    tpu.vector_store %arg7[%swap3A_31, %swap3A_32, %swap3A_33], %swap3A_36 {strides = array<i32>} : memref<8x400x128xf32, #tpu.memory_space<vmem>>, vector<1x400x128xf32>,
    %get3A_37 = arith.constant 1 : index
    %get3A_38 = arith.constant 0 : index
    %get3A_39 = arith.constant 0 : index
    %get3A_40 = vector.load %arg4[%get3A_37, %get3A_38, %get3A_39] : memref<8x128x128xf32, #tpu.memory_space<vmem>>, vector<1x128x128xf32>
    %get3A_41 = vector.shape_cast %get3A_40 : vector<1x128x128xf32> to vector<128x128xf32>
    %dot_general3A_42 = arith.constant dense<0.000000e+00> : vector<400x128xf32>
    %dot_general3A_43 = tpu.matmul %max3A_11, %get3A_41, %dot_general3A_42 {dimension_numbers = #tpu.dot_dimension_numbers<[1], [0], [0], [1], [0, 0, 1, 1], [], []>, transpose_lhs_hint = false} : vector<400x128xf32>, vector<128x128xf32>, vector<400x128xf32> -> vector<400x128xf32>
    %swap3A_44 = arith.constant 1 : index
    %swap3A_45 = arith.constant 0 : index
    %swap3A_46 = arith.constant 0 : index
    %swap3A_47 = vector.load %arg7[%swap3A_44, %swap3A_45, %swap3A_46] : memref<8x400x128xf32, #tpu.memory_space<vmem>>, vector<1x400x128xf32>
    %swap3A_48 = vector.shape_cast %swap3A_47 : vector<1x400x128xf32> to vector<400x128xf32>
    %swap3A_49 = vector.shape_cast %dot_general3A_43 : vector<400x128xf32> to vector<1x400x128xf32>
    tpu.vector_store %arg7[%swap3A_44, %swap3A_45, %swap3A_46], %swap3A_49 {strides = array<i32>} : memref<8x400x128xf32, #tpu.memory_space<vmem>>, vector<1x400x128xf32>,
    %get3A_50 = arith.constant 2 : index
    %get3A_51 = arith.constant 0 : index
    %get3A_52 = arith.constant 0 : index
    %get3A_53 = vector.load %arg4[%get3A_50, %get3A_51, %get3A_52] : memref<8x128x128xf32, #tpu.memory_space<vmem>>, vector<1x128x128xf32>
    %get3A_54 = vector.shape_cast %get3A_53 : vector<1x128x128xf32> to vector<128x128xf32>
    %dot_general3A_55 = arith.constant dense<0.000000e+00> : vector<400x128xf32>
    %dot_general3A_56 = tpu.matmul %max3A_11, %get3A_54, %dot_general3A_55 {dimension_numbers = #tpu.dot_dimension_numbers<[1], [0], [0], [1], [0, 0, 1, 1], [], []>, transpose_lhs_hint = false} : vector<400x128xf32>, vector<128x128xf32>, vector<400x128xf32> -> vector<400x128xf32>
    %swap3A_57 = arith.constant 2 : index
    %swap3A_58 = arith.constant 0 : index
    %swap3A_59 = arith.constant 0 : index
    %swap3A_60 = vector.load %arg7[%swap3A_57, %swap3A_58, %swap3A_59] : memref<8x400x128xf32, #tpu.memory_space<vmem>>, vector<1x400x128xf32>
    %swap3A_61 = vector.shape_cast %swap3A_60 : vector<1x400x128xf32> to vector<400x128xf32>
    %swap3A_62 = vector.shape_cast %dot_general3A_56 : vector<400x128xf32> to vector<1x400x128xf32>
    tpu.vector_store %arg7[%swap3A_57, %swap3A_58, %swap3A_59], %swap3A_62 {strides = array<i32>} : memref<8x400x128xf32, #tpu.memory_space<vmem>>, vector<1x400x128xf32>,
    %get3A_63 = arith.constant 3 : index
    %get3A_64 = arith.constant 0 : index
    %get3A_65 = arith.constant 0 : index
    %get3A_66 = vector.load %arg4[%get3A_63, %get3A_64, %get3A_65] : memref<8x128x128xf32, #tpu.memory_space<vmem>>, vector<1x128x128xf32>
    %get3A_67 = vector.shape_cast %get3A_66 : vector<1x128x128xf32> to vector<128x128xf32>
    %dot_general3A_68 = arith.constant dense<0.000000e+00> : vector<400x128xf32>
    %dot_general3A_69 = tpu.matmul %max3A_11, %get3A_67, %dot_general3A_68 {dimension_numbers = #tpu.dot_dimension_numbers<[1], [0], [0], [1], [0, 0, 1, 1], [], []>, transpose_lhs_hint = false} : vector<400x128xf32>, vector<128x128xf32>, vector<400x128xf32> -> vector<400x128xf32>
    %swap3A_70 = arith.constant 3 : index
    %swap3A_71 = arith.constant 0 : index
    %swap3A_72 = arith.constant 0 : index
    %swap3A_73 = vector.load %arg7[%swap3A_70, %swap3A_71, %swap3A_72] : memref<8x400x128xf32, #tpu.memory_space<vmem>>, vector<1x400x128xf32>
    %swap3A_74 = vector.shape_cast %swap3A_73 : vector<1x400x128xf32> to vector<400x128xf32>
    %swap3A_75 = vector.shape_cast %dot_general3A_69 : vector<400x128xf32> to vector<1x400x128xf32>
    tpu.vector_store %arg7[%swap3A_70, %swap3A_71, %swap3A_72], %swap3A_75 {strides = array<i32>} : memref<8x400x128xf32, #tpu.memory_space<vmem>>, vector<1x400x128xf32>,
    %get3A_76 = arith.constant 4 : index
    %get3A_77 = arith.constant 0 : index
    %get3A_78 = arith.constant 0 : index
    %get3A_79 = vector.load %arg4[%get3A_76, %get3A_77, %get3A_78] : memref<8x128x128xf32, #tpu.memory_space<vmem>>, vector<1x128x128xf32>
    %get3A_80 = vector.shape_cast %get3A_79 : vector<1x128x128xf32> to vector<128x128xf32>
    %dot_general3A_81 = arith.constant dense<0.000000e+00> : vector<400x128xf32>
    %dot_general3A_82 = tpu.matmul %max3A_11, %get3A_80, %dot_general3A_81 {dimension_numbers = #tpu.dot_dimension_numbers<[1], [0], [0], [1], [0, 0, 1, 1], [], []>, transpose_lhs_hint = false} : vector<400x128xf32>, vector<128x128xf32>, vector<400x128xf32> -> vector<400x128xf32>
    %swap3A_83 = arith.constant 4 : index
    %swap3A_84 = arith.constant 0 : index
    %swap3A_85 = arith.constant 0 : index
    %swap3A_86 = vector.load %arg7[%swap3A_83, %swap3A_84, %swap3A_85] : memref<8x400x128xf32, #tpu.memory_space<vmem>>, vector<1x400x128xf32>
    %swap3A_87 = vector.shape_cast %swap3A_86 : vector<1x400x128xf32> to vector<400x128xf32>
    %swap3A_88 = vector.shape_cast %dot_general3A_82 : vector<400x128xf32> to vector<1x400x128xf32>
    tpu.vector_store %arg7[%swap3A_83, %swap3A_84, %swap3A_85], %swap3A_88 {strides = array<i32>} : memref<8x400x128xf32, #tpu.memory_space<vmem>>, vector<1x400x128xf32>,
    %get3A_89 = arith.constant 5 : index
    %get3A_90 = arith.constant 0 : index
    %get3A_91 = arith.constant 0 : index
    %get3A_92 = vector.load %arg4[%get3A_89, %get3A_90, %get3A_91] : memref<8x128x128xf32, #tpu.memory_space<vmem>>, vector<1x128x128xf32>
    %get3A_93 = vector.shape_cast %get3A_92 : vector<1x128x128xf32> to vector<128x128xf32>
    %dot_general3A_94 = arith.constant dense<0.000000e+00> : vector<400x128xf32>
    %dot_general3A_95 = tpu.matmul %max3A_11, %get3A_93, %dot_general3A_94 {dimension_numbers = #tpu.dot_dimension_numbers<[1], [0], [0], [1], [0, 0, 1, 1], [], []>, transpose_lhs_hint = false} : vector<400x128xf32>, vector<128x128xf32>, vector<400x128xf32> -> vector<400x128xf32>
    %swap3A_96 = arith.constant 5 : index
    %swap3A_97 = arith.constant 0 : index
    %swap3A_98 = arith.constant 0 : index
    %swap3A_99 = vector.load %arg7[%swap3A_96, %swap3A_97, %swap3A_98] : memref<8x400x128xf32, #tpu.memory_space<vmem>>, vector<1x400x128xf32>
    %swap3A_100 = vector.shape_cast %swap3A_99 : vector<1x400x128xf32> to vector<400x128xf32>
    %swap3A_101 = vector.shape_cast %dot_general3A_95 : vector<400x128xf32> to vector<1x400x128xf32>
    tpu.vector_store %arg7[%swap3A_96, %swap3A_97, %swap3A_98], %swap3A_101 {strides = array<i32>} : memref<8x400x128xf32, #tpu.memory_space<vmem>>, vector<1x400x128xf32>,
    %get3A_102 = arith.constant 6 : index
    %get3A_103 = arith.constant 0 : index
    %get3A_104 = arith.constant 0 : index
    %get3A_105 = vector.load %arg4[%get3A_102, %get3A_103, %get3A_104] : memref<8x128x128xf32, #tpu.memory_space<vmem>>, vector<1x128x128xf32>
    %get3A_106 = vector.shape_cast %get3A_105 : vector<1x128x128xf32> to vector<128x128xf32>
    %dot_general3A_107 = arith.constant dense<0.000000e+00> : vector<400x128xf32>
    %dot_general3A_108 = tpu.matmul %max3A_11, %get3A_106, %dot_general3A_107 {dimension_numbers = #tpu.dot_dimension_numbers<[1], [0], [0], [1], [0, 0, 1, 1], [], []>, transpose_lhs_hint = false} : vector<400x128xf32>, vector<128x128xf32>, vector<400x128xf32> -> vector<400x128xf32>
    %swap3A_109 = arith.constant 6 : index
    %swap3A_110 = arith.constant 0 : index
    %swap3A_111 = arith.constant 0 : index
    %swap3A_112 = vector.load %arg7[%swap3A_109, %swap3A_110, %swap3A_111] : memref<8x400x128xf32, #tpu.memory_space<vmem>>, vector<1x400x128xf32>
    %swap3A_113 = vector.shape_cast %swap3A_112 : vector<1x400x128xf32> to vector<400x128xf32>
    %swap3A_114 = vector.shape_cast %dot_general3A_108 : vector<400x128xf32> to vector<1x400x128xf32>
    tpu.vector_store %arg7[%swap3A_109, %swap3A_110, %swap3A_111], %swap3A_114 {strides = array<i32>} : memref<8x400x128xf32, #tpu.memory_space<vmem>>, vector<1x400x128xf32>,
    %get3A_115 = arith.constant 7 : index
    %get3A_116 = arith.constant 0 : index
    %get3A_117 = arith.constant 0 : index
    %get3A_118 = vector.load %arg4[%get3A_115, %get3A_116, %get3A_117] : memref<8x128x128xf32, #tpu.memory_space<vmem>>, vector<1x128x128xf32>
    %get3A_119 = vector.shape_cast %get3A_118 : vector<1x128x128xf32> to vector<128x128xf32>
    %dot_general3A_120 = arith.constant dense<0.000000e+00> : vector<400x128xf32>
    %dot_general3A_121 = tpu.matmul %max3A_11, %get3A_119, %dot_general3A_120 {dimension_numbers = #tpu.dot_dimension_numbers<[1], [0], [0], [1], [0, 0, 1, 1], [], []>, transpose_lhs_hint = false} : vector<400x128xf32>, vector<128x128xf32>, vector<400x128xf32> -> vector<400x128xf32>
    %swap3A_122 = arith.constant 7 : index
    %swap3A_123 = arith.constant 0 : index
    %swap3A_124 = arith.constant 0 : index
    %swap3A_125 = vector.load %arg7[%swap3A_122, %swap3A_123, %swap3A_124] : memref<8x400x128xf32, #tpu.memory_space<vmem>>, vector<1x400x128xf32>
    %swap3A_126 = vector.shape_cast %swap3A_125 : vector<1x400x128xf32> to vector<400x128xf32>
    %swap3A_127 = vector.shape_cast %dot_general3A_121 : vector<400x128xf32> to vector<1x400x128xf32>
    tpu.vector_store %arg7[%swap3A_122, %swap3A_123, %swap3A_124], %swap3A_127 {strides = array<i32>} : memref<8x400x128xf32, #tpu.memory_space<vmem>>, vector<1x400x128xf32>,
    return
  }
  func.func @transform_0(%arg0: i32) -> (i32, i32) {
    %c0_i32 = arith.constant 0 : i32
    %c0_i32_0 = arith.constant 0 : i32
    return %arg0, %c0_i32 : i32, i32
  }
  func.func @transform_1(%arg0: i32) -> (i32, i32) {
    %c0_i32 = arith.constant 0 : i32
    %c0_i32_0 = arith.constant 0 : i32
    %c0_i32_1 = arith.constant 0 : i32
    return %c0_i32, %c0_i32_0 : i32, i32
  }
  func.func @transform_2(%arg0: i32) -> (i32, i32) {
    %c0_i32 = arith.constant 0 : i32
    %c0_i32_0 = arith.constant 0 : i32
    %c0_i32_1 = arith.constant 0 : i32
    return %c0_i32, %c0_i32_0 : i32, i32
  }
  func.func @transform_3(%arg0: i32) -> (i32, i32, i32) {
    %c0_i32 = arith.constant 0 : i32
    %c0_i32_0 = arith.constant 0 : i32
    %c0_i32_1 = arith.constant 0 : i32
    %c0_i32_2 = arith.constant 0 : i32
    return %c0_i32, %c0_i32_0, %c0_i32_1 : i32, i32, i32
  }
  func.func @transform_4(%arg0: i32) -> (i32, i32) {
    %c0_i32 = arith.constant 0 : i32
    %c0_i32_0 = arith.constant 0 : i32
    %c0_i32_1 = arith.constant 0 : i32
    return %c0_i32, %c0_i32_0 : i32, i32
  }
  func.func @transform_5(%arg0: i32) -> (i32, i32) {
    %c0_i32 = arith.constant 0 : i32
    %c0_i32_0 = arith.constant 0 : i32
    %c0_i32_1 = arith.constant 0 : i32
    return %c0_i32, %c0_i32_0 : i32, i32
  }
  func.func @transform_6(%arg0: i32) -> (i32, i32, i32) {
    %c0_i32 = arith.constant 0 : i32
    %c0_i32_0 = arith.constant 0 : i32
    %c0_i32_1 = arith.constant 0 : i32
    return %c0_i32, %arg0, %c0_i32_0 : i32, i32, i32
  }
  func.func @transform_7(%arg0: i32) -> (i32, i32) {
    %c0_i32 = arith.constant 0 : i32
    %c0_i32_0 = arith.constant 0 : i32
    return %arg0, %c0_i32 : i32, i32
  }
}

module attributes {stable_mosaic.version = 14 : i64} {
  func.func @_proj_mid_body(%arg0: i32, %arg1: memref<2x400x128xf32, #tpu.memory_space<vmem>>, %arg2: memref<2x400x128xf32, #tpu.memory_space<vmem>>, %arg3: memref<400x128xf32, #tpu.memory_space<vmem>>, %arg4: memref<8x128x128xf32, #tpu.memory_space<vmem>>, %arg5: memref<128x128xf32, #tpu.memory_space<vmem>>, %arg6: memref<1x128xf32, #tpu.memory_space<vmem>>, %arg7: memref<8x400x128xf32, #tpu.memory_space<vmem>>, %arg8: memref<400x128xf32, #tpu.memory_space<vmem>>) attributes {dimension_semantics = [#tpu.dimension_semantics<arbitrary>], iteration_bounds = array<i64: 25>, scalar_prefetch = 0 : i64, scratch_operands = 0 : i64, tpu.core_type = #tpu.core_type<tc>, window_params = [{transform_indices = @transform_0, window_bounds = array<i64: 2, 400, 128>}, {transform_indices = @transform_1, window_bounds = array<i64: 2, 400, 128>}, {transform_indices = @transform_2, window_bounds = array<i64: 400, 128>}, {pipeline_mode = #tpu.pipeline_mode<synchronous>, transform_indices = @transform_3, window_bounds = array<i64: 8, 128, 128>}, {pipeline_mode = #tpu.pipeline_mode<synchronous>, transform_indices = @transform_4, window_bounds = array<i64: 128, 128>}, {pipeline_mode = #tpu.pipeline_mode<synchronous>, transform_indices = @transform_5, window_bounds = array<i64: 1, 128>}, {transform_indices = @transform_6, window_bounds = array<i64: 8, 400, 128>}, {transform_indices = @transform_7, window_bounds = array<i64: 400, 128>}]} {
    %get3A = arith.constant 0 : index
    %get3A_0 = arith.constant 0 : index
    %get3A_1 = arith.constant 0 : index
    %get3A_2 = vector.load %arg1[%get3A, %get3A_0, %get3A_1] : memref<2x400x128xf32, #tpu.memory_space<vmem>>, vector<1x400x128xf32>
    %get3A_3 = vector.shape_cast %get3A_2 : vector<1x400x128xf32> to vector<400x128xf32>
    %get3A_4 = arith.constant 1 : index
    %get3A_5 = arith.constant 0 : index
    %get3A_6 = arith.constant 0 : index
    %get3A_7 = vector.load %arg1[%get3A_4, %get3A_5, %get3A_6] : memref<2x400x128xf32, #tpu.memory_space<vmem>>, vector<1x400x128xf32>
    %get3A_8 = vector.shape_cast %get3A_7 : vector<1x400x128xf32> to vector<400x128xf32>
    %add3A = arith.addf %get3A_3, %get3A_8 : vector<400x128xf32>
    %get3A_9 = arith.constant 0 : index
    %get3A_10 = arith.constant 0 : index
    %get3A_11 = arith.constant 0 : index
    %get3A_12 = vector.load %arg2[%get3A_9, %get3A_10, %get3A_11] : memref<2x400x128xf32, #tpu.memory_space<vmem>>, vector<1x400x128xf32>
    %get3A_13 = vector.shape_cast %get3A_12 : vector<1x400x128xf32> to vector<400x128xf32>
    %get3A_14 = arith.constant 1 : index
    %get3A_15 = arith.constant 0 : index
    %get3A_16 = arith.constant 0 : index
    %get3A_17 = vector.load %arg2[%get3A_14, %get3A_15, %get3A_16] : memref<2x400x128xf32, #tpu.memory_space<vmem>>, vector<1x400x128xf32>
    %get3A_18 = vector.shape_cast %get3A_17 : vector<1x400x128xf32> to vector<400x128xf32>
    %add3A_19 = arith.addf %get3A_13, %get3A_18 : vector<400x128xf32>
    %lt3A = arith.constant 24 : i32
    %lt3A_20 = arith.cmpi slt, %arg0, %lt3A : i32
    %select_n3A = arith.select %lt3A_20, %add3A, %add3A_19 : vector<400x128xf32>
    %get3A_21 = arith.constant 0 : index
    %get3A_22 = arith.constant 0 : index
    %get3A_23 = vector.load %arg3[%get3A_21, %get3A_22] : memref<400x128xf32, #tpu.memory_space<vmem>>, vector<400x128xf32>
    %add3A_24 = arith.addf %select_n3A, %get3A_23 : vector<400x128xf32>
    %max3A = arith.constant 0.000000e+00 : f32
    %max3A_25 = vector.broadcast %max3A : f32 to vector<400x128xf32>
    %max3A_26 = arith.maximumf %add3A_24, %max3A_25 : vector<400x128xf32>
    %get3A_27 = arith.constant 0 : index
    %get3A_28 = arith.constant 0 : index
    %get3A_29 = vector.load %arg5[%get3A_27, %get3A_28] : memref<128x128xf32, #tpu.memory_space<vmem>>, vector<128x128xf32>
    %dot_general3A = arith.constant dense<0.000000e+00> : vector<400x128xf32>
    %dot_general3A_30 = tpu.matmul %max3A_26, %get3A_29, %dot_general3A {dimension_numbers = #tpu.dot_dimension_numbers<[1], [0], [0], [1], [0, 0, 1, 1], [], []>, transpose_lhs_hint = false} : vector<400x128xf32>, vector<128x128xf32>, vector<400x128xf32> -> vector<400x128xf32>
    %get3A_31 = arith.constant 0 : index
    %get3A_32 = arith.constant 0 : index
    %get3A_33 = vector.load %arg6[%get3A_31, %get3A_32] : memref<1x128xf32, #tpu.memory_space<vmem>>, vector<1x128xf32>
    %add3A_34 = vector.broadcast %get3A_33 : vector<1x128xf32> to vector<400x128xf32>
    %add3A_35 = arith.addf %dot_general3A_30, %add3A_34 : vector<400x128xf32>
    %swap3A = arith.constant 0 : index
    %swap3A_36 = arith.constant 0 : index
    %swap3A_37 = vector.load %arg8[%swap3A, %swap3A_36] : memref<400x128xf32, #tpu.memory_space<vmem>>, vector<400x128xf32>
    tpu.vector_store %arg8[%swap3A, %swap3A_36], %add3A_35 {strides = array<i32>} : memref<400x128xf32, #tpu.memory_space<vmem>>, vector<400x128xf32>,
    %get3A_38 = arith.constant 0 : index
    %get3A_39 = arith.constant 0 : index
    %get3A_40 = arith.constant 0 : index
    %get3A_41 = vector.load %arg4[%get3A_38, %get3A_39, %get3A_40] : memref<8x128x128xf32, #tpu.memory_space<vmem>>, vector<1x128x128xf32>
    %get3A_42 = vector.shape_cast %get3A_41 : vector<1x128x128xf32> to vector<128x128xf32>
    %dot_general3A_43 = arith.constant dense<0.000000e+00> : vector<400x128xf32>
    %dot_general3A_44 = tpu.matmul %max3A_26, %get3A_42, %dot_general3A_43 {dimension_numbers = #tpu.dot_dimension_numbers<[1], [0], [0], [1], [0, 0, 1, 1], [], []>, transpose_lhs_hint = false} : vector<400x128xf32>, vector<128x128xf32>, vector<400x128xf32> -> vector<400x128xf32>
    %swap3A_45 = arith.constant 0 : index
    %swap3A_46 = arith.constant 0 : index
    %swap3A_47 = arith.constant 0 : index
    %swap3A_48 = vector.load %arg7[%swap3A_45, %swap3A_46, %swap3A_47] : memref<8x400x128xf32, #tpu.memory_space<vmem>>, vector<1x400x128xf32>
    %swap3A_49 = vector.shape_cast %swap3A_48 : vector<1x400x128xf32> to vector<400x128xf32>
    %swap3A_50 = vector.shape_cast %dot_general3A_44 : vector<400x128xf32> to vector<1x400x128xf32>
    tpu.vector_store %arg7[%swap3A_45, %swap3A_46, %swap3A_47], %swap3A_50 {strides = array<i32>} : memref<8x400x128xf32, #tpu.memory_space<vmem>>, vector<1x400x128xf32>,
    %get3A_51 = arith.constant 1 : index
    %get3A_52 = arith.constant 0 : index
    %get3A_53 = arith.constant 0 : index
    %get3A_54 = vector.load %arg4[%get3A_51, %get3A_52, %get3A_53] : memref<8x128x128xf32, #tpu.memory_space<vmem>>, vector<1x128x128xf32>
    %get3A_55 = vector.shape_cast %get3A_54 : vector<1x128x128xf32> to vector<128x128xf32>
    %dot_general3A_56 = arith.constant dense<0.000000e+00> : vector<400x128xf32>
    %dot_general3A_57 = tpu.matmul %max3A_26, %get3A_55, %dot_general3A_56 {dimension_numbers = #tpu.dot_dimension_numbers<[1], [0], [0], [1], [0, 0, 1, 1], [], []>, transpose_lhs_hint = false} : vector<400x128xf32>, vector<128x128xf32>, vector<400x128xf32> -> vector<400x128xf32>
    %swap3A_58 = arith.constant 1 : index
    %swap3A_59 = arith.constant 0 : index
    %swap3A_60 = arith.constant 0 : index
    %swap3A_61 = vector.load %arg7[%swap3A_58, %swap3A_59, %swap3A_60] : memref<8x400x128xf32, #tpu.memory_space<vmem>>, vector<1x400x128xf32>
    %swap3A_62 = vector.shape_cast %swap3A_61 : vector<1x400x128xf32> to vector<400x128xf32>
    %swap3A_63 = vector.shape_cast %dot_general3A_57 : vector<400x128xf32> to vector<1x400x128xf32>
    tpu.vector_store %arg7[%swap3A_58, %swap3A_59, %swap3A_60], %swap3A_63 {strides = array<i32>} : memref<8x400x128xf32, #tpu.memory_space<vmem>>, vector<1x400x128xf32>,
    %get3A_64 = arith.constant 2 : index
    %get3A_65 = arith.constant 0 : index
    %get3A_66 = arith.constant 0 : index
    %get3A_67 = vector.load %arg4[%get3A_64, %get3A_65, %get3A_66] : memref<8x128x128xf32, #tpu.memory_space<vmem>>, vector<1x128x128xf32>
    %get3A_68 = vector.shape_cast %get3A_67 : vector<1x128x128xf32> to vector<128x128xf32>
    %dot_general3A_69 = arith.constant dense<0.000000e+00> : vector<400x128xf32>
    %dot_general3A_70 = tpu.matmul %max3A_26, %get3A_68, %dot_general3A_69 {dimension_numbers = #tpu.dot_dimension_numbers<[1], [0], [0], [1], [0, 0, 1, 1], [], []>, transpose_lhs_hint = false} : vector<400x128xf32>, vector<128x128xf32>, vector<400x128xf32> -> vector<400x128xf32>
    %swap3A_71 = arith.constant 2 : index
    %swap3A_72 = arith.constant 0 : index
    %swap3A_73 = arith.constant 0 : index
    %swap3A_74 = vector.load %arg7[%swap3A_71, %swap3A_72, %swap3A_73] : memref<8x400x128xf32, #tpu.memory_space<vmem>>, vector<1x400x128xf32>
    %swap3A_75 = vector.shape_cast %swap3A_74 : vector<1x400x128xf32> to vector<400x128xf32>
    %swap3A_76 = vector.shape_cast %dot_general3A_70 : vector<400x128xf32> to vector<1x400x128xf32>
    tpu.vector_store %arg7[%swap3A_71, %swap3A_72, %swap3A_73], %swap3A_76 {strides = array<i32>} : memref<8x400x128xf32, #tpu.memory_space<vmem>>, vector<1x400x128xf32>,
    %get3A_77 = arith.constant 3 : index
    %get3A_78 = arith.constant 0 : index
    %get3A_79 = arith.constant 0 : index
    %get3A_80 = vector.load %arg4[%get3A_77, %get3A_78, %get3A_79] : memref<8x128x128xf32, #tpu.memory_space<vmem>>, vector<1x128x128xf32>
    %get3A_81 = vector.shape_cast %get3A_80 : vector<1x128x128xf32> to vector<128x128xf32>
    %dot_general3A_82 = arith.constant dense<0.000000e+00> : vector<400x128xf32>
    %dot_general3A_83 = tpu.matmul %max3A_26, %get3A_81, %dot_general3A_82 {dimension_numbers = #tpu.dot_dimension_numbers<[1], [0], [0], [1], [0, 0, 1, 1], [], []>, transpose_lhs_hint = false} : vector<400x128xf32>, vector<128x128xf32>, vector<400x128xf32> -> vector<400x128xf32>
    %swap3A_84 = arith.constant 3 : index
    %swap3A_85 = arith.constant 0 : index
    %swap3A_86 = arith.constant 0 : index
    %swap3A_87 = vector.load %arg7[%swap3A_84, %swap3A_85, %swap3A_86] : memref<8x400x128xf32, #tpu.memory_space<vmem>>, vector<1x400x128xf32>
    %swap3A_88 = vector.shape_cast %swap3A_87 : vector<1x400x128xf32> to vector<400x128xf32>
    %swap3A_89 = vector.shape_cast %dot_general3A_83 : vector<400x128xf32> to vector<1x400x128xf32>
    tpu.vector_store %arg7[%swap3A_84, %swap3A_85, %swap3A_86], %swap3A_89 {strides = array<i32>} : memref<8x400x128xf32, #tpu.memory_space<vmem>>, vector<1x400x128xf32>,
    %get3A_90 = arith.constant 4 : index
    %get3A_91 = arith.constant 0 : index
    %get3A_92 = arith.constant 0 : index
    %get3A_93 = vector.load %arg4[%get3A_90, %get3A_91, %get3A_92] : memref<8x128x128xf32, #tpu.memory_space<vmem>>, vector<1x128x128xf32>
    %get3A_94 = vector.shape_cast %get3A_93 : vector<1x128x128xf32> to vector<128x128xf32>
    %dot_general3A_95 = arith.constant dense<0.000000e+00> : vector<400x128xf32>
    %dot_general3A_96 = tpu.matmul %max3A_26, %get3A_94, %dot_general3A_95 {dimension_numbers = #tpu.dot_dimension_numbers<[1], [0], [0], [1], [0, 0, 1, 1], [], []>, transpose_lhs_hint = false} : vector<400x128xf32>, vector<128x128xf32>, vector<400x128xf32> -> vector<400x128xf32>
    %swap3A_97 = arith.constant 4 : index
    %swap3A_98 = arith.constant 0 : index
    %swap3A_99 = arith.constant 0 : index
    %swap3A_100 = vector.load %arg7[%swap3A_97, %swap3A_98, %swap3A_99] : memref<8x400x128xf32, #tpu.memory_space<vmem>>, vector<1x400x128xf32>
    %swap3A_101 = vector.shape_cast %swap3A_100 : vector<1x400x128xf32> to vector<400x128xf32>
    %swap3A_102 = vector.shape_cast %dot_general3A_96 : vector<400x128xf32> to vector<1x400x128xf32>
    tpu.vector_store %arg7[%swap3A_97, %swap3A_98, %swap3A_99], %swap3A_102 {strides = array<i32>} : memref<8x400x128xf32, #tpu.memory_space<vmem>>, vector<1x400x128xf32>,
    %get3A_103 = arith.constant 5 : index
    %get3A_104 = arith.constant 0 : index
    %get3A_105 = arith.constant 0 : index
    %get3A_106 = vector.load %arg4[%get3A_103, %get3A_104, %get3A_105] : memref<8x128x128xf32, #tpu.memory_space<vmem>>, vector<1x128x128xf32>
    %get3A_107 = vector.shape_cast %get3A_106 : vector<1x128x128xf32> to vector<128x128xf32>
    %dot_general3A_108 = arith.constant dense<0.000000e+00> : vector<400x128xf32>
    %dot_general3A_109 = tpu.matmul %max3A_26, %get3A_107, %dot_general3A_108 {dimension_numbers = #tpu.dot_dimension_numbers<[1], [0], [0], [1], [0, 0, 1, 1], [], []>, transpose_lhs_hint = false} : vector<400x128xf32>, vector<128x128xf32>, vector<400x128xf32> -> vector<400x128xf32>
    %swap3A_110 = arith.constant 5 : index
    %swap3A_111 = arith.constant 0 : index
    %swap3A_112 = arith.constant 0 : index
    %swap3A_113 = vector.load %arg7[%swap3A_110, %swap3A_111, %swap3A_112] : memref<8x400x128xf32, #tpu.memory_space<vmem>>, vector<1x400x128xf32>
    %swap3A_114 = vector.shape_cast %swap3A_113 : vector<1x400x128xf32> to vector<400x128xf32>
    %swap3A_115 = vector.shape_cast %dot_general3A_109 : vector<400x128xf32> to vector<1x400x128xf32>
    tpu.vector_store %arg7[%swap3A_110, %swap3A_111, %swap3A_112], %swap3A_115 {strides = array<i32>} : memref<8x400x128xf32, #tpu.memory_space<vmem>>, vector<1x400x128xf32>,
    %get3A_116 = arith.constant 6 : index
    %get3A_117 = arith.constant 0 : index
    %get3A_118 = arith.constant 0 : index
    %get3A_119 = vector.load %arg4[%get3A_116, %get3A_117, %get3A_118] : memref<8x128x128xf32, #tpu.memory_space<vmem>>, vector<1x128x128xf32>
    %get3A_120 = vector.shape_cast %get3A_119 : vector<1x128x128xf32> to vector<128x128xf32>
    %dot_general3A_121 = arith.constant dense<0.000000e+00> : vector<400x128xf32>
    %dot_general3A_122 = tpu.matmul %max3A_26, %get3A_120, %dot_general3A_121 {dimension_numbers = #tpu.dot_dimension_numbers<[1], [0], [0], [1], [0, 0, 1, 1], [], []>, transpose_lhs_hint = false} : vector<400x128xf32>, vector<128x128xf32>, vector<400x128xf32> -> vector<400x128xf32>
    %swap3A_123 = arith.constant 6 : index
    %swap3A_124 = arith.constant 0 : index
    %swap3A_125 = arith.constant 0 : index
    %swap3A_126 = vector.load %arg7[%swap3A_123, %swap3A_124, %swap3A_125] : memref<8x400x128xf32, #tpu.memory_space<vmem>>, vector<1x400x128xf32>
    %swap3A_127 = vector.shape_cast %swap3A_126 : vector<1x400x128xf32> to vector<400x128xf32>
    %swap3A_128 = vector.shape_cast %dot_general3A_122 : vector<400x128xf32> to vector<1x400x128xf32>
    tpu.vector_store %arg7[%swap3A_123, %swap3A_124, %swap3A_125], %swap3A_128 {strides = array<i32>} : memref<8x400x128xf32, #tpu.memory_space<vmem>>, vector<1x400x128xf32>,
    %get3A_129 = arith.constant 7 : index
    %get3A_130 = arith.constant 0 : index
    %get3A_131 = arith.constant 0 : index
    %get3A_132 = vector.load %arg4[%get3A_129, %get3A_130, %get3A_131] : memref<8x128x128xf32, #tpu.memory_space<vmem>>, vector<1x128x128xf32>
    %get3A_133 = vector.shape_cast %get3A_132 : vector<1x128x128xf32> to vector<128x128xf32>
    %dot_general3A_134 = arith.constant dense<0.000000e+00> : vector<400x128xf32>
    %dot_general3A_135 = tpu.matmul %max3A_26, %get3A_133, %dot_general3A_134 {dimension_numbers = #tpu.dot_dimension_numbers<[1], [0], [0], [1], [0, 0, 1, 1], [], []>, transpose_lhs_hint = false} : vector<400x128xf32>, vector<128x128xf32>, vector<400x128xf32> -> vector<400x128xf32>
    %swap3A_136 = arith.constant 7 : index
    %swap3A_137 = arith.constant 0 : index
    %swap3A_138 = arith.constant 0 : index
    %swap3A_139 = vector.load %arg7[%swap3A_136, %swap3A_137, %swap3A_138] : memref<8x400x128xf32, #tpu.memory_space<vmem>>, vector<1x400x128xf32>
    %swap3A_140 = vector.shape_cast %swap3A_139 : vector<1x400x128xf32> to vector<400x128xf32>
    %swap3A_141 = vector.shape_cast %dot_general3A_135 : vector<400x128xf32> to vector<1x400x128xf32>
    tpu.vector_store %arg7[%swap3A_136, %swap3A_137, %swap3A_138], %swap3A_141 {strides = array<i32>} : memref<8x400x128xf32, #tpu.memory_space<vmem>>, vector<1x400x128xf32>,
    return
  }
  func.func @transform_0(%arg0: i32) -> (i32, i32, i32) {
    %min3A = arith.constant 23 : i32
    %min3A_0 = arith.minsi %arg0, %min3A : i32
    %c0_i32 = arith.constant 0 : i32
    %c0_i32_1 = arith.constant 0 : i32
    %c0_i32_2 = arith.constant 0 : i32
    return %c0_i32, %min3A_0, %c0_i32_1 : i32, i32, i32
  }
  func.func @transform_1(%arg0: i32) -> (i32, i32, i32) {
    %c0_i32 = arith.constant 0 : i32
    %c0_i32_0 = arith.constant 0 : i32
    %c0_i32_1 = arith.constant 0 : i32
    %c0_i32_2 = arith.constant 0 : i32
    return %c0_i32, %c0_i32_0, %c0_i32_1 : i32, i32, i32
  }
  func.func @transform_2(%arg0: i32) -> (i32, i32) {
    %c0_i32 = arith.constant 0 : i32
    %c0_i32_0 = arith.constant 0 : i32
    return %arg0, %c0_i32 : i32, i32
  }
  func.func @transform_3(%arg0: i32) -> (i32, i32, i32) {
    %c0_i32 = arith.constant 0 : i32
    %c0_i32_0 = arith.constant 0 : i32
    %c0_i32_1 = arith.constant 0 : i32
    %c0_i32_2 = arith.constant 0 : i32
    return %c0_i32, %c0_i32_0, %c0_i32_1 : i32, i32, i32
  }
  func.func @transform_4(%arg0: i32) -> (i32, i32) {
    %c0_i32 = arith.constant 0 : i32
    %c0_i32_0 = arith.constant 0 : i32
    %c0_i32_1 = arith.constant 0 : i32
    return %c0_i32, %c0_i32_0 : i32, i32
  }
  func.func @transform_5(%arg0: i32) -> (i32, i32) {
    %c0_i32 = arith.constant 0 : i32
    %c0_i32_0 = arith.constant 0 : i32
    %c0_i32_1 = arith.constant 0 : i32
    return %c0_i32, %c0_i32_0 : i32, i32
  }
  func.func @transform_6(%arg0: i32) -> (i32, i32, i32) {
    %c0_i32 = arith.constant 0 : i32
    %c0_i32_0 = arith.constant 0 : i32
    %c0_i32_1 = arith.constant 0 : i32
    return %c0_i32, %arg0, %c0_i32_0 : i32, i32, i32
  }
  func.func @transform_7(%arg0: i32) -> (i32, i32) {
    %c0_i32 = arith.constant 0 : i32
    %c0_i32_0 = arith.constant 0 : i32
    return %arg0, %c0_i32 : i32, i32
  }
}

module attributes {stable_mosaic.version = 14 : i64} {
  func.func @_out_body(%arg0: i32, %arg1: memref<2x400x128xf32, #tpu.memory_space<vmem>>, %arg2: memref<2x400x128xf32, #tpu.memory_space<vmem>>, %arg3: memref<400x128xf32, #tpu.memory_space<vmem>>, %arg4: memref<128x128xf32, #tpu.memory_space<vmem>>, %arg5: memref<1x128xf32, #tpu.memory_space<vmem>>, %arg6: memref<400x128xf32, #tpu.memory_space<vmem>>) attributes {dimension_semantics = [#tpu.dimension_semantics<arbitrary>], iteration_bounds = array<i64: 25>, scalar_prefetch = 0 : i64, scratch_operands = 0 : i64, tpu.core_type = #tpu.core_type<tc>, window_params = [{transform_indices = @transform_0, window_bounds = array<i64: 2, 400, 128>}, {transform_indices = @transform_1, window_bounds = array<i64: 2, 400, 128>}, {transform_indices = @transform_2, window_bounds = array<i64: 400, 128>}, {pipeline_mode = #tpu.pipeline_mode<synchronous>, transform_indices = @transform_3, window_bounds = array<i64: 128, 128>}, {pipeline_mode = #tpu.pipeline_mode<synchronous>, transform_indices = @transform_4, window_bounds = array<i64: 1, 128>}, {transform_indices = @transform_5, window_bounds = array<i64: 400, 128>}]} {
    %get3A = arith.constant 0 : index
    %get3A_0 = arith.constant 0 : index
    %get3A_1 = arith.constant 0 : index
    %get3A_2 = vector.load %arg1[%get3A, %get3A_0, %get3A_1] : memref<2x400x128xf32, #tpu.memory_space<vmem>>, vector<1x400x128xf32>
    %get3A_3 = vector.shape_cast %get3A_2 : vector<1x400x128xf32> to vector<400x128xf32>
    %get3A_4 = arith.constant 1 : index
    %get3A_5 = arith.constant 0 : index
    %get3A_6 = arith.constant 0 : index
    %get3A_7 = vector.load %arg1[%get3A_4, %get3A_5, %get3A_6] : memref<2x400x128xf32, #tpu.memory_space<vmem>>, vector<1x400x128xf32>
    %get3A_8 = vector.shape_cast %get3A_7 : vector<1x400x128xf32> to vector<400x128xf32>
    %add3A = arith.addf %get3A_3, %get3A_8 : vector<400x128xf32>
    %get3A_9 = arith.constant 0 : index
    %get3A_10 = arith.constant 0 : index
    %get3A_11 = arith.constant 0 : index
    %get3A_12 = vector.load %arg2[%get3A_9, %get3A_10, %get3A_11] : memref<2x400x128xf32, #tpu.memory_space<vmem>>, vector<1x400x128xf32>
    %get3A_13 = vector.shape_cast %get3A_12 : vector<1x400x128xf32> to vector<400x128xf32>
    %get3A_14 = arith.constant 1 : index
    %get3A_15 = arith.constant 0 : index
    %get3A_16 = arith.constant 0 : index
    %get3A_17 = vector.load %arg2[%get3A_14, %get3A_15, %get3A_16] : memref<2x400x128xf32, #tpu.memory_space<vmem>>, vector<1x400x128xf32>
    %get3A_18 = vector.shape_cast %get3A_17 : vector<1x400x128xf32> to vector<400x128xf32>
    %add3A_19 = arith.addf %get3A_13, %get3A_18 : vector<400x128xf32>
    %lt3A = arith.constant 24 : i32
    %lt3A_20 = arith.cmpi slt, %arg0, %lt3A : i32
    %select_n3A = arith.select %lt3A_20, %add3A, %add3A_19 : vector<400x128xf32>
    %get3A_21 = arith.constant 0 : index
    %get3A_22 = arith.constant 0 : index
    %get3A_23 = vector.load %arg3[%get3A_21, %get3A_22] : memref<400x128xf32, #tpu.memory_space<vmem>>, vector<400x128xf32>
    %add3A_24 = arith.addf %select_n3A, %get3A_23 : vector<400x128xf32>
    %max3A = arith.constant 0.000000e+00 : f32
    %max3A_25 = vector.broadcast %max3A : f32 to vector<400x128xf32>
    %max3A_26 = arith.maximumf %add3A_24, %max3A_25 : vector<400x128xf32>
    %get3A_27 = arith.constant 0 : index
    %get3A_28 = arith.constant 0 : index
    %get3A_29 = vector.load %arg4[%get3A_27, %get3A_28] : memref<128x128xf32, #tpu.memory_space<vmem>>, vector<128x128xf32>
    %dot_general3A = arith.constant dense<0.000000e+00> : vector<400x128xf32>
    %dot_general3A_30 = tpu.matmul %max3A_26, %get3A_29, %dot_general3A {dimension_numbers = #tpu.dot_dimension_numbers<[1], [0], [0], [1], [0, 0, 1, 1], [], []>, transpose_lhs_hint = false} : vector<400x128xf32>, vector<128x128xf32>, vector<400x128xf32> -> vector<400x128xf32>
    %get3A_31 = arith.constant 0 : index
    %get3A_32 = arith.constant 0 : index
    %get3A_33 = vector.load %arg5[%get3A_31, %get3A_32] : memref<1x128xf32, #tpu.memory_space<vmem>>, vector<1x128xf32>
    %add3A_34 = vector.broadcast %get3A_33 : vector<1x128xf32> to vector<400x128xf32>
    %add3A_35 = arith.addf %dot_general3A_30, %add3A_34 : vector<400x128xf32>
    %max3A_36 = arith.constant 0.000000e+00 : f32
    %max3A_37 = vector.broadcast %max3A_36 : f32 to vector<400x128xf32>
    %max3A_38 = arith.maximumf %add3A_35, %max3A_37 : vector<400x128xf32>
    %swap3A = arith.constant 0 : index
    %swap3A_39 = arith.constant 0 : index
    %swap3A_40 = vector.load %arg6[%swap3A, %swap3A_39] : memref<400x128xf32, #tpu.memory_space<vmem>>, vector<400x128xf32>
    tpu.vector_store %arg6[%swap3A, %swap3A_39], %max3A_38 {strides = array<i32>} : memref<400x128xf32, #tpu.memory_space<vmem>>, vector<400x128xf32>,
    return
  }
  func.func @transform_0(%arg0: i32) -> (i32, i32, i32) {
    %min3A = arith.constant 23 : i32
    %min3A_0 = arith.minsi %arg0, %min3A : i32
    %c0_i32 = arith.constant 0 : i32
    %c0_i32_1 = arith.constant 0 : i32
    %c0_i32_2 = arith.constant 0 : i32
    return %c0_i32, %min3A_0, %c0_i32_1 : i32, i32, i32
  }
  func.func @transform_1(%arg0: i32) -> (i32, i32, i32) {
    %c0_i32 = arith.constant 0 : i32
    %c0_i32_0 = arith.constant 0 : i32
    %c0_i32_1 = arith.constant 0 : i32
    %c0_i32_2 = arith.constant 0 : i32
    return %c0_i32, %c0_i32_0, %c0_i32_1 : i32, i32, i32
  }
  func.func @transform_2(%arg0: i32) -> (i32, i32) {
    %c0_i32 = arith.constant 0 : i32
    %c0_i32_0 = arith.constant 0 : i32
    return %arg0, %c0_i32 : i32, i32
  }
  func.func @transform_3(%arg0: i32) -> (i32, i32) {
    %c0_i32 = arith.constant 0 : i32
    %c0_i32_0 = arith.constant 0 : i32
    %c0_i32_1 = arith.constant 0 : i32
    return %c0_i32, %c0_i32_0 : i32, i32
  }
  func.func @transform_4(%arg0: i32) -> (i32, i32) {
    %c0_i32 = arith.constant 0 : i32
    %c0_i32_0 = arith.constant 0 : i32
    %c0_i32_1 = arith.constant 0 : i32
    return %c0_i32, %c0_i32_0 : i32, i32
  }
  func.func @transform_5(%arg0: i32) -> (i32, i32) {
    %c0_i32 = arith.constant 0 : i32
    %c0_i32_0 = arith.constant 0 : i32
    return %arg0, %c0_i32 : i32, i32
  }
}

</mosaic_0001>

<sc_bundles>
// kernel: kernel.10.cloned.1.call-start
scs
__scs_entry_jumppad:
0x0: {  	(pc) =	sbr.rel $0x88, $3  }
0x1: {  	(tag) =	ssettag $0x0;
	lr =	simm.s32 $0x1  }
0x2: {  	[smem:$0x3F92] =	sst lr;
	_ =	strace $0xD0000000  }
0x3: {  	_ = 	snop  }
0x4: {  	_ = 	snop  }
0x5: {  	_ = 	snop  }
0x6: {  	_ = 	snop  }
0x7: {  	_ = 	snop  }
__scs_overlays_trampoline_lowered:
0x8: {  	[smem:$0x3FA1] =	sst s0  }
0x9: {  	[smem:$0x3FA2] =	sst s1  }
0xa: {  	[smem:$0x3FA3] =	sst s2  }
0xb: {  	[smem:$0x3FA4] =	sst s3  }
0xc: {  	[smem:$0x3FA5] =	sst s4  }
0xd: {  	[smem:$0x3FA6] =	sst s5  }
0xe: {  	[smem:$0x3FA7] =	sst s6  }
0xf: {  	[smem:$0x3FA8] =	sst s7  }
0x10: {  	[smem:$0x3FA9] =	sst s8  }
0x11: {  	[smem:$0x3FAA] =	sst s9;
	s0 =	simm.s32 @!p0 $0x0  }
0x12: {  	s1 =	sld [smem:$0x3F90];
	s0 =	simm.s32 @p0 $0x1  }
0x13: {  	[smem:$0x3FAB] =	sst s0;
	s0 =	simm.s32 @!p1 $0x0  }
0x14: {  	s2 =	sld [smem:$0x3F8F];
	s0 =	simm.s32 @p1 $0x1  }
0x15: {  	[smem:$0x3FAC] =	sst s0;
	s0 =	simm.s32 @!p2 $0x0  }
0x16: {  	s3 =	sld [smem:$0x3FDB];
	s0 =	simm.s32 @p2 $0x1  }
0x17: {  	s4 =	simm.s32 $0x1BF5;
	[smem:$0x3FAE] =	sst s0  }
0x18: {  	s0 =	sld [smem:$0x3F91];
	_ =	swait.ge [sflag:s4], $0x0  }
0x19: {  	s7 =	sld [smem:$0x3F92]  }
0x1a: {  	s8 =	sadd.s32 $0xFFFFE003, lr  }
0x1b: {  	s9 =	sadd.s32 $0xFFFFFEF7, lr;
	s5 =	simm.s32 $0xFFFFFFFF;
	p2 =	slt.u32 s8, $0xFFFFF086  }
0x1c: {  	p1 =	slt.u32 s9, $0xF7A;
	s5 =	simm.s32 @!p2 $0x0  }
0x1d: {  	s5 =	simm.s32 @p1 $0x1;
	p0 =	seq.s32 s7, s2  }
0x1e: {  	s7 =	smul.u32 @!p0 $0xF7A, s2;
	p2 =	seq.s32 @!p0 s5, $0x0  }
0x1f: {  	s9 =	smul.u32 $0xF7A, s1;
	s8 =	simm.s32 @!p0 $0x1BF5;
	p2 =	por !p2, p0  }
0x20: {  	[sflag:s8] =	ssyncset.s32 @!p0 $0xFFFFF086;
	s6 =	sadd.s32 @!p0 s3, s7;
	s7 =	simm.s32 @!p0 $0x108  }
0x21: {  	s3 =	sadd.s32 s3, s9;
	s6 =	sadd.s32 @!p0 $0x88, s6;
	s7 =	simm.s32 @p2 $0x1082  }
0x22: {  	[simem:s7], [sflag:s8] =	dma.local @!p0 [hbm:s6], $0xF7A  }
0x23: {  	s9 =	sor.u32 $0xD0000000, s2;
	s6 =	simm.s32 $0x108;
	_ =	swait.ge @!p0 [sflag:s8], $0x0  }
0x24: {  	s3 =	sadd.s32 $0x88, s3;
	s6 =	simm.s32 @!p1 $0x1082;
	[sflag:s4] =	ssyncset.s32 $0xFFFFF086  }
0x25: {  	[simem:s6], [sflag:s4] =	dma.local [hbm:s3], $0xF7A  }
0x26: {  	[smem:$0x3F92] =	sst s1;
	(tag) =	ssettag s2;
	_ =	strace s9  }
0x27: {  	s1 =	sld [smem:$0x3FA2]  }
0x28: {  	s2 =	sld [smem:$0x3FA3]  }
0x29: {  	s4 =	sld [smem:$0x3FA5]  }
0x2a: {  	p0 =	seq.s32 s5, $0x0;
	s5 =	sld [smem:$0x3FA6]  }
0x2b: {  	s6 =	sld [smem:$0x3FA7]  }
0x2c: {  	s7 =	sld [smem:$0x3FA8]  }
0x2d: {  	s3 =	simm.s32 $0x108;
	s8 =	sld [smem:$0x3FA9]  }
0x2e: {  	s3 =	simm.s32 @!p0 $0x1082;
	s9 =	sld [smem:$0x3FAA]  }
0x2f: {  	lr =	sadd.s32 s0, s3;
	s0 =	sld [smem:$0x3FA1]  }
0x30: {  	s3 =	sld [smem:$0x3FA4]  }
0x31: {  	[smem:$0x3FAD] =	sst s10  }
0x32: {  	s10 =	sld [smem:$0x3FAB];
	_ =	sdelay $0x3  }
0x33: {  	p0 =	seq.s32 s10, $0x1;
	s10 =	sld [smem:$0x3FAD];
	_ =	sdelay $0x3  }
0x34: {  	[smem:$0x3FAD] =	sst s10  }
0x35: {  	s10 =	sld [smem:$0x3FAC];
	_ =	sdelay $0x3  }
0x36: {  	p1 =	seq.s32 s10, $0x1;
	s10 =	sld [smem:$0x3FAD];
	_ =	sdelay $0x3  }
0x37: {  	[smem:$0x3FAD] =	sst s10  }
0x38: {  	s10 =	sld [smem:$0x3FAE]  }
0x39: {  	_ = 	snop;
	(pc) =	sbr.ind lr, $3  }
0x3a: {  	_ = 	snop  }
0x3b: {  	_ = 	snop  }
0x3c: {  	p2 =	seq.s32 s10, $0x1;
	s10 =	sld [smem:$0x3FAD]  }
0x3d: {  	_ =	shalt  }
0x3e: {  	_ =	shalt  }
0x3f: {  	_ =	shalt  }
0x40: {  	_ =	shalt  }
0x41: {  	_ =	shalt  }
0x42: {  	_ =	shalt  }
0x43: {  	_ =	shalt  }
0x44: {  	_ =	shalt  }
0x45: {  	_ =	shalt  }
0x46: {  	_ =	shalt  }
0x47: {  	_ =	shalt  }
0x48: {  	_ =	shalt  }
0x49: {  	_ =	shalt  }
0x4a: {  	_ =	shalt  }
0x4b: {  	_ =	shalt  }
0x4c: {  	_ =	shalt  }
0x4d: {  	_ =	shalt  }
0x4e: {  	_ =	shalt  }
0x4f: {  	_ =	shalt  }
0x50: {  	_ =	shalt  }
0x51: {  	_ =	shalt  }
0x52: {  	_ =	shalt  }
0x53: {  	_ =	shalt  }
0x54: {  	_ =	shalt  }
0x55: {  	_ =	shalt  }
0x56: {  	_ =	shalt  }
0x57: {  	_ =	shalt  }
0x58: {  	_ =	shalt  }
0x59: {  	_ =	shalt  }
0x5a: {  	_ =	shalt  }
0x5b: {  	_ =	shalt  }
0x5c: {  	_ =	shalt  }
0x5d: {  	_ =	shalt  }
0x5e: {  	_ =	shalt  }
0x5f: {  	_ =	shalt  }
0x60: {  	_ =	shalt  }
0x61: {  	_ =	shalt  }
0x62: {  	_ =	shalt  }
0x63: {  	_ =	shalt  }
0x64: {  	_ =	shalt  }
0x65: {  	_ =	shalt  }
0x66: {  	_ =	shalt  }
0x67: {  	_ =	shalt  }
0x68: {  	_ =	shalt  }
0x69: {  	_ =	shalt  }
0x6a: {  	_ =	shalt  }
0x6b: {  	_ =	shalt  }
0x6c: {  	_ =	shalt  }
0x6d: {  	_ =	shalt  }
0x6e: {  	_ =	shalt  }
0x6f: {  	_ =	shalt  }
0x70: {  	_ =	shalt  }
0x71: {  	_ =	shalt  }
0x72: {  	_ =	shalt  }
0x73: {  	_ =	shalt  }
0x74: {  	_ =	shalt  }
0x75: {  	_ =	shalt  }
0x76: {  	_ =	shalt  }
0x77: {  	_ =	shalt  }
0x78: {  	_ =	shalt  }
0x79: {  	_ =	shalt  }
0x7a: {  	_ =	shalt  }
0x7b: {  	_ =	shalt  }
0x7c: {  	_ =	shalt  }
0x7d: {  	_ =	shalt  }
0x7e: {  	_ =	shalt  }
0x7f: {  	_ =	shalt  }
0x80: {  	_ =	shalt  }
0x81: {  	_ =	shalt  }
0x82: {  	_ =	shalt  }
0x83: {  	_ =	shalt  }
0x84: {  	_ =	shalt  }
0x85: {  	_ =	shalt  }
0x86: {  	_ =	shalt  }
0x87: {  	_ =	shalt  }
.Lfunc_end0:
.L_simem_size_0:
called_computation_lowered:
.L_overlay_start_0:
0x88: {  	s2 =	sld [smem:$0x3FD9]  }
0x89: {  	s3 =	sld [smem:$0x3FFE];
	_ =	sdelay $0x1  }
0x8a: {  	s1 =	srdreg.scid  }
0x8b: {  	s0 =	sand.u32 $0x1, s1  }
0x8c: {  	s17 =	sshll.u32 s0, $0xA;
	s2 =	sadd.s32 s3, s2  }
0x8d: {  	s2 =	sadd.s32 s2, s17  }
0x8e: {  	[smem:$0x3FB9] =	sst s2  }
0x8f: {  	_ = 	snop  }
0x90: {  	s18 =	sld [smem:$0x3FD0];
	(tm) =	ssettm $0x1  }
0x91: {  	s19 =	sld [smem:$0x3FFB];
	_ =	sdelay $0x3  }
0x92: {  	_ =	strace s19  }
0x93: {  	s2 =	sld [smem:$0x3FFC];
	_ =	sdelay $0x3  }
0x94: {  	_ =	strace s2  }
0x95: {  	s2 =	sld [smem:$0x3FFD];
	_ =	sdelay $0x3  }
0x96: {  	_ =	strace s2  }
0x97: {  	_ =	strace $0x8FFFFFFF  }
0x98: {  	s20 =	sld [smem:$0x3FDB];
	_ =	sdelay $0x1  }
0x99: {  	s4 =	simm.s32 $_scs_section_size  }
0x9a: {  	s5 =	simm.s32 $_size__tile_overlayer_lowered;
	s6 =	simm.s32 $_tile_overlayer_lowered  }
0x9b: {  	s7 =	simm.s32 $0x1BFF;
	s21 =	sshll.u32 s6, $0x1;
	s4 =	sadd.s32 s4, s20  }
0x9c: {  	s22 =	simm.s32 $0x0;
	s5 =	sshll.u32 s5, $0x1;
	s6 =	sadd.s32 s21, s4  }
0x9d: {  	[timem:s22], [sflag:s7] =	dma.local [hbm:s6], s5  }
0x9e: {  	_ =	swait.ge [sflag:s7], s5  }
0x9f: {  	s5 =	ssub.s32 $0x0, s5;
	[sflag:s7] =	ssyncset.done $0x0  }
0xa0: {  	[sflag:s7] =	ssyncadd.s32 s5;
	_ =	sdelay $0x1  }
0xa1: {  	s23 =	simm.s32 $0x1B8B  }
0xa2: {  	_ =	swait.ge [sflag:s23], $0x1  }
0xa3: {  	[sflag:s23] =	ssyncset.done $0x0  }
0xa4: {  	[sflag:s23] =	ssyncadd.s32 $0xFFFFFFFF  }
0xa5: {  	s5 =	sld [smem:$0x0]  }
0xa6: {  	s6 =	sand.u32 $0xFFFFFFFE, s1  }
0xa7: {  	p0 =	sne.s32 s1, s6  }
0xa8: {  	s6 =	sshll.u32 @p0 s6, $0xE  }
0xa9: {  	s6 =	sadd.s32 @p0 $0x11B8D, s6;
	s7 =	sshll.u32 @p0 s5, $0x11  }
0xaa: {  	s6 =	sor.u32 @p0 s7, s6  }
0xab: {  	[sflag:s6] =	ssyncadd.remote.s32 @p0 $0x1;
	_ =	sdelay $0x1  }
0xac: {  	s6 =	simm.s32 @p0 $0x1B8D  }
0xad: {  	_ =	swait.eq @p0 [sflag:s6], $0x1  }
0xae: {  	[sflag:s6] =	ssyncadd.s32 @p0 $0xFFFFFFFF  }
0xaf: {  	s7 =	sshll.u32 @!p0 s1, $0xE  }
0xb0: {  	s7 =	sor.u32 @!p0 $0x4000, s7;
	s6 =	simm.s32 @!p0 $0x1B8D  }
0xb1: {  	s5 =	sshll.u32 @!p0 s5, $0x11;
	s7 =	sadd.s32 @!p0 $0x11B8D, s7;
	_ =	swait.eq @!p0 [sflag:s6], $0x1  }
0xb2: {  	s5 =	sor.u32 @!p0 s5, s7;
	[sflag:s6] =	ssyncadd.s32 @!p0 $0xFFFFFFFF  }
0xb3: {  	s25 =	simm.s32 $0x1B8E;
	s24 =	sld [smem:$0x3FFE];
	[sflag:s5] =	ssyncadd.remote.s32 @!p0 $0x1  }
0xb4: {  	s26 =	simm.s32 $execute0_lowered;
	[smem:$0x3FD2] =	sst s25  }
0xb5: {  	s6 =	sshll.u32 s26, $0x1;
	_ =	strace $0x80000049;
	[dreg:$0x1] =	wrdreg $0xFFFFFFFF  }
0xb6: {  	s28 =	simm.s32 $_size_execute0_lowered;
	s4 =	sadd.s32 s4, s6;
	[dreg:$0x0] =	wrdreg $0x0  }
0xb7: {  	s6 =	sshll.u32 s28, $0x1;
	[dreg:$0x2] =	wrdreg s4  }
0xb8: {  	[dreg:$0x3] =	wrdreg s6  }
0xb9: {  	[dreg:$0x4] =	wrdreg $0xC0  }
0xba: {  	_ =	task [dreg:s22], $0x5FFFF  }
0xbb: {  	[dreg:$0x1] =	wrdreg $0xFFFFFFFF  }
0xbc: {  	[dreg:$0x0] =	wrdreg $0x60  }
0xbd: {  	[dreg:$0x2] =	wrdreg s24  }
0xbe: {  	[dreg:$0x3] =	wrdreg s18  }
0xbf: {  	[dreg:$0x4] =	wrdreg $0xD0000  }
0xc0: {  	[dreg:$0x5] =	wrdreg $0x9  }
0xc1: {  	_ =	task.clear_ibuf [dreg:s22], $0x6FFFF;
	_ =	strace $0x90000049  }
0xc2: {  	s29 =	simm.s32 $0x9;
	_ =	strace $0x8000004B  }
0xc3: {  	_ =	swait.ge [sflag:s29], $0x1  }
0xc4: {  	[sflag:s29] =	ssyncadd.s32 $0xFFFFFFFF  }
0xc5: {  	_ =	strace $0x9000004B  }
0xc6: {  	_ =	sfence  }
0xc7: {  	s30 =	sld [smem:$0x0];
	_ =	sdelay $0x2  }
0xc8: {  	s31 =	sshll.u32 s1, $0xD;
	s1 =	sshrl.u32 s1, $0x2  }
0xc9: {  	s4 =	sand.u32 $0x4000, s31;
	s1 =	sadd.s32 s1, s30  }
0xca: {  	s0 =	sor.u32 s4, s0;
	s1 =	sshll.u32 s1, $0x11  }
0xcb: {  	s0 =	sor.u32 s1, s0  }
0xcc: {  	s0 =	sadd.s32 $0x8F2B, s0  }
0xcd: {  	[sflag:s0] =	ssyncadd.remote.s32 $0x1  }
0xce: {  	_ =	sfence.sel $0xFFFF  }
0xcf: {  	[dreg:$0x0] =	wrdreg $0xFFFFFFFF;
	(pc) =	sbr.abs _section_cstart, $3  }
0xd0: {  	[dreg:$0x1] =	wrdreg $0xFFFFFFFF  }
0xd1: {  	_ =	task.clear_ibuf [dreg:s22], $0x2FFFF;
	_ =	strace $0x9FFFFFFF  }
0xd2: {  	(tm) =	ssettm $0x7FFFFFFF  }
0xd3: {  	_ =	shalt  }
tec
execute0_lowered:
.L_overlay_start_1:
0x0: {  	(tag) =	ssettag $0x1  }
0x1: {  	s6 =	rddreg [dreg:$0x0]  }
0x2: {  	s0 =	srdreg.scid;
	s7 =	rddreg [dreg:$0x1]  }
0x3: {  	s2 =	rddreg [dreg:$0x2];
	s1 =	stileid.u32;
	s3 =	simm.s32 $0x0  }
0x4: {  	s20 =	simm.s32 $0x9000;
	s21 =	simm.s32 $0x2;
	s22 =	simm.s32 $0x2780  }
0x5: {  	s23 =	simm.s32 $0x4F00;
	s5 =	sand.u32 $0x1, s0;
	s0 =	rddreg [dreg:$0x3]  }
0x6: {  	s26 =	simm.s32 $0x0;
	[smem:$0x7FF] =	sst s3;
	s12 =	smul.u32 $0x4C000, s1  }
0x7: {  	p0 =	seq.s32 s1, $0xF;
	s17 =	sadd.s32 $0x125000, s2;
	s18 =	sadd.s32 $0x129000, s2  }
0x8: {  	s19 =	sadd.s32 $0x12D000, s2;
	s25 =	smul.u32 $0x2600, s1;
	s31 =	sshll.u32 s1, $0x6  }
0x9: {  	s4 =	sshll.u32 s5, $0x4;
	_ =	strace $0x8000004A;
	s9 =	smul.u32 $0x26000, s5  }
0xa: {  	s11 =	ssub.s32 $0x2, s5;
	s5 =	sadd.s32 $0x145600, s6;
	s4 =	sor.u32 s1, s4  }
0xb: {  	s29 =	sshrl.u32 s11, $0x1;
	s30 =	sshrl.u32 s12, $0x2;
	s8 =	smul.u32 $0x500, s4  }
0xc: {  	s4 =	sadd.s32 $0xCE00, s6;
	s9 =	sadd.s32 s9, s6;
	s12 =	sadd.s32 s30, s2  }
0xd: {  	s11 =	ssub.s32 s11, s29;
	s13 =	sadd.s32 $0x4000, s12;
	s14 =	sadd.s32 $0x8000, s12  }
0xe: {  	s15 =	sadd.s32 $0xC000, s12;
	s16 =	sadd.s32 $0x10000, s12;
	s24 =	sadd.s32 $0x19BE00, s9  }
0xf: {  	s9 =	simm.s32 $0x3;
	s10 =	sadd.s32 s8, s6;
	s6 =	sadd.s32 s7, s8  }
0x10: {  	s8 =	sadd.s32 $0x11D000, s2;
	s14 =	smov.u32 @p0 s17;
	s15 =	smov.u32 @p0 s18  }
0x11: {  	s16 =	smov.u32 @p0 s19;
	s17 =	simm.s32 $0x7D;
	s18 =	simm.s32 $0x5000  }
0x12: {  	s19 =	simm.s32 $0x1;
	s24 =	sadd.s32 s25, s24;
	s25 =	simm.s32 $0x4F80  }
0x13: {  	s7 =	sadd.s32 $0x191E00, s10;
	s10 =	sadd.s32 $0x121000, s2;
	s12 =	smov.u32 @p0 s8  }
0x14: {  	s8 =	smax.u32 s11, $0x1;
	s11 =	sor.u32 $0x1C03, s31;
	s14 =	sshrl.u32 s14, $0x3  }
0x15: {  	s15 =	sshrl.u32 s15, $0x3;
	s16 =	sshrl.u32 s16, $0x3;
	s13 =	smov.u32 @p0 s10  }
0x16: {  	s10 =	simm.s32 $0x2800;
	s12 =	sshrl.u32 s12, $0x3;
	s13 =	sshrl.u32 s13, $0x3  }
.LBB2_1:
0x17: {  	[tilespmem:s3], [sflag:$0x3] =	stream.linear.gather [hbm4b:s6+s3], $0x2800, $0x38;
	v63 =	vld [tilespmem:$0x0]  }
0x18: {  	_ =	swait.ge [sflag:s9], $0x2800  }
0x19: {  	[sflag:s9] =	ssyncset.done $0x0  }
0x1a: {  	[sflag:s9] =	ssyncadd.s32 $0xFFFFD800  }
0x1b: {  	[tilespmem:s10], [sflag:$0x3] =	stream.linear.gather [hbm4b:s7+s3], $0x2800, $0x38;
	v63 =	vld [tilespmem:$0x0]  }
0x1c: {  	_ =	swait.ge [sflag:s9], $0x2800  }
0x1d: {  	[sflag:s9] =	ssyncset.done $0x0  }
0x1e: {  	[sflag:s9] =	ssyncadd.s32 $0xFFFFD800  }
0x1f: {  	[spmem:s12], [sflag:s11] =	dma.local [hbm:s5], $0x800  }
0x20: {  	_ =	swait.ge [sflag:s9], $0x800  }
0x21: {  	[sflag:s9] =	ssyncset.done $0x0  }
0x22: {  	[sflag:s9] =	ssyncadd.s32 $0xFFFFF800  }
0x23: {  	[spmem:s13], [sflag:s11] =	dma.local [hbm:s5], $0x800  }
0x24: {  	_ =	swait.ge [sflag:s9], $0x800  }
0x25: {  	[sflag:s9] =	ssyncset.done $0x0  }
0x26: {  	[sflag:s9] =	ssyncadd.s32 $0xFFFFF800  }
0x27: {  	[spmem:s14], [sflag:s11] =	dma.local [hbm:s5], $0x800  }
0x28: {  	_ =	swait.ge [sflag:s9], $0x800  }
0x29: {  	[sflag:s9] =	ssyncset.done $0x0  }
0x2a: {  	[sflag:s9] =	ssyncadd.s32 $0xFFFFF800  }
0x2b: {  	[spmem:s15], [sflag:s11] =	dma.local [hbm:s5], $0x800  }
0x2c: {  	_ =	swait.ge [sflag:s9], $0x800  }
0x2d: {  	[sflag:s9] =	ssyncset.done $0x0  }
0x2e: {  	[sflag:s9] =	ssyncadd.s32 $0xFFFFF800  }
0x2f: {  	[spmem:s16], [sflag:s11] =	dma.local [hbm:s5], $0x600  }
0x30: {  	_ =	swait.ge [sflag:s9], $0x600  }
0x31: {  	[sflag:s9] =	ssyncset.done $0x0  }
0x32: {  	[sflag:s9] =	ssyncadd.s32 $0xFFFFFA00  }
0x33: {  	[bflag:$0x0] =	sbarrier.arrive $0xFFFF  }
0x34: {  	[tilespmem:s18], [sflag:$0x1] =	stream.indirect.gather [hbm4b:s4+s17], $0x80, s3, s17, $0xb8;
	v63 =	vld [tilespmem:$0x0]  }
0x35: {  	_ =	swait.ge [sflag:s19], $0x3E80  }
0x36: {  	[sflag:s19] =	ssyncset.done $0x0  }
0x37: {  	s28 =	simm.s32 $0x80;
	[sflag:s19] =	ssyncadd.s32 $0xFFFFC180  }
0x38: {  	[tilespmem:s20], [sflag:$0x2] =	stream.indirect.gather [hbm4b:s4+s17], $0x80, s28, s17, $0xb8;
	v63 =	vld [tilespmem:$0x0]  }
0x39: {  	s28 =	simm.s32 $0x2800  }
0x3a: {  	[spmem:s2] =	stream.indirect.scatter.add.f32 [tilespmem:s18], [sflag:$0x3], $0x80, s28, s17, $0xb8;
	v63 =	vld [tilespmem:$0x0]  }
0x3b: {  	_ =	swait.ge [sflag:s9], $0x3E80  }
0x3c: {  	[sflag:s9] =	ssyncset.done $0x0  }
0x3d: {  	[sflag:s9] =	ssyncadd.s32 $0xFFFFC180  }
0x3e: {  	_ =	swait.ge [sflag:s21], $0x3E80  }
0x3f: {  	[sflag:s21] =	ssyncset.done $0x0  }
0x40: {  	s28 =	simm.s32 $0x100;
	[sflag:s21] =	ssyncadd.s32 $0xFFFFC180  }
0x41: {  	[tilespmem:s18], [sflag:$0x1] =	stream.indirect.gather [hbm4b:s4+s17], $0x80, s28, s17, $0xb8;
	v63 =	vld [tilespmem:$0x0]  }
0x42: {  	s28 =	simm.s32 $0x2880  }
0x43: {  	[spmem:s2] =	stream.indirect.scatter.add.f32 [tilespmem:s20], [sflag:$0x3], $0x80, s28, s17, $0xb8;
	v63 =	vld [tilespmem:$0x0]  }
0x44: {  	_ =	swait.ge [sflag:s9], $0x3E80  }
0x45: {  	s28 =	simm.s32 $0x400;
	[sflag:s9] =	ssyncset.done $0x0  }
.LBB2_2:
0x46: {  	p0 =	sne.s32 s28, $0x9800  }
0x47: {  	[sflag:s9] =	ssyncadd.s32 $0xFFFFC180;
	s29 =	smov.u32 s28;
	s28 =	sadd.s32 $0x400, s28  }
0x48: {  	_ = 	snop  }
0x49: {  	_ =	swait.ge [sflag:s19], $0x3E80  }
0x4a: {  	s29 =	sshra.s32 s29, $0x2;
	[sflag:s19] =	ssyncset.done $0x0  }
0x4b: {  	s30 =	sadd.s32 $0x80, s29;
	[sflag:s19] =	ssyncadd.s32 $0xFFFFC180  }
0x4c: {  	[tilespmem:s20], [sflag:$0x2] =	stream.indirect.gather [hbm4b:s4+s17], $0x80, s30, s17, $0xb8;
	v63 =	vld [tilespmem:$0x0]  }
0x4d: {  	s30 =	sadd.s32 $0x2800, s29  }
0x4e: {  	[spmem:s2] =	stream.indirect.scatter.add.f32 [tilespmem:s18], [sflag:$0x3], $0x80, s30, s17, $0xb8;
	v63 =	vld [tilespmem:$0x0]  }
0x4f: {  	_ =	swait.ge [sflag:s9], $0x3E80  }
0x50: {  	[sflag:s9] =	ssyncset.done $0x0  }
0x51: {  	[sflag:s9] =	ssyncadd.s32 $0xFFFFC180  }
0x52: {  	_ =	swait.ge [sflag:s21], $0x3E80  }
0x53: {  	[sflag:s21] =	ssyncset.done $0x0  }
0x54: {  	s30 =	sadd.s32 $0x100, s29;
	[sflag:s21] =	ssyncadd.s32 $0xFFFFC180  }
0x55: {  	[tilespmem:s18], [sflag:$0x1] =	stream.indirect.gather [hbm4b:s4+s17], $0x80, s30, s17, $0xb8;
	v63 =	vld [tilespmem:$0x0]  }
.Ltmp0:
0x56: {  	_ = 	snop;
	(pc) =	sbr.rel @p0 .LBB2_2-.Ltmp0, $4  }
0x57: {  	s29 =	sadd.s32 $0x2880, s29  }
0x58: {  	[spmem:s2] =	stream.indirect.scatter.add.f32 [tilespmem:s20], [sflag:$0x3], $0x80, s29, s17, $0xb8;
	v63 =	vld [tilespmem:$0x0]  }
0x59: {  	_ =	swait.ge [sflag:s9], $0x3E80  }
0x5a: {  	[sflag:s9] =	ssyncset.done $0x0  }
0x5b: {  	[sflag:s9] =	ssyncadd.s32 $0xFFFFC180  }
0x5c: {  	_ =	swait.ge [sflag:s19], $0x3E80  }
0x5d: {  	[sflag:s19] =	ssyncset.done $0x0  }
0x5e: {  	[sflag:s19] =	ssyncadd.s32 $0xFFFFC180  }
0x5f: {  	[tilespmem:s20], [sflag:$0x2] =	stream.indirect.gather [hbm4b:s4+s17], $0x80, s22, s17, $0xb8;
	v63 =	vld [tilespmem:$0x0]  }
0x60: {  	_ = 	snop  }
0x61: {  	[spmem:s2] =	stream.indirect.scatter.add.f32 [tilespmem:s18], [sflag:$0x3], $0x80, s23, s17, $0xb8;
	v63 =	vld [tilespmem:$0x0]  }
0x62: {  	_ =	swait.ge [sflag:s9], $0x3E80  }
0x63: {  	[sflag:s9] =	ssyncset.done $0x0  }
0x64: {  	[sflag:s9] =	ssyncadd.s32 $0xFFFFC180  }
0x65: {  	_ =	swait.ge [sflag:s21], $0x3E80  }
0x66: {  	[sflag:s21] =	ssyncset.done $0x0  }
0x67: {  	[sflag:s21] =	ssyncadd.s32 $0xFFFFC180  }
0x68: {  	[spmem:s2] =	stream.indirect.scatter.add.f32 [tilespmem:s20], [sflag:$0x3], $0x80, s25, s17, $0xb8;
	v63 =	vld [tilespmem:$0x0]  }
0x69: {  	_ =	swait.ge [sflag:s9], $0x3E80  }
0x6a: {  	s26 =	sadd.s32 $0x1, s26;
	[sflag:s9] =	ssyncset.done $0x0  }
0x6b: {  	p0 =	sne.s32 s26, s8;
	[sflag:s9] =	ssyncadd.s32 $0xFFFFC180  }
.Ltmp1:
0x6c: {  	[bflag:$0x0] =	sbarrier.arrive $0xFFFF;
	(pc) =	sbr.rel @p0 .LBB2_1-.Ltmp1, $4  }
0x6d: {  	[hbm:s24], [sflag:s11] =	dma.local [spmem:s12], $0x2600  }
0x6e: {  	_ =	swait.ge [sflag:s9], $0x2600  }
0x6f: {  	[sflag:s9] =	ssyncset.done $0x0  }
0x70: {  	[sflag:s9] =	ssyncadd.s32 $0xFFFFDA00  }
0x71: {  	_ =	sfence.sel $0x180000  }
0x72: {  	[bflag:$0x0] =	sbarrier.arrive $0xFFFF  }
0x73: {  	p0 =	sne.s32 s1, $0x0;
	_ =	strace $0x9000004A  }
0x74: {  	s0 =	sadd.s32 @!p0 $0x100000, s0;
	[bflag:$0x2] =	sbarrier.arrive $0xFFFF  }
0x75: {  	[sflag:s0] =	ssyncadd.tile.s32 @!p0 $0x1;
	_ =	shalt  }
.Lfunc_end2:
_tile_overlayer_lowered:
.L_overlay_start_2:
0x76: {  	(tag) =	ssettag $0x2  }
0x77: {  	s0 =	rddreg [dreg:$0x0];
	s2 =	stileid.u32  }
0x78: {  	s1 =	rddreg [dreg:$0x1];
	p0 =	sne.s32 s2, $0x0  }
0x79: {  	s3 =	rddreg [dreg:$0x2];
	[bflag:$0x3] =	sbarrier.arrive $0xFFFF;
	s2 =	simm.s32 @!p0 $0x1C03  }
0x7a: {  	[timem:s3], [sflag:s2] =	dma.local @!p0 [hbm:s0], s1  }
0x7b: {  	s0 =	simm.s32 @!p0 $0x3  }
0x7c: {  	_ =	swait.ge @!p0 [sflag:s0], s1  }
0x7d: {  	s1 =	ssub.s32 @!p0 $0x0, s1;
	[sflag:s0] =	ssyncset.done @!p0 $0x0  }
0x7e: {  	[sflag:s0] =	ssyncadd.s32 @!p0 s1  }
0x7f: {  	[bflag:$0x3] =	sbarrier.arrive $0xFFFF  }
0x80: {  	_ =	shalt  }

// kernel: kernel.13.cloned.1.call-start
scs
__scs_entry_jumppad:
0x0: {  	(pc) =	sbr.rel $0x88, $3  }
0x1: {  	(tag) =	ssettag $0x0;
	lr =	simm.s32 $0x1  }
0x2: {  	[smem:$0x3F92] =	sst lr;
	_ =	strace $0xD0000000  }
0x3: {  	_ = 	snop  }
0x4: {  	_ = 	snop  }
0x5: {  	_ = 	snop  }
0x6: {  	_ = 	snop  }
0x7: {  	_ = 	snop  }
__scs_overlays_trampoline_lowered:
0x8: {  	[smem:$0x3FA1] =	sst s0  }
0x9: {  	[smem:$0x3FA2] =	sst s1  }
0xa: {  	[smem:$0x3FA3] =	sst s2  }
0xb: {  	[smem:$0x3FA4] =	sst s3  }
0xc: {  	[smem:$0x3FA5] =	sst s4  }
0xd: {  	[smem:$0x3FA6] =	sst s5  }
0xe: {  	[smem:$0x3FA7] =	sst s6  }
0xf: {  	[smem:$0x3FA8] =	sst s7  }
0x10: {  	[smem:$0x3FA9] =	sst s8  }
0x11: {  	[smem:$0x3FAA] =	sst s9;
	s0 =	simm.s32 @!p0 $0x0  }
0x12: {  	s1 =	sld [smem:$0x3F90];
	s0 =	simm.s32 @p0 $0x1  }
0x13: {  	[smem:$0x3FAB] =	sst s0;
	s0 =	simm.s32 @!p1 $0x0  }
0x14: {  	s2 =	sld [smem:$0x3F8F];
	s0 =	simm.s32 @p1 $0x1  }
0x15: {  	[smem:$0x3FAC] =	sst s0;
	s0 =	simm.s32 @!p2 $0x0  }
0x16: {  	s3 =	sld [smem:$0x3FDB];
	s0 =	simm.s32 @p2 $0x1  }
0x17: {  	s4 =	simm.s32 $0x1BF5;
	[smem:$0x3FAE] =	sst s0  }
0x18: {  	s0 =	sld [smem:$0x3F91];
	_ =	swait.ge [sflag:s4], $0x0  }
0x19: {  	s7 =	sld [smem:$0x3F92]  }
0x1a: {  	s8 =	sadd.s32 $0xFFFFE003, lr  }
0x1b: {  	s9 =	sadd.s32 $0xFFFFFEF7, lr;
	s5 =	simm.s32 $0xFFFFFFFF;
	p2 =	slt.u32 s8, $0xFFFFF086  }
0x1c: {  	p1 =	slt.u32 s9, $0xF7A;
	s5 =	simm.s32 @!p2 $0x0  }
0x1d: {  	s5 =	simm.s32 @p1 $0x1;
	p0 =	seq.s32 s7, s2  }
0x1e: {  	s7 =	smul.u32 @!p0 $0xF7A, s2;
	p2 =	seq.s32 @!p0 s5, $0x0  }
0x1f: {  	s9 =	smul.u32 $0xF7A, s1;
	s8 =	simm.s32 @!p0 $0x1BF5;
	p2 =	por !p2, p0  }
0x20: {  	[sflag:s8] =	ssyncset.s32 @!p0 $0xFFFFF086;
	s6 =	sadd.s32 @!p0 s3, s7;
	s7 =	simm.s32 @!p0 $0x108  }
0x21: {  	s3 =	sadd.s32 s3, s9;
	s6 =	sadd.s32 @!p0 $0x88, s6;
	s7 =	simm.s32 @p2 $0x1082  }
0x22: {  	[simem:s7], [sflag:s8] =	dma.local @!p0 [hbm:s6], $0xF7A  }
0x23: {  	s9 =	sor.u32 $0xD0000000, s2;
	s6 =	simm.s32 $0x108;
	_ =	swait.ge @!p0 [sflag:s8], $0x0  }
0x24: {  	s3 =	sadd.s32 $0x88, s3;
	s6 =	simm.s32 @!p1 $0x1082;
	[sflag:s4] =	ssyncset.s32 $0xFFFFF086  }
0x25: {  	[simem:s6], [sflag:s4] =	dma.local [hbm:s3], $0xF7A  }
0x26: {  	[smem:$0x3F92] =	sst s1;
	(tag) =	ssettag s2;
	_ =	strace s9  }
0x27: {  	s1 =	sld [smem:$0x3FA2]  }
0x28: {  	s2 =	sld [smem:$0x3FA3]  }
0x29: {  	s4 =	sld [smem:$0x3FA5]  }
0x2a: {  	p0 =	seq.s32 s5, $0x0;
	s5 =	sld [smem:$0x3FA6]  }
0x2b: {  	s6 =	sld [smem:$0x3FA7]  }
0x2c: {  	s7 =	sld [smem:$0x3FA8]  }
0x2d: {  	s3 =	simm.s32 $0x108;
	s8 =	sld [smem:$0x3FA9]  }
0x2e: {  	s3 =	simm.s32 @!p0 $0x1082;
	s9 =	sld [smem:$0x3FAA]  }
0x2f: {  	lr =	sadd.s32 s0, s3;
	s0 =	sld [smem:$0x3FA1]  }
0x30: {  	s3 =	sld [smem:$0x3FA4]  }
0x31: {  	[smem:$0x3FAD] =	sst s10  }
0x32: {  	s10 =	sld [smem:$0x3FAB];
	_ =	sdelay $0x3  }
0x33: {  	p0 =	seq.s32 s10, $0x1;
	s10 =	sld [smem:$0x3FAD];
	_ =	sdelay $0x3  }
0x34: {  	[smem:$0x3FAD] =	sst s10  }
0x35: {  	s10 =	sld [smem:$0x3FAC];
	_ =	sdelay $0x3  }
0x36: {  	p1 =	seq.s32 s10, $0x1;
	s10 =	sld [smem:$0x3FAD];
	_ =	sdelay $0x3  }
0x37: {  	[smem:$0x3FAD] =	sst s10  }
0x38: {  	s10 =	sld [smem:$0x3FAE]  }
0x39: {  	_ = 	snop;
	(pc) =	sbr.ind lr, $3  }
0x3a: {  	_ = 	snop  }
0x3b: {  	_ = 	snop  }
0x3c: {  	p2 =	seq.s32 s10, $0x1;
	s10 =	sld [smem:$0x3FAD]  }
0x3d: {  	_ =	shalt  }
0x3e: {  	_ =	shalt  }
0x3f: {  	_ =	shalt  }
0x40: {  	_ =	shalt  }
0x41: {  	_ =	shalt  }
0x42: {  	_ =	shalt  }
0x43: {  	_ =	shalt  }
0x44: {  	_ =	shalt  }
0x45: {  	_ =	shalt  }
0x46: {  	_ =	shalt  }
0x47: {  	_ =	shalt  }
0x48: {  	_ =	shalt  }
0x49: {  	_ =	shalt  }
0x4a: {  	_ =	shalt  }
0x4b: {  	_ =	shalt  }
0x4c: {  	_ =	shalt  }
0x4d: {  	_ =	shalt  }
0x4e: {  	_ =	shalt  }
0x4f: {  	_ =	shalt  }
0x50: {  	_ =	shalt  }
0x51: {  	_ =	shalt  }
0x52: {  	_ =	shalt  }
0x53: {  	_ =	shalt  }
0x54: {  	_ =	shalt  }
0x55: {  	_ =	shalt  }
0x56: {  	_ =	shalt  }
0x57: {  	_ =	shalt  }
0x58: {  	_ =	shalt  }
0x59: {  	_ =	shalt  }
0x5a: {  	_ =	shalt  }
0x5b: {  	_ =	shalt  }
0x5c: {  	_ =	shalt  }
0x5d: {  	_ =	shalt  }
0x5e: {  	_ =	shalt  }
0x5f: {  	_ =	shalt  }
0x60: {  	_ =	shalt  }
0x61: {  	_ =	shalt  }
0x62: {  	_ =	shalt  }
0x63: {  	_ =	shalt  }
0x64: {  	_ =	shalt  }
0x65: {  	_ =	shalt  }
0x66: {  	_ =	shalt  }
0x67: {  	_ =	shalt  }
0x68: {  	_ =	shalt  }
0x69: {  	_ =	shalt  }
0x6a: {  	_ =	shalt  }
0x6b: {  	_ =	shalt  }
0x6c: {  	_ =	shalt  }
0x6d: {  	_ =	shalt  }
0x6e: {  	_ =	shalt  }
0x6f: {  	_ =	shalt  }
0x70: {  	_ =	shalt  }
0x71: {  	_ =	shalt  }
0x72: {  	_ =	shalt  }
0x73: {  	_ =	shalt  }
0x74: {  	_ =	shalt  }
0x75: {  	_ =	shalt  }
0x76: {  	_ =	shalt  }
0x77: {  	_ =	shalt  }
0x78: {  	_ =	shalt  }
0x79: {  	_ =	shalt  }
0x7a: {  	_ =	shalt  }
0x7b: {  	_ =	shalt  }
0x7c: {  	_ =	shalt  }
0x7d: {  	_ =	shalt  }
0x7e: {  	_ =	shalt  }
0x7f: {  	_ =	shalt  }
0x80: {  	_ =	shalt  }
0x81: {  	_ =	shalt  }
0x82: {  	_ =	shalt  }
0x83: {  	_ =	shalt  }
0x84: {  	_ =	shalt  }
0x85: {  	_ =	shalt  }
0x86: {  	_ =	shalt  }
0x87: {  	_ =	shalt  }
.Lfunc_end0:
.L_simem_size_0:
called_computation.1_lowered:
.L_overlay_start_0:
0x88: {  	s2 =	sld [smem:$0x3FD9]  }
0x89: {  	s3 =	sld [smem:$0x3FFE];
	_ =	sdelay $0x1  }
0x8a: {  	s1 =	srdreg.scid  }
0x8b: {  	s0 =	sand.u32 $0x1, s1  }
0x8c: {  	s17 =	sshll.u32 s0, $0xA;
	s2 =	sadd.s32 s3, s2  }
0x8d: {  	s2 =	sadd.s32 s2, s17  }
0x8e: {  	[smem:$0x3FB9] =	sst s2  }
0x8f: {  	_ = 	snop  }
0x90: {  	s2 =	sld [smem:$0x3FD0];
	(tm) =	ssettm $0x1  }
0x91: {  	s18 =	sld [smem:$0x3FFB];
	_ =	sdelay $0x3  }
0x92: {  	_ =	strace s18  }
0x93: {  	s3 =	sld [smem:$0x3FFC];
	_ =	sdelay $0x3  }
0x94: {  	_ =	strace s3  }
0x95: {  	s3 =	sld [smem:$0x3FFD];
	_ =	sdelay $0x3  }
0x96: {  	_ =	strace s3  }
0x97: {  	_ =	strace $0x8FFFFFFF  }
0x98: {  	s19 =	sld [smem:$0x3FDB];
	_ =	sdelay $0x1  }
0x99: {  	s4 =	simm.s32 $_scs_section_size  }
0x9a: {  	s5 =	simm.s32 $_size__tile_overlayer_lowered;
	s6 =	simm.s32 $_tile_overlayer_lowered  }
0x9b: {  	s22 =	simm.s32 $0x1BFF;
	s21 =	sshll.u32 s6, $0x1;
	s3 =	sadd.s32 s4, s19  }
0x9c: {  	s7 =	simm.s32 $0x0;
	s20 =	sshll.u32 s5, $0x1;
	s5 =	sadd.s32 s21, s3  }
0x9d: {  	[timem:s7], [sflag:s22] =	dma.local [hbm:s5], s20  }
0x9e: {  	_ =	swait.ge [sflag:s22], s20  }
0x9f: {  	s4 =	ssub.s32 $0x0, s20;
	[sflag:s22] =	ssyncset.done $0x0  }
0xa0: {  	[sflag:s22] =	ssyncadd.s32 s4;
	_ =	sdelay $0x1  }
0xa1: {  	s23 =	simm.s32 $0x1B8B  }
0xa2: {  	_ =	swait.ge [sflag:s23], $0x1  }
0xa3: {  	[sflag:s23] =	ssyncset.done $0x0  }
0xa4: {  	s25 =	simm.s32 $0x1B8E;
	s24 =	sld [smem:$0x3FFE];
	[sflag:s23] =	ssyncadd.s32 $0xFFFFFFFF  }
0xa5: {  	s26 =	simm.s32 $execute0_lowered;
	[smem:$0x3FD2] =	sst s25  }
0xa6: {  	s5 =	sshll.u32 s26, $0x1;
	_ =	strace $0x80000046;
	[dreg:$0x1] =	wrdreg $0xFFFFFFFF  }
0xa7: {  	s28 =	simm.s32 $_size_execute0_lowered;
	s3 =	sadd.s32 s3, s5;
	[dreg:$0x0] =	wrdreg $0x0  }
0xa8: {  	s5 =	sshll.u32 s28, $0x1;
	[dreg:$0x2] =	wrdreg s3  }
0xa9: {  	[dreg:$0x3] =	wrdreg s5  }
0xaa: {  	[dreg:$0x4] =	wrdreg $0xC0  }
0xab: {  	_ =	task [dreg:s7], $0x5FFFF  }
0xac: {  	[dreg:$0x1] =	wrdreg $0xFFFFFFFF  }
0xad: {  	[dreg:$0x0] =	wrdreg $0x60  }
0xae: {  	[dreg:$0x2] =	wrdreg s24  }
0xaf: {  	[dreg:$0x3] =	wrdreg s2  }
0xb0: {  	[dreg:$0x4] =	wrdreg $0xD0000  }
0xb1: {  	[dreg:$0x5] =	wrdreg $0xA  }
0xb2: {  	_ =	task.clear_ibuf [dreg:s7], $0x6FFFF;
	_ =	strace $0x90000046  }
0xb3: {  	s29 =	simm.s32 $0xA;
	_ =	strace $0x80000048  }
0xb4: {  	_ =	swait.ge [sflag:s29], $0x1  }
0xb5: {  	[sflag:s29] =	ssyncadd.s32 $0xFFFFFFFF  }
0xb6: {  	_ =	strace $0x90000048  }
0xb7: {  	_ =	sfence  }
0xb8: {  	s30 =	sld [smem:$0x0];
	_ =	sdelay $0x2  }
0xb9: {  	s31 =	sshll.u32 s1, $0xD;
	s1 =	sshrl.u32 s1, $0x2  }
0xba: {  	s3 =	sand.u32 $0x4000, s31;
	s1 =	sadd.s32 s1, s30  }
0xbb: {  	s0 =	sor.u32 s3, s0;
	s1 =	sshll.u32 s1, $0x11  }
0xbc: {  	s0 =	sor.u32 s1, s0  }
0xbd: {  	s0 =	sadd.s32 $0x8F2B, s0  }
0xbe: {  	[sflag:s0] =	ssyncadd.remote.s32 $0x1  }
0xbf: {  	_ =	sfence.sel $0xFFFF  }
0xc0: {  	[dreg:$0x0] =	wrdreg $0xFFFFFFFF;
	(pc) =	sbr.abs _section_cstart, $3  }
0xc1: {  	[dreg:$0x1] =	wrdreg $0xFFFFFFFF  }
0xc2: {  	_ =	task.clear_ibuf [dreg:s7], $0x2FFFF;
	_ =	strace $0x9FFFFFFF  }
0xc3: {  	(tm) =	ssettm $0x7FFFFFFF  }
tec
execute0_lowered:
.L_overlay_start_1:
0x0: {  	(tag) =	ssettag $0x1  }
0x1: {  	s6 =	rddreg [dreg:$0x0]  }
0x2: {  	s0 =	srdreg.scid;
	s7 =	rddreg [dreg:$0x1]  }
0x3: {  	s2 =	rddreg [dreg:$0x2];
	s1 =	stileid.u32;
	s3 =	simm.s32 $0x0  }
0x4: {  	s20 =	simm.s32 $0x9000;
	s21 =	simm.s32 $0x2;
	s22 =	simm.s32 $0x2780  }
0x5: {  	s23 =	simm.s32 $0x4F00;
	s5 =	sand.u32 $0x1, s0;
	s0 =	rddreg [dreg:$0x3]  }
0x6: {  	s26 =	simm.s32 $0x0;
	[smem:$0x7FF] =	sst s3;
	s12 =	smul.u32 $0x4C000, s1  }
0x7: {  	p0 =	seq.s32 s1, $0xF;
	s17 =	sadd.s32 $0x125000, s2;
	s18 =	sadd.s32 $0x129000, s2  }
0x8: {  	s19 =	sadd.s32 $0x12D000, s2;
	s25 =	smul.u32 $0x2600, s1;
	s31 =	sshll.u32 s1, $0x6  }
0x9: {  	s4 =	sshll.u32 s5, $0x4;
	_ =	strace $0x80000047;
	s9 =	smul.u32 $0x26000, s5  }
0xa: {  	s11 =	ssub.s32 $0x2, s5;
	s5 =	sadd.s32 $0x145600, s6;
	s4 =	sor.u32 s1, s4  }
0xb: {  	s29 =	sshrl.u32 s11, $0x1;
	s30 =	sshrl.u32 s12, $0x2;
	s8 =	smul.u32 $0x500, s4  }
0xc: {  	s4 =	sadd.s32 $0xCE00, s6;
	s9 =	sadd.s32 s9, s6;
	s12 =	sadd.s32 s30, s2  }
0xd: {  	s11 =	ssub.s32 s11, s29;
	s13 =	sadd.s32 $0x4000, s12;
	s14 =	sadd.s32 $0x8000, s12  }
0xe: {  	s15 =	sadd.s32 $0xC000, s12;
	s16 =	sadd.s32 $0x10000, s12;
	s24 =	sadd.s32 $0x145E00, s9  }
0xf: {  	s9 =	simm.s32 $0x3;
	s10 =	sadd.s32 s8, s6;
	s6 =	sadd.s32 s7, s8  }
0x10: {  	s8 =	sadd.s32 $0x11D000, s2;
	s14 =	smov.u32 @p0 s17;
	s15 =	smov.u32 @p0 s18  }
0x11: {  	s16 =	smov.u32 @p0 s19;
	s17 =	simm.s32 $0x7D;
	s18 =	simm.s32 $0x5000  }
0x12: {  	s19 =	simm.s32 $0x1;
	s24 =	sadd.s32 s25, s24;
	s25 =	simm.s32 $0x4F80  }
0x13: {  	s7 =	sadd.s32 $0x2E00, s10;
	s10 =	sadd.s32 $0x121000, s2;
	s12 =	smov.u32 @p0 s8  }
0x14: {  	s8 =	smax.u32 s11, $0x1;
	s11 =	sor.u32 $0x1C03, s31;
	s14 =	sshrl.u32 s14, $0x3  }
0x15: {  	s15 =	sshrl.u32 s15, $0x3;
	s16 =	sshrl.u32 s16, $0x3;
	s13 =	smov.u32 @p0 s10  }
0x16: {  	s10 =	simm.s32 $0x2800;
	s12 =	sshrl.u32 s12, $0x3;
	s13 =	sshrl.u32 s13, $0x3  }
.LBB2_1:
0x17: {  	[tilespmem:s3], [sflag:$0x3] =	stream.linear.gather [hbm4b:s6+s3], $0x2800, $0x38;
	v63 =	vld [tilespmem:$0x0]  }
0x18: {  	_ =	swait.ge [sflag:s9], $0x2800  }
0x19: {  	[sflag:s9] =	ssyncset.done $0x0  }
0x1a: {  	[sflag:s9] =	ssyncadd.s32 $0xFFFFD800  }
0x1b: {  	[tilespmem:s10], [sflag:$0x3] =	stream.linear.gather [hbm4b:s7+s3], $0x2800, $0x38;
	v63 =	vld [tilespmem:$0x0]  }
0x1c: {  	_ =	swait.ge [sflag:s9], $0x2800  }
0x1d: {  	[sflag:s9] =	ssyncset.done $0x0  }
0x1e: {  	[sflag:s9] =	ssyncadd.s32 $0xFFFFD800  }
0x1f: {  	[spmem:s12], [sflag:s11] =	dma.local [hbm:s5], $0x800  }
0x20: {  	_ =	swait.ge [sflag:s9], $0x800  }
0x21: {  	[sflag:s9] =	ssyncset.done $0x0  }
0x22: {  	[sflag:s9] =	ssyncadd.s32 $0xFFFFF800  }
0x23: {  	[spmem:s13], [sflag:s11] =	dma.local [hbm:s5], $0x800  }
0x24: {  	_ =	swait.ge [sflag:s9], $0x800  }
0x25: {  	[sflag:s9] =	ssyncset.done $0x0  }
0x26: {  	[sflag:s9] =	ssyncadd.s32 $0xFFFFF800  }
0x27: {  	[spmem:s14], [sflag:s11] =	dma.local [hbm:s5], $0x800  }
0x28: {  	_ =	swait.ge [sflag:s9], $0x800  }
0x29: {  	[sflag:s9] =	ssyncset.done $0x0  }
0x2a: {  	[sflag:s9] =	ssyncadd.s32 $0xFFFFF800  }
0x2b: {  	[spmem:s15], [sflag:s11] =	dma.local [hbm:s5], $0x800  }
0x2c: {  	_ =	swait.ge [sflag:s9], $0x800  }
0x2d: {  	[sflag:s9] =	ssyncset.done $0x0  }
0x2e: {  	[sflag:s9] =	ssyncadd.s32 $0xFFFFF800  }
0x2f: {  	[spmem:s16], [sflag:s11] =	dma.local [hbm:s5], $0x600  }
0x30: {  	_ =	swait.ge [sflag:s9], $0x600  }
0x31: {  	[sflag:s9] =	ssyncset.done $0x0  }
0x32: {  	[sflag:s9] =	ssyncadd.s32 $0xFFFFFA00  }
0x33: {  	[bflag:$0x0] =	sbarrier.arrive $0xFFFF  }
0x34: {  	[tilespmem:s18], [sflag:$0x1] =	stream.indirect.gather [hbm4b:s4+s17], $0x80, s3, s17, $0xb8;
	v63 =	vld [tilespmem:$0x0]  }
0x35: {  	_ =	swait.ge [sflag:s19], $0x3E80  }
0x36: {  	[sflag:s19] =	ssyncset.done $0x0  }
0x37: {  	s28 =	simm.s32 $0x80;
	[sflag:s19] =	ssyncadd.s32 $0xFFFFC180  }
0x38: {  	[tilespmem:s20], [sflag:$0x2] =	stream.indirect.gather [hbm4b:s4+s17], $0x80, s28, s17, $0xb8;
	v63 =	vld [tilespmem:$0x0]  }
0x39: {  	s28 =	simm.s32 $0x2800  }
0x3a: {  	[spmem:s2] =	stream.indirect.scatter.add.f32 [tilespmem:s18], [sflag:$0x3], $0x80, s28, s17, $0xb8;
	v63 =	vld [tilespmem:$0x0]  }
0x3b: {  	_ =	swait.ge [sflag:s9], $0x3E80  }
0x3c: {  	[sflag:s9] =	ssyncset.done $0x0  }
0x3d: {  	[sflag:s9] =	ssyncadd.s32 $0xFFFFC180  }
0x3e: {  	_ =	swait.ge [sflag:s21], $0x3E80  }
0x3f: {  	[sflag:s21] =	ssyncset.done $0x0  }
0x40: {  	s28 =	simm.s32 $0x100;
	[sflag:s21] =	ssyncadd.s32 $0xFFFFC180  }
0x41: {  	[tilespmem:s18], [sflag:$0x1] =	stream.indirect.gather [hbm4b:s4+s17], $0x80, s28, s17, $0xb8;
	v63 =	vld [tilespmem:$0x0]  }
0x42: {  	s28 =	simm.s32 $0x2880  }
0x43: {  	[spmem:s2] =	stream.indirect.scatter.add.f32 [tilespmem:s20], [sflag:$0x3], $0x80, s28, s17, $0xb8;
	v63 =	vld [tilespmem:$0x0]  }
0x44: {  	_ =	swait.ge [sflag:s9], $0x3E80  }
0x45: {  	s28 =	simm.s32 $0x400;
	[sflag:s9] =	ssyncset.done $0x0  }
.LBB2_2:
0x46: {  	p0 =	sne.s32 s28, $0x9800  }
0x47: {  	[sflag:s9] =	ssyncadd.s32 $0xFFFFC180;
	s29 =	smov.u32 s28;
	s28 =	sadd.s32 $0x400, s28  }
0x48: {  	_ = 	snop  }
0x49: {  	_ =	swait.ge [sflag:s19], $0x3E80  }
0x4a: {  	s29 =	sshra.s32 s29, $0x2;
	[sflag:s19] =	ssyncset.done $0x0  }
0x4b: {  	s30 =	sadd.s32 $0x80, s29;
	[sflag:s19] =	ssyncadd.s32 $0xFFFFC180  }
0x4c: {  	[tilespmem:s20], [sflag:$0x2] =	stream.indirect.gather [hbm4b:s4+s17], $0x80, s30, s17, $0xb8;
	v63 =	vld [tilespmem:$0x0]  }
0x4d: {  	s30 =	sadd.s32 $0x2800, s29  }
0x4e: {  	[spmem:s2] =	stream.indirect.scatter.add.f32 [tilespmem:s18], [sflag:$0x3], $0x80, s30, s17, $0xb8;
	v63 =	vld [tilespmem:$0x0]  }
0x4f: {  	_ =	swait.ge [sflag:s9], $0x3E80  }
0x50: {  	[sflag:s9] =	ssyncset.done $0x0  }
0x51: {  	[sflag:s9] =	ssyncadd.s32 $0xFFFFC180  }
0x52: {  	_ =	swait.ge [sflag:s21], $0x3E80  }
0x53: {  	[sflag:s21] =	ssyncset.done $0x0  }
0x54: {  	s30 =	sadd.s32 $0x100, s29;
	[sflag:s21] =	ssyncadd.s32 $0xFFFFC180  }
0x55: {  	[tilespmem:s18], [sflag:$0x1] =	stream.indirect.gather [hbm4b:s4+s17], $0x80, s30, s17, $0xb8;
	v63 =	vld [tilespmem:$0x0]  }
.Ltmp0:
0x56: {  	_ = 	snop;
	(pc) =	sbr.rel @p0 .LBB2_2-.Ltmp0, $4  }
0x57: {  	s29 =	sadd.s32 $0x2880, s29  }
0x58: {  	[spmem:s2] =	stream.indirect.scatter.add.f32 [tilespmem:s20], [sflag:$0x3], $0x80, s29, s17, $0xb8;
	v63 =	vld [tilespmem:$0x0]  }
0x59: {  	_ =	swait.ge [sflag:s9], $0x3E80  }
0x5a: {  	[sflag:s9] =	ssyncset.done $0x0  }
0x5b: {  	[sflag:s9] =	ssyncadd.s32 $0xFFFFC180  }
0x5c: {  	_ =	swait.ge [sflag:s19], $0x3E80  }
0x5d: {  	[sflag:s19] =	ssyncset.done $0x0  }
0x5e: {  	[sflag:s19] =	ssyncadd.s32 $0xFFFFC180  }
0x5f: {  	[tilespmem:s20], [sflag:$0x2] =	stream.indirect.gather [hbm4b:s4+s17], $0x80, s22, s17, $0xb8;
	v63 =	vld [tilespmem:$0x0]  }
0x60: {  	_ = 	snop  }
0x61: {  	[spmem:s2] =	stream.indirect.scatter.add.f32 [tilespmem:s18], [sflag:$0x3], $0x80, s23, s17, $0xb8;
	v63 =	vld [tilespmem:$0x0]  }
0x62: {  	_ =	swait.ge [sflag:s9], $0x3E80  }
0x63: {  	[sflag:s9] =	ssyncset.done $0x0  }
0x64: {  	[sflag:s9] =	ssyncadd.s32 $0xFFFFC180  }
0x65: {  	_ =	swait.ge [sflag:s21], $0x3E80  }
0x66: {  	[sflag:s21] =	ssyncset.done $0x0  }
0x67: {  	[sflag:s21] =	ssyncadd.s32 $0xFFFFC180  }
0x68: {  	[spmem:s2] =	stream.indirect.scatter.add.f32 [tilespmem:s20], [sflag:$0x3], $0x80, s25, s17, $0xb8;
	v63 =	vld [tilespmem:$0x0]  }
0x69: {  	_ =	swait.ge [sflag:s9], $0x3E80  }
0x6a: {  	s26 =	sadd.s32 $0x1, s26;
	[sflag:s9] =	ssyncset.done $0x0  }
0x6b: {  	p0 =	sne.s32 s26, s8;
	[sflag:s9] =	ssyncadd.s32 $0xFFFFC180  }
.Ltmp1:
0x6c: {  	[bflag:$0x0] =	sbarrier.arrive $0xFFFF;
	(pc) =	sbr.rel @p0 .LBB2_1-.Ltmp1, $4  }
0x6d: {  	[hbm:s24], [sflag:s11] =	dma.local [spmem:s12], $0x2600  }
0x6e: {  	_ =	swait.ge [sflag:s9], $0x2600  }
0x6f: {  	[sflag:s9] =	ssyncset.done $0x0  }
0x70: {  	[sflag:s9] =	ssyncadd.s32 $0xFFFFDA00  }
0x71: {  	_ =	sfence.sel $0x180000  }
0x72: {  	[bflag:$0x0] =	sbarrier.arrive $0xFFFF  }
0x73: {  	p0 =	sne.s32 s1, $0x0;
	_ =	strace $0x90000047  }
0x74: {  	s0 =	sadd.s32 @!p0 $0x100000, s0;
	[bflag:$0x2] =	sbarrier.arrive $0xFFFF  }
0x75: {  	[sflag:s0] =	ssyncadd.tile.s32 @!p0 $0x1;
	_ =	shalt  }
.Lfunc_end2:
_tile_overlayer_lowered:
.L_overlay_start_2:
0x76: {  	(tag) =	ssettag $0x2  }
0x77: {  	s0 =	rddreg [dreg:$0x0];
	s2 =	stileid.u32  }
0x78: {  	s1 =	rddreg [dreg:$0x1];
	p0 =	sne.s32 s2, $0x0  }
0x79: {  	s3 =	rddreg [dreg:$0x2];
	[bflag:$0x3] =	sbarrier.arrive $0xFFFF;
	s2 =	simm.s32 @!p0 $0x1C03  }
0x7a: {  	[timem:s3], [sflag:s2] =	dma.local @!p0 [hbm:s0], s1  }
0x7b: {  	s0 =	simm.s32 @!p0 $0x3  }
0x7c: {  	_ =	swait.ge @!p0 [sflag:s0], s1  }
0x7d: {  	s1 =	ssub.s32 @!p0 $0x0, s1;
	[sflag:s0] =	ssyncset.done @!p0 $0x0  }
0x7e: {  	[sflag:s0] =	ssyncadd.s32 @!p0 s1  }
0x7f: {  	[bflag:$0x3] =	sbarrier.arrive $0xFFFF  }
0x80: {  	_ =	shalt  }

// kernel: kernel.16.cloned.1.call-start
scs
__scs_entry_jumppad:
0x0: {  	(pc) =	sbr.rel $0x88, $3  }
0x1: {  	(tag) =	ssettag $0x0;
	lr =	simm.s32 $0x1  }
0x2: {  	[smem:$0x3F92] =	sst lr;
	_ =	strace $0xD0000000  }
0x3: {  	_ = 	snop  }
0x4: {  	_ = 	snop  }
0x5: {  	_ = 	snop  }
0x6: {  	_ = 	snop  }
0x7: {  	_ = 	snop  }
__scs_overlays_trampoline_lowered:
0x8: {  	[smem:$0x3FA1] =	sst s0  }
0x9: {  	[smem:$0x3FA2] =	sst s1  }
0xa: {  	[smem:$0x3FA3] =	sst s2  }
0xb: {  	[smem:$0x3FA4] =	sst s3  }
0xc: {  	[smem:$0x3FA5] =	sst s4  }
0xd: {  	[smem:$0x3FA6] =	sst s5  }
0xe: {  	[smem:$0x3FA7] =	sst s6  }
0xf: {  	[smem:$0x3FA8] =	sst s7  }
0x10: {  	[smem:$0x3FA9] =	sst s8  }
0x11: {  	[smem:$0x3FAA] =	sst s9;
	s0 =	simm.s32 @!p0 $0x0  }
0x12: {  	s1 =	sld [smem:$0x3F90];
	s0 =	simm.s32 @p0 $0x1  }
0x13: {  	[smem:$0x3FAB] =	sst s0;
	s0 =	simm.s32 @!p1 $0x0  }
0x14: {  	s2 =	sld [smem:$0x3F8F];
	s0 =	simm.s32 @p1 $0x1  }
0x15: {  	[smem:$0x3FAC] =	sst s0;
	s0 =	simm.s32 @!p2 $0x0  }
0x16: {  	s3 =	sld [smem:$0x3FDB];
	s0 =	simm.s32 @p2 $0x1  }
0x17: {  	s4 =	simm.s32 $0x1BF5;
	[smem:$0x3FAE] =	sst s0  }
0x18: {  	s0 =	sld [smem:$0x3F91];
	_ =	swait.ge [sflag:s4], $0x0  }
0x19: {  	s7 =	sld [smem:$0x3F92]  }
0x1a: {  	s8 =	sadd.s32 $0xFFFFE003, lr  }
0x1b: {  	s9 =	sadd.s32 $0xFFFFFEF7, lr;
	s5 =	simm.s32 $0xFFFFFFFF;
	p2 =	slt.u32 s8, $0xFFFFF086  }
0x1c: {  	p1 =	slt.u32 s9, $0xF7A;
	s5 =	simm.s32 @!p2 $0x0  }
0x1d: {  	s5 =	simm.s32 @p1 $0x1;
	p0 =	seq.s32 s7, s2  }
0x1e: {  	s7 =	smul.u32 @!p0 $0xF7A, s2;
	p2 =	seq.s32 @!p0 s5, $0x0  }
0x1f: {  	s9 =	smul.u32 $0xF7A, s1;
	s8 =	simm.s32 @!p0 $0x1BF5;
	p2 =	por !p2, p0  }
0x20: {  	[sflag:s8] =	ssyncset.s32 @!p0 $0xFFFFF086;
	s6 =	sadd.s32 @!p0 s3, s7;
	s7 =	simm.s32 @!p0 $0x108  }
0x21: {  	s3 =	sadd.s32 s3, s9;
	s6 =	sadd.s32 @!p0 $0x88, s6;
	s7 =	simm.s32 @p2 $0x1082  }
0x22: {  	[simem:s7], [sflag:s8] =	dma.local @!p0 [hbm:s6], $0xF7A  }
0x23: {  	s9 =	sor.u32 $0xD0000000, s2;
	s6 =	simm.s32 $0x108;
	_ =	swait.ge @!p0 [sflag:s8], $0x0  }
0x24: {  	s3 =	sadd.s32 $0x88, s3;
	s6 =	simm.s32 @!p1 $0x1082;
	[sflag:s4] =	ssyncset.s32 $0xFFFFF086  }
0x25: {  	[simem:s6], [sflag:s4] =	dma.local [hbm:s3], $0xF7A  }
0x26: {  	[smem:$0x3F92] =	sst s1;
	(tag) =	ssettag s2;
	_ =	strace s9  }
0x27: {  	s1 =	sld [smem:$0x3FA2]  }
0x28: {  	s2 =	sld [smem:$0x3FA3]  }
0x29: {  	s4 =	sld [smem:$0x3FA5]  }
0x2a: {  	p0 =	seq.s32 s5, $0x0;
	s5 =	sld [smem:$0x3FA6]  }
0x2b: {  	s6 =	sld [smem:$0x3FA7]  }
0x2c: {  	s7 =	sld [smem:$0x3FA8]  }
0x2d: {  	s3 =	simm.s32 $0x108;
	s8 =	sld [smem:$0x3FA9]  }
0x2e: {  	s3 =	simm.s32 @!p0 $0x1082;
	s9 =	sld [smem:$0x3FAA]  }
0x2f: {  	lr =	sadd.s32 s0, s3;
	s0 =	sld [smem:$0x3FA1]  }
0x30: {  	s3 =	sld [smem:$0x3FA4]  }
0x31: {  	[smem:$0x3FAD] =	sst s10  }
0x32: {  	s10 =	sld [smem:$0x3FAB];
	_ =	sdelay $0x3  }
0x33: {  	p0 =	seq.s32 s10, $0x1;
	s10 =	sld [smem:$0x3FAD];
	_ =	sdelay $0x3  }
0x34: {  	[smem:$0x3FAD] =	sst s10  }
0x35: {  	s10 =	sld [smem:$0x3FAC];
	_ =	sdelay $0x3  }
0x36: {  	p1 =	seq.s32 s10, $0x1;
	s10 =	sld [smem:$0x3FAD];
	_ =	sdelay $0x3  }
0x37: {  	[smem:$0x3FAD] =	sst s10  }
0x38: {  	s10 =	sld [smem:$0x3FAE]  }
0x39: {  	_ = 	snop;
	(pc) =	sbr.ind lr, $3  }
0x3a: {  	_ = 	snop  }
0x3b: {  	_ = 	snop  }
0x3c: {  	p2 =	seq.s32 s10, $0x1;
	s10 =	sld [smem:$0x3FAD]  }
0x3d: {  	_ =	shalt  }
0x3e: {  	_ =	shalt  }
0x3f: {  	_ =	shalt  }
0x40: {  	_ =	shalt  }
0x41: {  	_ =	shalt  }
0x42: {  	_ =	shalt  }
0x43: {  	_ =	shalt  }
0x44: {  	_ =	shalt  }
0x45: {  	_ =	shalt  }
0x46: {  	_ =	shalt  }
0x47: {  	_ =	shalt  }
0x48: {  	_ =	shalt  }
0x49: {  	_ =	shalt  }
0x4a: {  	_ =	shalt  }
0x4b: {  	_ =	shalt  }
0x4c: {  	_ =	shalt  }
0x4d: {  	_ =	shalt  }
0x4e: {  	_ =	shalt  }
0x4f: {  	_ =	shalt  }
0x50: {  	_ =	shalt  }
0x51: {  	_ =	shalt  }
0x52: {  	_ =	shalt  }
0x53: {  	_ =	shalt  }
0x54: {  	_ =	shalt  }
0x55: {  	_ =	shalt  }
0x56: {  	_ =	shalt  }
0x57: {  	_ =	shalt  }
0x58: {  	_ =	shalt  }
0x59: {  	_ =	shalt  }
0x5a: {  	_ =	shalt  }
0x5b: {  	_ =	shalt  }
0x5c: {  	_ =	shalt  }
0x5d: {  	_ =	shalt  }
0x5e: {  	_ =	shalt  }
0x5f: {  	_ =	shalt  }
0x60: {  	_ =	shalt  }
0x61: {  	_ =	shalt  }
0x62: {  	_ =	shalt  }
0x63: {  	_ =	shalt  }
0x64: {  	_ =	shalt  }
0x65: {  	_ =	shalt  }
0x66: {  	_ =	shalt  }
0x67: {  	_ =	shalt  }
0x68: {  	_ =	shalt  }
0x69: {  	_ =	shalt  }
0x6a: {  	_ =	shalt  }
0x6b: {  	_ =	shalt  }
0x6c: {  	_ =	shalt  }
0x6d: {  	_ =	shalt  }
0x6e: {  	_ =	shalt  }
0x6f: {  	_ =	shalt  }
0x70: {  	_ =	shalt  }
0x71: {  	_ =	shalt  }
0x72: {  	_ =	shalt  }
0x73: {  	_ =	shalt  }
0x74: {  	_ =	shalt  }
0x75: {  	_ =	shalt  }
0x76: {  	_ =	shalt  }
0x77: {  	_ =	shalt  }
0x78: {  	_ =	shalt  }
0x79: {  	_ =	shalt  }
0x7a: {  	_ =	shalt  }
0x7b: {  	_ =	shalt  }
0x7c: {  	_ =	shalt  }
0x7d: {  	_ =	shalt  }
0x7e: {  	_ =	shalt  }
0x7f: {  	_ =	shalt  }
0x80: {  	_ =	shalt  }
0x81: {  	_ =	shalt  }
0x82: {  	_ =	shalt  }
0x83: {  	_ =	shalt  }
0x84: {  	_ =	shalt  }
0x85: {  	_ =	shalt  }
0x86: {  	_ =	shalt  }
0x87: {  	_ =	shalt  }
.Lfunc_end0:
.L_simem_size_0:
called_computation.2_lowered:
.L_overlay_start_0:
0x88: {  	s2 =	sld [smem:$0x3FD9]  }
0x89: {  	s3 =	sld [smem:$0x3FFE];
	_ =	sdelay $0x1  }
0x8a: {  	s1 =	srdreg.scid  }
0x8b: {  	s0 =	sand.u32 $0x1, s1  }
0x8c: {  	s17 =	sshll.u32 s0, $0xA;
	s2 =	sadd.s32 s3, s2  }
0x8d: {  	s2 =	sadd.s32 s2, s17  }
0x8e: {  	[smem:$0x3FB9] =	sst s2  }
0x8f: {  	_ = 	snop  }
0x90: {  	s18 =	sld [smem:$0x3FD0];
	(tm) =	ssettm $0x1  }
0x91: {  	s19 =	sld [smem:$0x3FFB];
	_ =	sdelay $0x3  }
0x92: {  	_ =	strace s19  }
0x93: {  	s2 =	sld [smem:$0x3FFC];
	_ =	sdelay $0x3  }
0x94: {  	_ =	strace s2  }
0x95: {  	s2 =	sld [smem:$0x3FFD];
	_ =	sdelay $0x3  }
0x96: {  	_ =	strace s2  }
0x97: {  	_ =	strace $0x8FFFFFFF  }
0x98: {  	s20 =	sld [smem:$0x3FDB];
	_ =	sdelay $0x1  }
0x99: {  	s4 =	simm.s32 $_scs_section_size  }
0x9a: {  	s5 =	simm.s32 $_size__tile_overlayer_lowered;
	s6 =	simm.s32 $_tile_overlayer_lowered  }
0x9b: {  	s7 =	simm.s32 $0x1BFF;
	s21 =	sshll.u32 s6, $0x1;
	s4 =	sadd.s32 s4, s20  }
0x9c: {  	s22 =	simm.s32 $0x0;
	s5 =	sshll.u32 s5, $0x1;
	s6 =	sadd.s32 s21, s4  }
0x9d: {  	[timem:s22], [sflag:s7] =	dma.local [hbm:s6], s5  }
0x9e: {  	_ =	swait.ge [sflag:s7], s5  }
0x9f: {  	s5 =	ssub.s32 $0x0, s5;
	[sflag:s7] =	ssyncset.done $0x0  }
0xa0: {  	[sflag:s7] =	ssyncadd.s32 s5;
	_ =	sdelay $0x1  }
0xa1: {  	s23 =	simm.s32 $0x1B8B  }
0xa2: {  	_ =	swait.ge [sflag:s23], $0x1  }
0xa3: {  	[sflag:s23] =	ssyncset.done $0x0  }
0xa4: {  	[sflag:s23] =	ssyncadd.s32 $0xFFFFFFFF  }
0xa5: {  	s5 =	sld [smem:$0x0]  }
0xa6: {  	s6 =	sand.u32 $0xFFFFFFFE, s1  }
0xa7: {  	p0 =	sne.s32 s1, s6  }
0xa8: {  	s6 =	sshll.u32 @p0 s6, $0xE  }
0xa9: {  	s6 =	sadd.s32 @p0 $0x11B8D, s6;
	s7 =	sshll.u32 @p0 s5, $0x11  }
0xaa: {  	s6 =	sor.u32 @p0 s7, s6  }
0xab: {  	[sflag:s6] =	ssyncadd.remote.s32 @p0 $0x1;
	_ =	sdelay $0x1  }
0xac: {  	s6 =	simm.s32 @p0 $0x1B8D  }
0xad: {  	_ =	swait.eq @p0 [sflag:s6], $0x1  }
0xae: {  	[sflag:s6] =	ssyncadd.s32 @p0 $0xFFFFFFFF  }
0xaf: {  	s7 =	sshll.u32 @!p0 s1, $0xE  }
0xb0: {  	s7 =	sor.u32 @!p0 $0x4000, s7;
	s6 =	simm.s32 @!p0 $0x1B8D  }
0xb1: {  	s5 =	sshll.u32 @!p0 s5, $0x11;
	s7 =	sadd.s32 @!p0 $0x11B8D, s7;
	_ =	swait.eq @!p0 [sflag:s6], $0x1  }
0xb2: {  	s5 =	sor.u32 @!p0 s5, s7;
	[sflag:s6] =	ssyncadd.s32 @!p0 $0xFFFFFFFF  }
0xb3: {  	s25 =	simm.s32 $0x1B8E;
	s24 =	sld [smem:$0x3FFE];
	[sflag:s5] =	ssyncadd.remote.s32 @!p0 $0x1  }
0xb4: {  	s26 =	simm.s32 $execute0_lowered;
	[smem:$0x3FD2] =	sst s25  }
0xb5: {  	s6 =	sshll.u32 s26, $0x1;
	_ =	strace $0x8000004F;
	[dreg:$0x1] =	wrdreg $0xFFFFFFFF  }
0xb6: {  	s28 =	simm.s32 $_size_execute0_lowered;
	s4 =	sadd.s32 s4, s6;
	[dreg:$0x0] =	wrdreg $0x0  }
0xb7: {  	s6 =	sshll.u32 s28, $0x1;
	[dreg:$0x2] =	wrdreg s4  }
0xb8: {  	[dreg:$0x3] =	wrdreg s6  }
0xb9: {  	[dreg:$0x4] =	wrdreg $0xC0  }
0xba: {  	_ =	task [dreg:s22], $0x5FFFF  }
0xbb: {  	[dreg:$0x1] =	wrdreg $0xFFFFFFFF  }
0xbc: {  	[dreg:$0x0] =	wrdreg $0x60  }
0xbd: {  	[dreg:$0x2] =	wrdreg s24  }
0xbe: {  	[dreg:$0x3] =	wrdreg s18  }
0xbf: {  	[dreg:$0x4] =	wrdreg $0xD0000  }
0xc0: {  	[dreg:$0x5] =	wrdreg $0x9  }
0xc1: {  	_ =	task.clear_ibuf [dreg:s22], $0x6FFFF;
	_ =	strace $0x9000004F  }
0xc2: {  	s29 =	simm.s32 $0x9;
	_ =	strace $0x80000051  }
0xc3: {  	_ =	swait.ge [sflag:s29], $0x1  }
0xc4: {  	[sflag:s29] =	ssyncadd.s32 $0xFFFFFFFF  }
0xc5: {  	_ =	strace $0x90000051  }
0xc6: {  	_ =	sfence  }
0xc7: {  	s30 =	sld [smem:$0x0];
	_ =	sdelay $0x2  }
0xc8: {  	s31 =	sshll.u32 s1, $0xD;
	s1 =	sshrl.u32 s1, $0x2  }
0xc9: {  	s4 =	sand.u32 $0x4000, s31;
	s1 =	sadd.s32 s1, s30  }
0xca: {  	s0 =	sor.u32 s4, s0;
	s1 =	sshll.u32 s1, $0x11  }
0xcb: {  	s0 =	sor.u32 s1, s0  }
0xcc: {  	s0 =	sadd.s32 $0x8F2B, s0  }
0xcd: {  	[sflag:s0] =	ssyncadd.remote.s32 $0x1  }
0xce: {  	_ =	sfence.sel $0xFFFF  }
0xcf: {  	[dreg:$0x0] =	wrdreg $0xFFFFFFFF;
	(pc) =	sbr.abs _section_cstart, $3  }
0xd0: {  	[dreg:$0x1] =	wrdreg $0xFFFFFFFF  }
0xd1: {  	_ =	task.clear_ibuf [dreg:s22], $0x2FFFF;
	_ =	strace $0x9FFFFFFF  }
0xd2: {  	(tm) =	ssettm $0x7FFFFFFF  }
0xd3: {  	_ =	shalt  }
tec
execute0_lowered:
.L_overlay_start_1:
0x0: {  	(tag) =	ssettag $0x1  }
0x1: {  	s6 =	rddreg [dreg:$0x0]  }
0x2: {  	s0 =	srdreg.scid;
	s7 =	rddreg [dreg:$0x1]  }
0x3: {  	s2 =	rddreg [dreg:$0x2];
	s1 =	stileid.u32;
	s3 =	simm.s32 $0x0  }
0x4: {  	s20 =	simm.s32 $0x9000;
	s21 =	simm.s32 $0x2;
	s22 =	simm.s32 $0x2780  }
0x5: {  	s23 =	simm.s32 $0x4F00;
	s5 =	sand.u32 $0x1, s0;
	s0 =	rddreg [dreg:$0x3]  }
0x6: {  	s26 =	simm.s32 $0x0;
	[smem:$0x7FF] =	sst s3;
	s12 =	smul.u32 $0x4C000, s1  }
0x7: {  	p0 =	seq.s32 s1, $0xF;
	s17 =	sadd.s32 $0x125000, s2;
	s18 =	sadd.s32 $0x129000, s2  }
0x8: {  	s19 =	sadd.s32 $0x12D000, s2;
	s25 =	smul.u32 $0x2600, s1;
	s31 =	sshll.u32 s1, $0x6  }
0x9: {  	s4 =	sshll.u32 s5, $0x4;
	_ =	strace $0x80000050;
	s9 =	smul.u32 $0x26000, s5  }
0xa: {  	s11 =	ssub.s32 $0x2, s5;
	s5 =	sadd.s32 $0x145600, s6;
	s4 =	sor.u32 s1, s4  }
0xb: {  	s29 =	sshrl.u32 s11, $0x1;
	s30 =	sshrl.u32 s12, $0x2;
	s8 =	smul.u32 $0x500, s4  }
0xc: {  	s4 =	sadd.s32 $0xCE00, s6;
	s9 =	sadd.s32 s9, s6;
	s12 =	sadd.s32 s30, s2  }
0xd: {  	s11 =	ssub.s32 s11, s29;
	s13 =	sadd.s32 $0x4000, s12;
	s14 =	sadd.s32 $0x8000, s12  }
0xe: {  	s15 =	sadd.s32 $0xC000, s12;
	s16 =	sadd.s32 $0x10000, s12;
	s24 =	sadd.s32 $0x19BE00, s9  }
0xf: {  	s9 =	simm.s32 $0x3;
	s10 =	sadd.s32 s8, s6;
	s6 =	sadd.s32 s7, s8  }
0x10: {  	s8 =	sadd.s32 $0x11D000, s2;
	s14 =	smov.u32 @p0 s17;
	s15 =	smov.u32 @p0 s18  }
0x11: {  	s16 =	smov.u32 @p0 s19;
	s17 =	simm.s32 $0x7D;
	s18 =	simm.s32 $0x5000  }
0x12: {  	s19 =	simm.s32 $0x1;
	s24 =	sadd.s32 s25, s24;
	s25 =	simm.s32 $0x4F80  }
0x13: {  	s7 =	sadd.s32 $0x191E00, s10;
	s10 =	sadd.s32 $0x121000, s2;
	s12 =	smov.u32 @p0 s8  }
0x14: {  	s8 =	smax.u32 s11, $0x1;
	s11 =	sor.u32 $0x1C03, s31;
	s14 =	sshrl.u32 s14, $0x3  }
0x15: {  	s15 =	sshrl.u32 s15, $0x3;
	s16 =	sshrl.u32 s16, $0x3;
	s13 =	smov.u32 @p0 s10  }
0x16: {  	s10 =	simm.s32 $0x2800;
	s12 =	sshrl.u32 s12, $0x3;
	s13 =	sshrl.u32 s13, $0x3  }
.LBB2_1:
0x17: {  	[tilespmem:s3], [sflag:$0x3] =	stream.linear.gather [hbm4b:s6+s3], $0x2800, $0x38;
	v63 =	vld [tilespmem:$0x0]  }
0x18: {  	_ =	swait.ge [sflag:s9], $0x2800  }
0x19: {  	[sflag:s9] =	ssyncset.done $0x0  }
0x1a: {  	[sflag:s9] =	ssyncadd.s32 $0xFFFFD800  }
0x1b: {  	[tilespmem:s10], [sflag:$0x3] =	stream.linear.gather [hbm4b:s7+s3], $0x2800, $0x38;
	v63 =	vld [tilespmem:$0x0]  }
0x1c: {  	_ =	swait.ge [sflag:s9], $0x2800  }
0x1d: {  	[sflag:s9] =	ssyncset.done $0x0  }
0x1e: {  	[sflag:s9] =	ssyncadd.s32 $0xFFFFD800  }
0x1f: {  	[spmem:s12], [sflag:s11] =	dma.local [hbm:s5], $0x800  }
0x20: {  	_ =	swait.ge [sflag:s9], $0x800  }
0x21: {  	[sflag:s9] =	ssyncset.done $0x0  }
0x22: {  	[sflag:s9] =	ssyncadd.s32 $0xFFFFF800  }
0x23: {  	[spmem:s13], [sflag:s11] =	dma.local [hbm:s5], $0x800  }
0x24: {  	_ =	swait.ge [sflag:s9], $0x800  }
0x25: {  	[sflag:s9] =	ssyncset.done $0x0  }
0x26: {  	[sflag:s9] =	ssyncadd.s32 $0xFFFFF800  }
0x27: {  	[spmem:s14], [sflag:s11] =	dma.local [hbm:s5], $0x800  }
0x28: {  	_ =	swait.ge [sflag:s9], $0x800  }
0x29: {  	[sflag:s9] =	ssyncset.done $0x0  }
0x2a: {  	[sflag:s9] =	ssyncadd.s32 $0xFFFFF800  }
0x2b: {  	[spmem:s15], [sflag:s11] =	dma.local [hbm:s5], $0x800  }
0x2c: {  	_ =	swait.ge [sflag:s9], $0x800  }
0x2d: {  	[sflag:s9] =	ssyncset.done $0x0  }
0x2e: {  	[sflag:s9] =	ssyncadd.s32 $0xFFFFF800  }
0x2f: {  	[spmem:s16], [sflag:s11] =	dma.local [hbm:s5], $0x600  }
0x30: {  	_ =	swait.ge [sflag:s9], $0x600  }
0x31: {  	[sflag:s9] =	ssyncset.done $0x0  }
0x32: {  	[sflag:s9] =	ssyncadd.s32 $0xFFFFFA00  }
0x33: {  	[bflag:$0x0] =	sbarrier.arrive $0xFFFF  }
0x34: {  	[tilespmem:s18], [sflag:$0x1] =	stream.indirect.gather [hbm4b:s4+s17], $0x80, s3, s17, $0xb8;
	v63 =	vld [tilespmem:$0x0]  }
0x35: {  	_ =	swait.ge [sflag:s19], $0x3E80  }
0x36: {  	[sflag:s19] =	ssyncset.done $0x0  }
0x37: {  	s28 =	simm.s32 $0x80;
	[sflag:s19] =	ssyncadd.s32 $0xFFFFC180  }
0x38: {  	[tilespmem:s20], [sflag:$0x2] =	stream.indirect.gather [hbm4b:s4+s17], $0x80, s28, s17, $0xb8;
	v63 =	vld [tilespmem:$0x0]  }
0x39: {  	s28 =	simm.s32 $0x2800  }
0x3a: {  	[spmem:s2] =	stream.indirect.scatter.add.f32 [tilespmem:s18], [sflag:$0x3], $0x80, s28, s17, $0xb8;
	v63 =	vld [tilespmem:$0x0]  }
0x3b: {  	_ =	swait.ge [sflag:s9], $0x3E80  }
0x3c: {  	[sflag:s9] =	ssyncset.done $0x0  }
0x3d: {  	[sflag:s9] =	ssyncadd.s32 $0xFFFFC180  }
0x3e: {  	_ =	swait.ge [sflag:s21], $0x3E80  }
0x3f: {  	[sflag:s21] =	ssyncset.done $0x0  }
0x40: {  	s28 =	simm.s32 $0x100;
	[sflag:s21] =	ssyncadd.s32 $0xFFFFC180  }
0x41: {  	[tilespmem:s18], [sflag:$0x1] =	stream.indirect.gather [hbm4b:s4+s17], $0x80, s28, s17, $0xb8;
	v63 =	vld [tilespmem:$0x0]  }
0x42: {  	s28 =	simm.s32 $0x2880  }
0x43: {  	[spmem:s2] =	stream.indirect.scatter.add.f32 [tilespmem:s20], [sflag:$0x3], $0x80, s28, s17, $0xb8;
	v63 =	vld [tilespmem:$0x0]  }
0x44: {  	_ =	swait.ge [sflag:s9], $0x3E80  }
0x45: {  	s28 =	simm.s32 $0x400;
	[sflag:s9] =	ssyncset.done $0x0  }
.LBB2_2:
0x46: {  	p0 =	sne.s32 s28, $0x9800  }
0x47: {  	[sflag:s9] =	ssyncadd.s32 $0xFFFFC180;
	s29 =	smov.u32 s28;
	s28 =	sadd.s32 $0x400, s28  }
0x48: {  	_ = 	snop  }
0x49: {  	_ =	swait.ge [sflag:s19], $0x3E80  }
0x4a: {  	s29 =	sshra.s32 s29, $0x2;
	[sflag:s19] =	ssyncset.done $0x0  }
0x4b: {  	s30 =	sadd.s32 $0x80, s29;
	[sflag:s19] =	ssyncadd.s32 $0xFFFFC180  }
0x4c: {  	[tilespmem:s20], [sflag:$0x2] =	stream.indirect.gather [hbm4b:s4+s17], $0x80, s30, s17, $0xb8;
	v63 =	vld [tilespmem:$0x0]  }
0x4d: {  	s30 =	sadd.s32 $0x2800, s29  }
0x4e: {  	[spmem:s2] =	stream.indirect.scatter.add.f32 [tilespmem:s18], [sflag:$0x3], $0x80, s30, s17, $0xb8;
	v63 =	vld [tilespmem:$0x0]  }
0x4f: {  	_ =	swait.ge [sflag:s9], $0x3E80  }
0x50: {  	[sflag:s9] =	ssyncset.done $0x0  }
0x51: {  	[sflag:s9] =	ssyncadd.s32 $0xFFFFC180  }
0x52: {  	_ =	swait.ge [sflag:s21], $0x3E80  }
0x53: {  	[sflag:s21] =	ssyncset.done $0x0  }
0x54: {  	s30 =	sadd.s32 $0x100, s29;
	[sflag:s21] =	ssyncadd.s32 $0xFFFFC180  }
0x55: {  	[tilespmem:s18], [sflag:$0x1] =	stream.indirect.gather [hbm4b:s4+s17], $0x80, s30, s17, $0xb8;
	v63 =	vld [tilespmem:$0x0]  }
.Ltmp0:
0x56: {  	_ = 	snop;
	(pc) =	sbr.rel @p0 .LBB2_2-.Ltmp0, $4  }
0x57: {  	s29 =	sadd.s32 $0x2880, s29  }
0x58: {  	[spmem:s2] =	stream.indirect.scatter.add.f32 [tilespmem:s20], [sflag:$0x3], $0x80, s29, s17, $0xb8;
	v63 =	vld [tilespmem:$0x0]  }
0x59: {  	_ =	swait.ge [sflag:s9], $0x3E80  }
0x5a: {  	[sflag:s9] =	ssyncset.done $0x0  }
0x5b: {  	[sflag:s9] =	ssyncadd.s32 $0xFFFFC180  }
0x5c: {  	_ =	swait.ge [sflag:s19], $0x3E80  }
0x5d: {  	[sflag:s19] =	ssyncset.done $0x0  }
0x5e: {  	[sflag:s19] =	ssyncadd.s32 $0xFFFFC180  }
0x5f: {  	[tilespmem:s20], [sflag:$0x2] =	stream.indirect.gather [hbm4b:s4+s17], $0x80, s22, s17, $0xb8;
	v63 =	vld [tilespmem:$0x0]  }
0x60: {  	_ = 	snop  }
0x61: {  	[spmem:s2] =	stream.indirect.scatter.add.f32 [tilespmem:s18], [sflag:$0x3], $0x80, s23, s17, $0xb8;
	v63 =	vld [tilespmem:$0x0]  }
0x62: {  	_ =	swait.ge [sflag:s9], $0x3E80  }
0x63: {  	[sflag:s9] =	ssyncset.done $0x0  }
0x64: {  	[sflag:s9] =	ssyncadd.s32 $0xFFFFC180  }
0x65: {  	_ =	swait.ge [sflag:s21], $0x3E80  }
0x66: {  	[sflag:s21] =	ssyncset.done $0x0  }
0x67: {  	[sflag:s21] =	ssyncadd.s32 $0xFFFFC180  }
0x68: {  	[spmem:s2] =	stream.indirect.scatter.add.f32 [tilespmem:s20], [sflag:$0x3], $0x80, s25, s17, $0xb8;
	v63 =	vld [tilespmem:$0x0]  }
0x69: {  	_ =	swait.ge [sflag:s9], $0x3E80  }
0x6a: {  	s26 =	sadd.s32 $0x1, s26;
	[sflag:s9] =	ssyncset.done $0x0  }
0x6b: {  	p0 =	sne.s32 s26, s8;
	[sflag:s9] =	ssyncadd.s32 $0xFFFFC180  }
.Ltmp1:
0x6c: {  	[bflag:$0x0] =	sbarrier.arrive $0xFFFF;
	(pc) =	sbr.rel @p0 .LBB2_1-.Ltmp1, $4  }
0x6d: {  	[hbm:s24], [sflag:s11] =	dma.local [spmem:s12], $0x2600  }
0x6e: {  	_ =	swait.ge [sflag:s9], $0x2600  }
0x6f: {  	[sflag:s9] =	ssyncset.done $0x0  }
0x70: {  	[sflag:s9] =	ssyncadd.s32 $0xFFFFDA00  }
0x71: {  	_ =	sfence.sel $0x180000  }
0x72: {  	[bflag:$0x0] =	sbarrier.arrive $0xFFFF  }
0x73: {  	p0 =	sne.s32 s1, $0x0;
	_ =	strace $0x90000050  }
0x74: {  	s0 =	sadd.s32 @!p0 $0x100000, s0;
	[bflag:$0x2] =	sbarrier.arrive $0xFFFF  }
0x75: {  	[sflag:s0] =	ssyncadd.tile.s32 @!p0 $0x1;
	_ =	shalt  }
.Lfunc_end2:
_tile_overlayer_lowered:
.L_overlay_start_2:
0x76: {  	(tag) =	ssettag $0x2  }
0x77: {  	s0 =	rddreg [dreg:$0x0];
	s2 =	stileid.u32  }
0x78: {  	s1 =	rddreg [dreg:$0x1];
	p0 =	sne.s32 s2, $0x0  }
0x79: {  	s3 =	rddreg [dreg:$0x2];
	[bflag:$0x3] =	sbarrier.arrive $0xFFFF;
	s2 =	simm.s32 @!p0 $0x1C03  }
0x7a: {  	[timem:s3], [sflag:s2] =	dma.local @!p0 [hbm:s0], s1  }
0x7b: {  	s0 =	simm.s32 @!p0 $0x3  }
0x7c: {  	_ =	swait.ge @!p0 [sflag:s0], s1  }
0x7d: {  	s1 =	ssub.s32 @!p0 $0x0, s1;
	[sflag:s0] =	ssyncset.done @!p0 $0x0  }
0x7e: {  	[sflag:s0] =	ssyncadd.s32 @!p0 s1  }
0x7f: {  	[bflag:$0x3] =	sbarrier.arrive $0xFFFF  }
0x80: {  	_ =	shalt  }

// kernel: kernel.19.cloned.1.call-start
scs
__scs_entry_jumppad:
0x0: {  	(pc) =	sbr.rel $0x88, $3  }
0x1: {  	(tag) =	ssettag $0x0;
	lr =	simm.s32 $0x1  }
0x2: {  	[smem:$0x3F92] =	sst lr;
	_ =	strace $0xD0000000  }
0x3: {  	_ = 	snop  }
0x4: {  	_ = 	snop  }
0x5: {  	_ = 	snop  }
0x6: {  	_ = 	snop  }
0x7: {  	_ = 	snop  }
__scs_overlays_trampoline_lowered:
0x8: {  	[smem:$0x3FA1] =	sst s0  }
0x9: {  	[smem:$0x3FA2] =	sst s1  }
0xa: {  	[smem:$0x3FA3] =	sst s2  }
0xb: {  	[smem:$0x3FA4] =	sst s3  }
0xc: {  	[smem:$0x3FA5] =	sst s4  }
0xd: {  	[smem:$0x3FA6] =	sst s5  }
0xe: {  	[smem:$0x3FA7] =	sst s6  }
0xf: {  	[smem:$0x3FA8] =	sst s7  }
0x10: {  	[smem:$0x3FA9] =	sst s8  }
0x11: {  	[smem:$0x3FAA] =	sst s9;
	s0 =	simm.s32 @!p0 $0x0  }
0x12: {  	s1 =	sld [smem:$0x3F90];
	s0 =	simm.s32 @p0 $0x1  }
0x13: {  	[smem:$0x3FAB] =	sst s0;
	s0 =	simm.s32 @!p1 $0x0  }
0x14: {  	s2 =	sld [smem:$0x3F8F];
	s0 =	simm.s32 @p1 $0x1  }
0x15: {  	[smem:$0x3FAC] =	sst s0;
	s0 =	simm.s32 @!p2 $0x0  }
0x16: {  	s3 =	sld [smem:$0x3FDB];
	s0 =	simm.s32 @p2 $0x1  }
0x17: {  	s4 =	simm.s32 $0x1BF5;
	[smem:$0x3FAE] =	sst s0  }
0x18: {  	s0 =	sld [smem:$0x3F91];
	_ =	swait.ge [sflag:s4], $0x0  }
0x19: {  	s7 =	sld [smem:$0x3F92]  }
0x1a: {  	s8 =	sadd.s32 $0xFFFFE003, lr  }
0x1b: {  	s9 =	sadd.s32 $0xFFFFFEF7, lr;
	s5 =	simm.s32 $0xFFFFFFFF;
	p2 =	slt.u32 s8, $0xFFFFF086  }
0x1c: {  	p1 =	slt.u32 s9, $0xF7A;
	s5 =	simm.s32 @!p2 $0x0  }
0x1d: {  	s5 =	simm.s32 @p1 $0x1;
	p0 =	seq.s32 s7, s2  }
0x1e: {  	s7 =	smul.u32 @!p0 $0xF7A, s2;
	p2 =	seq.s32 @!p0 s5, $0x0  }
0x1f: {  	s9 =	smul.u32 $0xF7A, s1;
	s8 =	simm.s32 @!p0 $0x1BF5;
	p2 =	por !p2, p0  }
0x20: {  	[sflag:s8] =	ssyncset.s32 @!p0 $0xFFFFF086;
	s6 =	sadd.s32 @!p0 s3, s7;
	s7 =	simm.s32 @!p0 $0x108  }
0x21: {  	s3 =	sadd.s32 s3, s9;
	s6 =	sadd.s32 @!p0 $0x88, s6;
	s7 =	simm.s32 @p2 $0x1082  }
0x22: {  	[simem:s7], [sflag:s8] =	dma.local @!p0 [hbm:s6], $0xF7A  }
0x23: {  	s9 =	sor.u32 $0xD0000000, s2;
	s6 =	simm.s32 $0x108;
	_ =	swait.ge @!p0 [sflag:s8], $0x0  }
0x24: {  	s3 =	sadd.s32 $0x88, s3;
	s6 =	simm.s32 @!p1 $0x1082;
	[sflag:s4] =	ssyncset.s32 $0xFFFFF086  }
0x25: {  	[simem:s6], [sflag:s4] =	dma.local [hbm:s3], $0xF7A  }
0x26: {  	[smem:$0x3F92] =	sst s1;
	(tag) =	ssettag s2;
	_ =	strace s9  }
0x27: {  	s1 =	sld [smem:$0x3FA2]  }
0x28: {  	s2 =	sld [smem:$0x3FA3]  }
0x29: {  	s4 =	sld [smem:$0x3FA5]  }
0x2a: {  	p0 =	seq.s32 s5, $0x0;
	s5 =	sld [smem:$0x3FA6]  }
0x2b: {  	s6 =	sld [smem:$0x3FA7]  }
0x2c: {  	s7 =	sld [smem:$0x3FA8]  }
0x2d: {  	s3 =	simm.s32 $0x108;
	s8 =	sld [smem:$0x3FA9]  }
0x2e: {  	s3 =	simm.s32 @!p0 $0x1082;
	s9 =	sld [smem:$0x3FAA]  }
0x2f: {  	lr =	sadd.s32 s0, s3;
	s0 =	sld [smem:$0x3FA1]  }
0x30: {  	s3 =	sld [smem:$0x3FA4]  }
0x31: {  	[smem:$0x3FAD] =	sst s10  }
0x32: {  	s10 =	sld [smem:$0x3FAB];
	_ =	sdelay $0x3  }
0x33: {  	p0 =	seq.s32 s10, $0x1;
	s10 =	sld [smem:$0x3FAD];
	_ =	sdelay $0x3  }
0x34: {  	[smem:$0x3FAD] =	sst s10  }
0x35: {  	s10 =	sld [smem:$0x3FAC];
	_ =	sdelay $0x3  }
0x36: {  	p1 =	seq.s32 s10, $0x1;
	s10 =	sld [smem:$0x3FAD];
	_ =	sdelay $0x3  }
0x37: {  	[smem:$0x3FAD] =	sst s10  }
0x38: {  	s10 =	sld [smem:$0x3FAE]  }
0x39: {  	_ = 	snop;
	(pc) =	sbr.ind lr, $3  }
0x3a: {  	_ = 	snop  }
0x3b: {  	_ = 	snop  }
0x3c: {  	p2 =	seq.s32 s10, $0x1;
	s10 =	sld [smem:$0x3FAD]  }
0x3d: {  	_ =	shalt  }
0x3e: {  	_ =	shalt  }
0x3f: {  	_ =	shalt  }
0x40: {  	_ =	shalt  }
0x41: {  	_ =	shalt  }
0x42: {  	_ =	shalt  }
0x43: {  	_ =	shalt  }
0x44: {  	_ =	shalt  }
0x45: {  	_ =	shalt  }
0x46: {  	_ =	shalt  }
0x47: {  	_ =	shalt  }
0x48: {  	_ =	shalt  }
0x49: {  	_ =	shalt  }
0x4a: {  	_ =	shalt  }
0x4b: {  	_ =	shalt  }
0x4c: {  	_ =	shalt  }
0x4d: {  	_ =	shalt  }
0x4e: {  	_ =	shalt  }
0x4f: {  	_ =	shalt  }
0x50: {  	_ =	shalt  }
0x51: {  	_ =	shalt  }
0x52: {  	_ =	shalt  }
0x53: {  	_ =	shalt  }
0x54: {  	_ =	shalt  }
0x55: {  	_ =	shalt  }
0x56: {  	_ =	shalt  }
0x57: {  	_ =	shalt  }
0x58: {  	_ =	shalt  }
0x59: {  	_ =	shalt  }
0x5a: {  	_ =	shalt  }
0x5b: {  	_ =	shalt  }
0x5c: {  	_ =	shalt  }
0x5d: {  	_ =	shalt  }
0x5e: {  	_ =	shalt  }
0x5f: {  	_ =	shalt  }
0x60: {  	_ =	shalt  }
0x61: {  	_ =	shalt  }
0x62: {  	_ =	shalt  }
0x63: {  	_ =	shalt  }
0x64: {  	_ =	shalt  }
0x65: {  	_ =	shalt  }
0x66: {  	_ =	shalt  }
0x67: {  	_ =	shalt  }
0x68: {  	_ =	shalt  }
0x69: {  	_ =	shalt  }
0x6a: {  	_ =	shalt  }
0x6b: {  	_ =	shalt  }
0x6c: {  	_ =	shalt  }
0x6d: {  	_ =	shalt  }
0x6e: {  	_ =	shalt  }
0x6f: {  	_ =	shalt  }
0x70: {  	_ =	shalt  }
0x71: {  	_ =	shalt  }
0x72: {  	_ =	shalt  }
0x73: {  	_ =	shalt  }
0x74: {  	_ =	shalt  }
0x75: {  	_ =	shalt  }
0x76: {  	_ =	shalt  }
0x77: {  	_ =	shalt  }
0x78: {  	_ =	shalt  }
0x79: {  	_ =	shalt  }
0x7a: {  	_ =	shalt  }
0x7b: {  	_ =	shalt  }
0x7c: {  	_ =	shalt  }
0x7d: {  	_ =	shalt  }
0x7e: {  	_ =	shalt  }
0x7f: {  	_ =	shalt  }
0x80: {  	_ =	shalt  }
0x81: {  	_ =	shalt  }
0x82: {  	_ =	shalt  }
0x83: {  	_ =	shalt  }
0x84: {  	_ =	shalt  }
0x85: {  	_ =	shalt  }
0x86: {  	_ =	shalt  }
0x87: {  	_ =	shalt  }
.Lfunc_end0:
.L_simem_size_0:
called_computation.3_lowered:
.L_overlay_start_0:
0x88: {  	s2 =	sld [smem:$0x3FD9]  }
0x89: {  	s3 =	sld [smem:$0x3FFE];
	_ =	sdelay $0x1  }
0x8a: {  	s1 =	srdreg.scid  }
0x8b: {  	s0 =	sand.u32 $0x1, s1  }
0x8c: {  	s17 =	sshll.u32 s0, $0xA;
	s2 =	sadd.s32 s3, s2  }
0x8d: {  	s2 =	sadd.s32 s2, s17  }
0x8e: {  	[smem:$0x3FB9] =	sst s2  }
0x8f: {  	_ = 	snop  }
0x90: {  	s2 =	sld [smem:$0x3FD0];
	(tm) =	ssettm $0x1  }
0x91: {  	s18 =	sld [smem:$0x3FFB];
	_ =	sdelay $0x3  }
0x92: {  	_ =	strace s18  }
0x93: {  	s3 =	sld [smem:$0x3FFC];
	_ =	sdelay $0x3  }
0x94: {  	_ =	strace s3  }
0x95: {  	s3 =	sld [smem:$0x3FFD];
	_ =	sdelay $0x3  }
0x96: {  	_ =	strace s3  }
0x97: {  	_ =	strace $0x8FFFFFFF  }
0x98: {  	s19 =	sld [smem:$0x3FDB];
	_ =	sdelay $0x1  }
0x99: {  	s4 =	simm.s32 $_scs_section_size  }
0x9a: {  	s5 =	simm.s32 $_size__tile_overlayer_lowered;
	s6 =	simm.s32 $_tile_overlayer_lowered  }
0x9b: {  	s22 =	simm.s32 $0x1BFF;
	s21 =	sshll.u32 s6, $0x1;
	s3 =	sadd.s32 s4, s19  }
0x9c: {  	s7 =	simm.s32 $0x0;
	s20 =	sshll.u32 s5, $0x1;
	s5 =	sadd.s32 s21, s3  }
0x9d: {  	[timem:s7], [sflag:s22] =	dma.local [hbm:s5], s20  }
0x9e: {  	_ =	swait.ge [sflag:s22], s20  }
0x9f: {  	s4 =	ssub.s32 $0x0, s20;
	[sflag:s22] =	ssyncset.done $0x0  }
0xa0: {  	[sflag:s22] =	ssyncadd.s32 s4;
	_ =	sdelay $0x1  }
0xa1: {  	s23 =	simm.s32 $0x1B8B  }
0xa2: {  	_ =	swait.ge [sflag:s23], $0x1  }
0xa3: {  	[sflag:s23] =	ssyncset.done $0x0  }
0xa4: {  	s25 =	simm.s32 $0x1B8E;
	s24 =	sld [smem:$0x3FFE];
	[sflag:s23] =	ssyncadd.s32 $0xFFFFFFFF  }
0xa5: {  	s26 =	simm.s32 $execute0_lowered;
	[smem:$0x3FD2] =	sst s25  }
0xa6: {  	s5 =	sshll.u32 s26, $0x1;
	_ =	strace $0x8000004C;
	[dreg:$0x1] =	wrdreg $0xFFFFFFFF  }
0xa7: {  	s28 =	simm.s32 $_size_execute0_lowered;
	s3 =	sadd.s32 s3, s5;
	[dreg:$0x0] =	wrdreg $0x0  }
0xa8: {  	s5 =	sshll.u32 s28, $0x1;
	[dreg:$0x2] =	wrdreg s3  }
0xa9: {  	[dreg:$0x3] =	wrdreg s5  }
0xaa: {  	[dreg:$0x4] =	wrdreg $0xC0  }
0xab: {  	_ =	task [dreg:s7], $0x5FFFF  }
0xac: {  	[dreg:$0x1] =	wrdreg $0xFFFFFFFF  }
0xad: {  	[dreg:$0x0] =	wrdreg $0x60  }
0xae: {  	[dreg:$0x2] =	wrdreg s24  }
0xaf: {  	[dreg:$0x3] =	wrdreg s2  }
0xb0: {  	[dreg:$0x4] =	wrdreg $0xD0000  }
0xb1: {  	[dreg:$0x5] =	wrdreg $0xA  }
0xb2: {  	_ =	task.clear_ibuf [dreg:s7], $0x6FFFF;
	_ =	strace $0x9000004C  }
0xb3: {  	s29 =	simm.s32 $0xA;
	_ =	strace $0x8000004E  }
0xb4: {  	_ =	swait.ge [sflag:s29], $0x1  }
0xb5: {  	[sflag:s29] =	ssyncadd.s32 $0xFFFFFFFF  }
0xb6: {  	_ =	strace $0x9000004E  }
0xb7: {  	_ =	sfence  }
0xb8: {  	s30 =	sld [smem:$0x0];
	_ =	sdelay $0x2  }
0xb9: {  	s31 =	sshll.u32 s1, $0xD;
	s1 =	sshrl.u32 s1, $0x2  }
0xba: {  	s3 =	sand.u32 $0x4000, s31;
	s1 =	sadd.s32 s1, s30  }
0xbb: {  	s0 =	sor.u32 s3, s0;
	s1 =	sshll.u32 s1, $0x11  }
0xbc: {  	s0 =	sor.u32 s1, s0  }
0xbd: {  	s0 =	sadd.s32 $0x8F2B, s0  }
0xbe: {  	[sflag:s0] =	ssyncadd.remote.s32 $0x1  }
0xbf: {  	_ =	sfence.sel $0xFFFF  }
0xc0: {  	[dreg:$0x0] =	wrdreg $0xFFFFFFFF;
	(pc) =	sbr.abs _section_cstart, $3  }
0xc1: {  	[dreg:$0x1] =	wrdreg $0xFFFFFFFF  }
0xc2: {  	_ =	task.clear_ibuf [dreg:s7], $0x2FFFF;
	_ =	strace $0x9FFFFFFF  }
0xc3: {  	(tm) =	ssettm $0x7FFFFFFF  }
tec
execute0_lowered:
.L_overlay_start_1:
0x0: {  	(tag) =	ssettag $0x1  }
0x1: {  	s6 =	rddreg [dreg:$0x0]  }
0x2: {  	s0 =	srdreg.scid;
	s7 =	rddreg [dreg:$0x1]  }
0x3: {  	s2 =	rddreg [dreg:$0x2];
	s1 =	stileid.u32;
	s3 =	simm.s32 $0x0  }
0x4: {  	s20 =	simm.s32 $0x9000;
	s21 =	simm.s32 $0x2;
	s22 =	simm.s32 $0x2780  }
0x5: {  	s23 =	simm.s32 $0x4F00;
	s5 =	sand.u32 $0x1, s0;
	s0 =	rddreg [dreg:$0x3]  }
0x6: {  	s26 =	simm.s32 $0x0;
	[smem:$0x7FF] =	sst s3;
	s12 =	smul.u32 $0x4C000, s1  }
0x7: {  	p0 =	seq.s32 s1, $0xF;
	s17 =	sadd.s32 $0x125000, s2;
	s18 =	sadd.s32 $0x129000, s2  }
0x8: {  	s19 =	sadd.s32 $0x12D000, s2;
	s25 =	smul.u32 $0x2600, s1;
	s31 =	sshll.u32 s1, $0x6  }
0x9: {  	s4 =	sshll.u32 s5, $0x4;
	_ =	strace $0x8000004D;
	s9 =	smul.u32 $0x26000, s5  }
0xa: {  	s11 =	ssub.s32 $0x2, s5;
	s5 =	sadd.s32 $0x145600, s6;
	s4 =	sor.u32 s1, s4  }
0xb: {  	s29 =	sshrl.u32 s11, $0x1;
	s30 =	sshrl.u32 s12, $0x2;
	s8 =	smul.u32 $0x500, s4  }
0xc: {  	s4 =	sadd.s32 $0xCE00, s6;
	s9 =	sadd.s32 s9, s6;
	s12 =	sadd.s32 s30, s2  }
0xd: {  	s11 =	ssub.s32 s11, s29;
	s13 =	sadd.s32 $0x4000, s12;
	s14 =	sadd.s32 $0x8000, s12  }
0xe: {  	s15 =	sadd.s32 $0xC000, s12;
	s16 =	sadd.s32 $0x10000, s12;
	s24 =	sadd.s32 $0x145E00, s9  }
0xf: {  	s9 =	simm.s32 $0x3;
	s10 =	sadd.s32 s8, s6;
	s6 =	sadd.s32 s7, s8  }
0x10: {  	s8 =	sadd.s32 $0x11D000, s2;
	s14 =	smov.u32 @p0 s17;
	s15 =	smov.u32 @p0 s18  }
0x11: {  	s16 =	smov.u32 @p0 s19;
	s17 =	simm.s32 $0x7D;
	s18 =	simm.s32 $0x5000  }
0x12: {  	s19 =	simm.s32 $0x1;
	s24 =	sadd.s32 s25, s24;
	s25 =	simm.s32 $0x4F80  }
0x13: {  	s7 =	sadd.s32 $0x2E00, s10;
	s10 =	sadd.s32 $0x121000, s2;
	s12 =	smov.u32 @p0 s8  }
0x14: {  	s8 =	smax.u32 s11, $0x1;
	s11 =	sor.u32 $0x1C03, s31;
	s14 =	sshrl.u32 s14, $0x3  }
0x15: {  	s15 =	sshrl.u32 s15, $0x3;
	s16 =	sshrl.u32 s16, $0x3;
	s13 =	smov.u32 @p0 s10  }
0x16: {  	s10 =	simm.s32 $0x2800;
	s12 =	sshrl.u32 s12, $0x3;
	s13 =	sshrl.u32 s13, $0x3  }
.LBB2_1:
0x17: {  	[tilespmem:s3], [sflag:$0x3] =	stream.linear.gather [hbm4b:s6+s3], $0x2800, $0x38;
	v63 =	vld [tilespmem:$0x0]  }
0x18: {  	_ =	swait.ge [sflag:s9], $0x2800  }
0x19: {  	[sflag:s9] =	ssyncset.done $0x0  }
0x1a: {  	[sflag:s9] =	ssyncadd.s32 $0xFFFFD800  }
0x1b: {  	[tilespmem:s10], [sflag:$0x3] =	stream.linear.gather [hbm4b:s7+s3], $0x2800, $0x38;
	v63 =	vld [tilespmem:$0x0]  }
0x1c: {  	_ =	swait.ge [sflag:s9], $0x2800  }
0x1d: {  	[sflag:s9] =	ssyncset.done $0x0  }
0x1e: {  	[sflag:s9] =	ssyncadd.s32 $0xFFFFD800  }
0x1f: {  	[spmem:s12], [sflag:s11] =	dma.local [hbm:s5], $0x800  }
0x20: {  	_ =	swait.ge [sflag:s9], $0x800  }
0x21: {  	[sflag:s9] =	ssyncset.done $0x0  }
0x22: {  	[sflag:s9] =	ssyncadd.s32 $0xFFFFF800  }
0x23: {  	[spmem:s13], [sflag:s11] =	dma.local [hbm:s5], $0x800  }
0x24: {  	_ =	swait.ge [sflag:s9], $0x800  }
0x25: {  	[sflag:s9] =	ssyncset.done $0x0  }
0x26: {  	[sflag:s9] =	ssyncadd.s32 $0xFFFFF800  }
0x27: {  	[spmem:s14], [sflag:s11] =	dma.local [hbm:s5], $0x800  }
0x28: {  	_ =	swait.ge [sflag:s9], $0x800  }
0x29: {  	[sflag:s9] =	ssyncset.done $0x0  }
0x2a: {  	[sflag:s9] =	ssyncadd.s32 $0xFFFFF800  }
0x2b: {  	[spmem:s15], [sflag:s11] =	dma.local [hbm:s5], $0x800  }
0x2c: {  	_ =	swait.ge [sflag:s9], $0x800  }
0x2d: {  	[sflag:s9] =	ssyncset.done $0x0  }
0x2e: {  	[sflag:s9] =	ssyncadd.s32 $0xFFFFF800  }
0x2f: {  	[spmem:s16], [sflag:s11] =	dma.local [hbm:s5], $0x600  }
0x30: {  	_ =	swait.ge [sflag:s9], $0x600  }
0x31: {  	[sflag:s9] =	ssyncset.done $0x0  }
0x32: {  	[sflag:s9] =	ssyncadd.s32 $0xFFFFFA00  }
0x33: {  	[bflag:$0x0] =	sbarrier.arrive $0xFFFF  }
0x34: {  	[tilespmem:s18], [sflag:$0x1] =	stream.indirect.gather [hbm4b:s4+s17], $0x80, s3, s17, $0xb8;
	v63 =	vld [tilespmem:$0x0]  }
0x35: {  	_ =	swait.ge [sflag:s19], $0x3E80  }
0x36: {  	[sflag:s19] =	ssyncset.done $0x0  }
0x37: {  	s28 =	simm.s32 $0x80;
	[sflag:s19] =	ssyncadd.s32 $0xFFFFC180  }
0x38: {  	[tilespmem:s20], [sflag:$0x2] =	stream.indirect.gather [hbm4b:s4+s17], $0x80, s28, s17, $0xb8;
	v63 =	vld [tilespmem:$0x0]  }
0x39: {  	s28 =	simm.s32 $0x2800  }
0x3a: {  	[spmem:s2] =	stream.indirect.scatter.add.f32 [tilespmem:s18], [sflag:$0x3], $0x80, s28, s17, $0xb8;
	v63 =	vld [tilespmem:$0x0]  }
0x3b: {  	_ =	swait.ge [sflag:s9], $0x3E80  }
0x3c: {  	[sflag:s9] =	ssyncset.done $0x0  }
0x3d: {  	[sflag:s9] =	ssyncadd.s32 $0xFFFFC180  }
0x3e: {  	_ =	swait.ge [sflag:s21], $0x3E80  }
0x3f: {  	[sflag:s21] =	ssyncset.done $0x0  }
0x40: {  	s28 =	simm.s32 $0x100;
	[sflag:s21] =	ssyncadd.s32 $0xFFFFC180  }
0x41: {  	[tilespmem:s18], [sflag:$0x1] =	stream.indirect.gather [hbm4b:s4+s17], $0x80, s28, s17, $0xb8;
	v63 =	vld [tilespmem:$0x0]  }
0x42: {  	s28 =	simm.s32 $0x2880  }
0x43: {  	[spmem:s2] =	stream.indirect.scatter.add.f32 [tilespmem:s20], [sflag:$0x3], $0x80, s28, s17, $0xb8;
	v63 =	vld [tilespmem:$0x0]  }
0x44: {  	_ =	swait.ge [sflag:s9], $0x3E80  }
0x45: {  	s28 =	simm.s32 $0x400;
	[sflag:s9] =	ssyncset.done $0x0  }
.LBB2_2:
0x46: {  	p0 =	sne.s32 s28, $0x9800  }
0x47: {  	[sflag:s9] =	ssyncadd.s32 $0xFFFFC180;
	s29 =	smov.u32 s28;
	s28 =	sadd.s32 $0x400, s28  }
0x48: {  	_ = 	snop  }
0x49: {  	_ =	swait.ge [sflag:s19], $0x3E80  }
0x4a: {  	s29 =	sshra.s32 s29, $0x2;
	[sflag:s19] =	ssyncset.done $0x0  }
0x4b: {  	s30 =	sadd.s32 $0x80, s29;
	[sflag:s19] =	ssyncadd.s32 $0xFFFFC180  }
0x4c: {  	[tilespmem:s20], [sflag:$0x2] =	stream.indirect.gather [hbm4b:s4+s17], $0x80, s30, s17, $0xb8;
	v63 =	vld [tilespmem:$0x0]  }
0x4d: {  	s30 =	sadd.s32 $0x2800, s29  }
0x4e: {  	[spmem:s2] =	stream.indirect.scatter.add.f32 [tilespmem:s18], [sflag:$0x3], $0x80, s30, s17, $0xb8;
	v63 =	vld [tilespmem:$0x0]  }
0x4f: {  	_ =	swait.ge [sflag:s9], $0x3E80  }
0x50: {  	[sflag:s9] =	ssyncset.done $0x0  }
0x51: {  	[sflag:s9] =	ssyncadd.s32 $0xFFFFC180  }
0x52: {  	_ =	swait.ge [sflag:s21], $0x3E80  }
0x53: {  	[sflag:s21] =	ssyncset.done $0x0  }
0x54: {  	s30 =	sadd.s32 $0x100, s29;
	[sflag:s21] =	ssyncadd.s32 $0xFFFFC180  }
0x55: {  	[tilespmem:s18], [sflag:$0x1] =	stream.indirect.gather [hbm4b:s4+s17], $0x80, s30, s17, $0xb8;
	v63 =	vld [tilespmem:$0x0]  }
.Ltmp0:
0x56: {  	_ = 	snop;
	(pc) =	sbr.rel @p0 .LBB2_2-.Ltmp0, $4  }
0x57: {  	s29 =	sadd.s32 $0x2880, s29  }
0x58: {  	[spmem:s2] =	stream.indirect.scatter.add.f32 [tilespmem:s20], [sflag:$0x3], $0x80, s29, s17, $0xb8;
	v63 =	vld [tilespmem:$0x0]  }
0x59: {  	_ =	swait.ge [sflag:s9], $0x3E80  }
0x5a: {  	[sflag:s9] =	ssyncset.done $0x0  }
0x5b: {  	[sflag:s9] =	ssyncadd.s32 $0xFFFFC180  }
0x5c: {  	_ =	swait.ge [sflag:s19], $0x3E80  }
0x5d: {  	[sflag:s19] =	ssyncset.done $0x0  }
0x5e: {  	[sflag:s19] =	ssyncadd.s32 $0xFFFFC180  }
0x5f: {  	[tilespmem:s20], [sflag:$0x2] =	stream.indirect.gather [hbm4b:s4+s17], $0x80, s22, s17, $0xb8;
	v63 =	vld [tilespmem:$0x0]  }
0x60: {  	_ = 	snop  }
0x61: {  	[spmem:s2] =	stream.indirect.scatter.add.f32 [tilespmem:s18], [sflag:$0x3], $0x80, s23, s17, $0xb8;
	v63 =	vld [tilespmem:$0x0]  }
0x62: {  	_ =	swait.ge [sflag:s9], $0x3E80  }
0x63: {  	[sflag:s9] =	ssyncset.done $0x0  }
0x64: {  	[sflag:s9] =	ssyncadd.s32 $0xFFFFC180  }
0x65: {  	_ =	swait.ge [sflag:s21], $0x3E80  }
0x66: {  	[sflag:s21] =	ssyncset.done $0x0  }
0x67: {  	[sflag:s21] =	ssyncadd.s32 $0xFFFFC180  }
0x68: {  	[spmem:s2] =	stream.indirect.scatter.add.f32 [tilespmem:s20], [sflag:$0x3], $0x80, s25, s17, $0xb8;
	v63 =	vld [tilespmem:$0x0]  }
0x69: {  	_ =	swait.ge [sflag:s9], $0x3E80  }
0x6a: {  	s26 =	sadd.s32 $0x1, s26;
	[sflag:s9] =	ssyncset.done $0x0  }
0x6b: {  	p0 =	sne.s32 s26, s8;
	[sflag:s9] =	ssyncadd.s32 $0xFFFFC180  }
.Ltmp1:
0x6c: {  	[bflag:$0x0] =	sbarrier.arrive $0xFFFF;
	(pc) =	sbr.rel @p0 .LBB2_1-.Ltmp1, $4  }
0x6d: {  	[hbm:s24], [sflag:s11] =	dma.local [spmem:s12], $0x2600  }
0x6e: {  	_ =	swait.ge [sflag:s9], $0x2600  }
0x6f: {  	[sflag:s9] =	ssyncset.done $0x0  }
0x70: {  	[sflag:s9] =	ssyncadd.s32 $0xFFFFDA00  }
0x71: {  	_ =	sfence.sel $0x180000  }
0x72: {  	[bflag:$0x0] =	sbarrier.arrive $0xFFFF  }
0x73: {  	p0 =	sne.s32 s1, $0x0;
	_ =	strace $0x9000004D  }
0x74: {  	s0 =	sadd.s32 @!p0 $0x100000, s0;
	[bflag:$0x2] =	sbarrier.arrive $0xFFFF  }
0x75: {  	[sflag:s0] =	ssyncadd.tile.s32 @!p0 $0x1;
	_ =	shalt  }
.Lfunc_end2:
_tile_overlayer_lowered:
.L_overlay_start_2:
0x76: {  	(tag) =	ssettag $0x2  }
0x77: {  	s0 =	rddreg [dreg:$0x0];
	s2 =	stileid.u32  }
0x78: {  	s1 =	rddreg [dreg:$0x1];
	p0 =	sne.s32 s2, $0x0  }
0x79: {  	s3 =	rddreg [dreg:$0x2];
	[bflag:$0x3] =	sbarrier.arrive $0xFFFF;
	s2 =	simm.s32 @!p0 $0x1C03  }
0x7a: {  	[timem:s3], [sflag:s2] =	dma.local @!p0 [hbm:s0], s1  }
0x7b: {  	s0 =	simm.s32 @!p0 $0x3  }
0x7c: {  	_ =	swait.ge @!p0 [sflag:s0], s1  }
0x7d: {  	s1 =	ssub.s32 @!p0 $0x0, s1;
	[sflag:s0] =	ssyncset.done @!p0 $0x0  }
0x7e: {  	[sflag:s0] =	ssyncadd.s32 @!p0 s1  }
0x7f: {  	[bflag:$0x3] =	sbarrier.arrive $0xFFFF  }
0x80: {  	_ =	shalt  }

</sc_bundles>
